<compile_context>
chip_gen: v7x
topology: tpu7x:2x2x1
jax: 0.10.2.dev20260603
libtpu: 0.0.44.dev20260713+nightly
codegen_flags: <defaults>
</compile_context>

<pallas_src>
import functools

import jax
import jax.numpy as jnp
from jax import lax
from jax.experimental import pallas as pl
from jax.experimental.pallas import tpu as pltpu
from jax.experimental.pallas import tpu_sc as plsc

N = 10000
IN = 128
OUT = 128
H = 64
K = 16
NB = 8

NPAD = 10240
RB = 512
NT = NPAD // RB
CW = 256
NCH = NPAD // CW
BIG = 1e30

E = N * K
EPAD = NPAD * K
BPW = EPAD // 32
GCH = 128
NGC = BPW // GCH
NBUF = 5

CB = 400
CT = N // CB
EPS = 1e-5


def _premlp_body(x_ref, w1_ref, b1_ref, g1_ref, bb1_ref, w2_ref, b2_ref,
                 g2_ref, bb2_ref, w3_ref, b3_ref, g3_ref, bb3_ref,
                 wu_ref, wb_ref, be1_ref, h_ref, u_ref, v_ref):
  def layer(z, g, bb):
    m = jnp.mean(z, axis=0, keepdims=True)
    v = jnp.mean(z * z, axis=0, keepdims=True) - m * m
    return jnp.maximum(g * (z - m) * lax.rsqrt(v + EPS) + bb, 0.0)

  h = layer(jnp.dot(x_ref[...], w1_ref[...],
                    preferred_element_type=jnp.float32) + b1_ref[...],
            g1_ref[...], bb1_ref[...])
  h = layer(jnp.dot(h, w2_ref[...],
                    preferred_element_type=jnp.float32) + b2_ref[...],
            g2_ref[...], bb2_ref[...])
  h = layer(jnp.dot(h, w3_ref[...],
                    preferred_element_type=jnp.float32) + b3_ref[...],
            g3_ref[...], bb3_ref[...])
  h_ref[...] = h
  u_ref[...] = jnp.dot(h, wu_ref[...],
                       preferred_element_type=jnp.float32) + be1_ref[...]
  v_ref[...] = jnp.dot(h, wb_ref[...], preferred_element_type=jnp.float32)


def _premlp(x, W1, b1, g1, bb1, W2, b2, g2, bb2, W3, b3, g3, bb3, WU, WB,
            be1):
  vec = lambda a: a.reshape(1, -1)
  return pl.pallas_call(
      _premlp_body,
      out_shape=(jax.ShapeDtypeStruct((N, H), jnp.float32),
                 jax.ShapeDtypeStruct((N, OUT), jnp.float32),
                 jax.ShapeDtypeStruct((N, OUT), jnp.float32)),
  )(x, W1, vec(b1), vec(g1), vec(bb1), W2, vec(b2), vec(g2), vec(bb2),
    W3, vec(b3), vec(g3), vec(bb3), WU, WB, vec(be1))


def _top2(d, ids, npadf):
  m1 = jnp.min(d, axis=1, keepdims=True)
  a1 = jnp.min(jnp.where(d == m1, ids, npadf), axis=1, keepdims=True)
  d2 = jnp.where(ids == a1, BIG, d)
  m2 = jnp.min(d2, axis=1, keepdims=True)
  a2 = jnp.min(jnp.where(d2 == m2, ids, npadf), axis=1, keepdims=True)
  return m1, a1, m2, a2


def _merge2(carry, top):
  bv1, bi1, bv2, bi2 = carry
  m1, a1, m2, a2 = top
  take1 = m1 < bv1
  n1v = jnp.where(take1, m1, bv1)
  n1i = jnp.where(take1, a1, bi1)
  altv = jnp.where(take1, bv1, m1)
  alti = jnp.where(take1, bi1, a1)
  othv = jnp.where(take1, m2, bv2)
  othi = jnp.where(take1, a2, bi2)
  n2v = jnp.minimum(altv, othv)
  n2i = jnp.where(altv <= othv, alti, othi)
  return n1v, n1i, n2v, n2i


def _extract2(d, ids, npadf, carry):
  return _merge2(carry, _top2(d, ids, npadf))


def _knn_body(hr_ref, ht_ref, brow_ref, bcol_ref, lo_ref, hi_ref,
              idx_ref, dbuf_ref):
  t = pl.program_id(0)
  c0 = lo_ref[t] // CW
  c1 = (hi_ref[t] + CW - 1) // CW
  hr = hr_ref[...]
  sqr = jnp.sum(hr * hr, axis=1, keepdims=True)
  br = brow_ref[...]
  lane = lax.broadcasted_iota(jnp.int32, (1, CW), 1).astype(jnp.float32)
  npadf = jnp.float32(NPAD)

  def carry0():
    bv0 = jnp.full((RB, 1), 3e38, jnp.float32)
    bi0 = jnp.zeros((RB, 1), jnp.float32)
    return (bv0, bi0, bv0, bi0)

  def fill(c, carry):
    sl = pl.ds(c * CW, CW)
    hc = ht_ref[:, sl]
    bc = bcol_ref[:, sl]
    dot = lax.dot_general(hr, hc, (((1,), (0,)), ((), ())),
                          preferred_element_type=jnp.float32)
    sqc = jnp.sum(hc * hc, axis=0, keepdims=True)
    d = jnp.where(br == bc, sqr + sqc - 2.0 * dot, BIG)
    dbuf_ref[:, sl] = d
    ids = lane + lax.convert_element_type(c * CW, jnp.float32)
    return _extract2(d, ids, npadf, carry)

  res = lax.fori_loop(c0, c1, fill, carry0())
  picks = [res[1], res[3]]
  for s in range(K // 2 - 1):
    prev1, prev2 = picks[-2], picks[-1]
    last = s == K // 2 - 2

    def scan(c, carry, prev1=prev1, prev2=prev2, last=last):
      sl = pl.ds(c * CW, CW)
      ids = lane + lax.convert_element_type(c * CW, jnp.float32)
      d = dbuf_ref[:, sl]
      d = jnp.where((ids == prev1) | (ids == prev2), BIG, d)
      if not last:
        dbuf_ref[:, sl] = d
      return _extract2(d, ids, npadf, carry)

    res = lax.fori_loop(c0, c1, scan, carry0())
    picks.extend([res[1], res[3]])
  idx_ref[...] = jnp.concatenate(picks, axis=1).astype(jnp.int32)


def _knn(h_pad, ht_pad, brow, bcol, tile_lo, tile_hi):
  return pl.pallas_call(
      _knn_body,
      grid=(NT,),
      in_specs=[
          pl.BlockSpec((RB, H), lambda i: (i, 0)),
          pl.BlockSpec((H, NPAD), lambda i: (0, 0)),
          pl.BlockSpec((RB, 1), lambda i: (i, 0)),
          pl.BlockSpec((1, NPAD), lambda i: (0, 0)),
          pl.BlockSpec(memory_space=pltpu.SMEM),
          pl.BlockSpec(memory_space=pltpu.SMEM),
      ],
      out_specs=pl.BlockSpec((RB, K), lambda i: (i, 0)),
      out_shape=jax.ShapeDtypeStruct((NPAD, K), jnp.int32),
      scratch_shapes=[pltpu.VMEM((RB, NPAD), jnp.float32)],
  )(h_pad, ht_pad, brow, bcol, tile_lo, tile_hi)


def _gather_rows(v, idx_flat):
  mesh = plsc.VectorSubcoreMesh(core_axis_name="c", subcore_axis_name="s")

  @functools.partial(
      pl.kernel, mesh=mesh,
      out_type=jax.ShapeDtypeStruct((EPAD, OUT), jnp.float32),
      scratch_types=[pltpu.VMEM((BPW,), jnp.int32)]
                    + [pltpu.VMEM((GCH, OUT), jnp.float32)] * NBUF
                    + [pltpu.SemaphoreType.DMA] * (2 * NBUF),
  )
  def gk(v_hbm, idx_hbm, out_hbm, idx_v,
         r0, r1, r2, r3, r4, g0, g1, g2, g3, g4, s0, s1, s2, s3, s4):
    bufs = (r0, r1, r2, r3, r4)
    gsems = (g0, g1, g2, g3, g4)
    ssems = (s0, s1, s2, s3, s4)
    wid = lax.axis_index("s") * 2 + lax.axis_index("c")
    base = wid * BPW
    pltpu.sync_copy(idx_hbm.at[pl.ds(base, BPW)], idx_v)

    def rnd(g, _):
      for b in range(NBUF):
        j = g * NBUF + b

        @pl.when(g > 0)
        def _():
          pltpu.make_async_copy(bufs[b], out_hbm.at[pl.ds(base, GCH)],
                                ssems[b]).wait()
        pltpu.async_copy(v_hbm.at[idx_v.at[pl.ds(j * GCH, GCH)]],
                         bufs[b], gsems[b])
      for b in range(NBUF):
        j = g * NBUF + b
        pltpu.make_async_copy(v_hbm.at[idx_v.at[pl.ds(0, GCH)]],
                              bufs[b], gsems[b]).wait()
        pltpu.async_copy(bufs[b], out_hbm.at[pl.ds(base + j * GCH, GCH)],
                         ssems[b])
      return 0

    lax.fori_loop(0, NGC // NBUF, rnd, 0)
    for b in range(NBUF):
      pltpu.make_async_copy(bufs[b], out_hbm.at[pl.ds(base, GCH)],
                            ssems[b]).wait()

  return gk(v, idx_flat)


def _estats_body(vg_ref, u_ref, st_ref):
  u = u_ref[...]
  s = jnp.zeros((1, OUT), jnp.float32)
  s2 = jnp.zeros((1, OUT), jnp.float32)
  for k in range(K):
    p = vg_ref[k] + u
    s = s + jnp.sum(p, axis=0, keepdims=True)
    s2 = s2 + jnp.sum(p * p, axis=0, keepdims=True)
  rows = jnp.concatenate([s, s2, jnp.zeros((6, OUT), jnp.float32)], axis=0)
  st_ref[...] = jnp.where(pl.program_id(0) == 0, rows, st_ref[...] + rows)


def _estats(vg3, u):
  return pl.pallas_call(
      _estats_body,
      grid=(CT,),
      in_specs=[
          pl.BlockSpec((K, CB, OUT), lambda i: (0, i, 0)),
          pl.BlockSpec((CB, OUT), lambda i: (i, 0)),
      ],
      out_specs=pl.BlockSpec((8, OUT), lambda i: (0, 0)),
      out_shape=jax.ShapeDtypeStruct((8, OUT), jnp.float32),
  )(vg3, u)


def _edge_body(vg_ref, u_ref, w2_ref, be2_ref, ge_ref, bbe_ref,
               st1_ref, m_ref, st2_ref):
  ne = float(E)
  mean = st1_ref[0:1, :] / ne
  var = st1_ref[1:2, :] / ne - mean * mean
  a = ge_ref[...] * lax.rsqrt(var + EPS)
  c = bbe_ref[...] - mean * a
  u = u_ref[...]
  macc = jnp.full((CB, OUT), -3e38, jnp.float32)
  for k in range(K):
    p = vg_ref[k] + u
    e = jnp.maximum(a * p + c, 0.0)
    e2 = jnp.dot(e, w2_ref[...], preferred_element_type=jnp.float32)
    macc = jnp.maximum(macc, e2)
  m = macc + be2_ref[...]
  m_ref[...] = m
  s = jnp.sum(m, axis=0, keepdims=True)
  s2 = jnp.sum(m * m, axis=0, keepdims=True)
  rows = jnp.concatenate([s, s2, jnp.zeros((6, OUT), jnp.float32)], axis=0)
  st2_ref[...] = jnp.where(pl.program_id(0) == 0, rows, st2_ref[...] + rows)


def _edge(vg3, u, We2, be2, ge, bbe, st1):
  vec = lambda a: a.reshape(1, -1)
  return pl.pallas_call(
      _edge_body,
      grid=(CT,),
      in_specs=[
          pl.BlockSpec((K, CB, OUT), lambda i: (0, i, 0)),
          pl.BlockSpec((CB, OUT), lambda i: (i, 0)),
          pl.BlockSpec((OUT, OUT), lambda i: (0, 0)),
          pl.BlockSpec((1, OUT), lambda i: (0, 0)),
          pl.BlockSpec((1, OUT), lambda i: (0, 0)),
          pl.BlockSpec((1, OUT), lambda i: (0, 0)),
          pl.BlockSpec((8, OUT), lambda i: (0, 0)),
      ],
      out_specs=(pl.BlockSpec((CB, OUT), lambda i: (i, 0)),
                 pl.BlockSpec((8, OUT), lambda i: (0, 0))),
      out_shape=(jax.ShapeDtypeStruct((N, OUT), jnp.float32),
                 jax.ShapeDtypeStruct((8, OUT), jnp.float32)),
  )(vg3, u, We2, vec(be2), vec(ge), vec(bbe), st1)


def _final_body(m_ref, st_ref, gp_ref, bbp_ref, o_ref):
  nn = float(N)
  mean = st_ref[0:1, :] / nn
  var = st_ref[1:2, :] / nn - mean * mean
  a = gp_ref[...] * lax.rsqrt(var + EPS)
  c = bbp_ref[...] - mean * a
  o_ref[...] = jnp.maximum(a * m_ref[...] + c, 0.0)


def _final(m, st2, gp, bbp):
  vec = lambda a: a.reshape(1, -1)
  return pl.pallas_call(
      _final_body,
      grid=(CT,),
      in_specs=[
          pl.BlockSpec((CB, OUT), lambda i: (i, 0)),
          pl.BlockSpec((8, OUT), lambda i: (0, 0)),
          pl.BlockSpec((1, OUT), lambda i: (0, 0)),
          pl.BlockSpec((1, OUT), lambda i: (0, 0)),
      ],
      out_specs=pl.BlockSpec((CB, OUT), lambda i: (i, 0)),
      out_shape=jax.ShapeDtypeStruct((N, OUT), jnp.float32),
  )(m, st2, vec(gp), vec(bbp))


def kernel(x, batch, W1, b1, g1, bb1, W2, b2, g2, bb2, W3, b3, g3, bb3,
           We1, be1, ge, bbe, We2, be2, gp, bbp):
  WA = We1[:H]
  WB = We1[H:]
  WU = WA - WB

  h, U, V = _premlp(x, W1, b1, g1, bb1, W2, b2, g2, bb2, W3, b3, g3, bb3,
                    WU, WB, be1)

  batch = batch.astype(jnp.int32)
  seg_start = jnp.searchsorted(batch, jnp.arange(NB, dtype=jnp.int32),
                               side="left").astype(jnp.int32)
  seg_end = jnp.searchsorted(batch, jnp.arange(NB, dtype=jnp.int32),
                             side="right").astype(jnp.int32)
  row_lo = seg_start[batch]
  row_hi = seg_end[batch]
  pad = NPAD - N
  row_lo = jnp.concatenate([row_lo, jnp.full((pad,), 2**30, jnp.int32)])
  row_hi = jnp.concatenate([row_hi, jnp.zeros((pad,), jnp.int32)])
  tile_lo = jnp.min(row_lo.reshape(NT, RB), axis=1)
  tile_hi = jnp.max(row_hi.reshape(NT, RB), axis=1)

  bf = batch.astype(jnp.float32)
  bf = jnp.concatenate([bf, jnp.full((pad,), -1.0, jnp.float32)])
  h_pad = jnp.concatenate([h, jnp.zeros((pad, H), jnp.float32)])

  idx = _knn(h_pad, h_pad.T, bf.reshape(NPAD, 1), bf.reshape(1, NPAD),
             tile_lo, tile_hi)

  idx_flat = idx.T.reshape(-1)

  vg = _gather_rows(V, idx_flat)
  vg3 = vg.reshape(K, NPAD, OUT)

  st1 = _estats(vg3, U)
  m, st2 = _edge(vg3, U, We2, be2, ge, bbe, st1)
  return _final(m, st2, gp, bbp)

# --- scband reference (transcript-rebuilt; emitter-appended) ---
"""Pipeline reference for scband-grav-net-block-87067577025412 (READ-ONLY COPY).

The authoritative reference and input builder live on the scoring server;
editing this copy changes nothing except your own understanding.
"""

import jax, jax.numpy as jnp
import numpy as np

N = 10000
IN = 128
OUT = 128
H = 64
K = 16
NB = 8


def _bn(h, g, b):
    m = jnp.mean(h, axis=0)
    v = jnp.var(h, axis=0)
    return g * (h - m) / jnp.sqrt(v + 1e-5) + b


def setup_inputs(seed: int = 0) -> dict:
    key = jax.random.key(seed)
    ks = jax.random.split(key, 24)

    def lin(k, fan_in, fan_out):
        bound = 1.0 / np.sqrt(fan_in)
        k1, k2 = jax.random.split(k)
        W = jax.random.uniform(k1, (fan_in, fan_out), jnp.float32, -bound, bound)
        b = jax.random.uniform(k2, (fan_out,), jnp.float32, -bound, bound)
        return W, b

    inp = {}
    inp['x'] = jax.random.normal(ks[0], (N, IN), jnp.float32)
    inp['batch'] = jnp.sort(jax.random.randint(ks[1], (N,), 0, NB)).astype(jnp.int32)
    inp['W1'], inp['b1'] = lin(ks[2], IN, H)
    inp['g1'] = jnp.ones((H,), jnp.float32); inp['bb1'] = jnp.zeros((H,), jnp.float32)
    inp['W2'], inp['b2'] = lin(ks[3], H, H)
    inp['g2'] = jnp.ones((H,), jnp.float32); inp['bb2'] = jnp.zeros((H,), jnp.float32)
    inp['W3'], inp['b3'] = lin(ks[4], H, H)
    inp['g3'] = jnp.ones((H,), jnp.float32); inp['bb3'] = jnp.zeros((H,), jnp.float32)
    inp['We1'], inp['be1'] = lin(ks[5], 2 * H, OUT)
    inp['ge'] = jnp.ones((OUT,), jnp.float32); inp['bbe'] = jnp.zeros((OUT,), jnp.float32)
    inp['We2'], inp['be2'] = lin(ks[6], OUT, OUT)
    inp['gp'] = jnp.ones((OUT,), jnp.float32); inp['bbp'] = jnp.zeros((OUT,), jnp.float32)
    return inp


def reference(x, batch, W1, b1, g1, bb1, W2, b2, g2, bb2, W3, b3, g3, bb3,
              We1, be1, ge, bbe, We2, be2, gp, bbp):
    # pre_layers: 3x (Linear -> BatchNorm1d(train) -> ReLU)
    h = jax.nn.relu(_bn(x @ W1 + b1, g1, bb1))
    h = jax.nn.relu(_bn(h @ W2 + b2, g2, bb2))
    h = jax.nn.relu(_bn(h @ W3 + b3, g3, bb3))
    # DynamicEdgeConv: per-batch kNN in latent space (self included, as torch_cluster.knn with x==y)
    sq = jnp.sum(h * h, axis=1)
    d = sq[:, None] + sq[None, :] - 2.0 * (h @ h.T)
    d = jnp.where(batch[:, None] == batch[None, :], d, jnp.inf)
    idx = jax.lax.top_k(-d, K)[1]
    idx = jax.lax.stop_gradient(idx)
    xj = h[idx]                                   # [N, K, H] gather
    xi = jnp.broadcast_to(h[:, None, :], xj.shape)
    e = jnp.concatenate([xi, xj - xi], axis=-1).reshape(N * K, 2 * H)
    # edge nn: Linear -> BatchNorm1d -> ReLU -> Linear, then max aggregation
    e = jax.nn.relu(_bn(e @ We1 + be1, ge, bbe))
    e = e @ We2 + be2
    m = jnp.max(e.reshape(N, K, OUT), axis=1)
    # post_layers: BatchNorm1d -> ReLU
    out = jax.nn.relu(_bn(m, gp, bbp))
    return out

if __name__ == "__main__":
    import jax
    _d = setup_inputs()
    print(jax.jit(kernel)(*tuple(_d.values())))

</pallas_src>

<mosaic_0001>
#map = affine_map<(d0, d1) -> (0, 0)>
#map1 = affine_map<(d0, d1) -> (0)>
module attributes {stable_mosaic.version = 14 : i64} {
  func.func @gk(%arg0: i32, %arg1: i32, %arg2: memref<10000x128xf32, #tpu.memory_space<hbm>>, %arg3: memref<163840xi32, #tpu.memory_space<hbm>>, %arg4: memref<163840x128xf32, #tpu.memory_space<hbm>>, %arg5: memref<5120xi32, #tpu.memory_space<vmem>>, %arg6: memref<128x128xf32, #tpu.memory_space<vmem>>, %arg7: memref<128x128xf32, #tpu.memory_space<vmem>>, %arg8: memref<128x128xf32, #tpu.memory_space<vmem>>, %arg9: memref<128x128xf32, #tpu.memory_space<vmem>>, %arg10: memref<128x128xf32, #tpu.memory_space<vmem>>, %arg11: memref<!tpu.dma_semaphore, #tpu.memory_space<semaphore_mem>>, %arg12: memref<!tpu.dma_semaphore, #tpu.memory_space<semaphore_mem>>, %arg13: memref<!tpu.dma_semaphore, #tpu.memory_space<semaphore_mem>>, %arg14: memref<!tpu.dma_semaphore, #tpu.memory_space<semaphore_mem>>, %arg15: memref<!tpu.dma_semaphore, #tpu.memory_space<semaphore_mem>>, %arg16: memref<!tpu.dma_semaphore, #tpu.memory_space<semaphore_mem>>, %arg17: memref<!tpu.dma_semaphore, #tpu.memory_space<semaphore_mem>>, %arg18: memref<!tpu.dma_semaphore, #tpu.memory_space<semaphore_mem>>, %arg19: memref<!tpu.dma_semaphore, #tpu.memory_space<semaphore_mem>>, %arg20: memref<!tpu.dma_semaphore, #tpu.memory_space<semaphore_mem>>) attributes {dimension_semantics = [#tpu.dimension_semantics<core_parallel>, #tpu.dimension_semantics<subcore_parallel>], iteration_bounds = array<i64: 2, 16>, scalar_prefetch = 0 : i64, scratch_operands = 16 : i64, tpu.core_type = #tpu.core_type<sc_vector_subcore>, window_params = [{transform_indices = #map}, {transform_indices = #map1}, {transform_indices = #map}]} {
    %mul3A = arith.constant 2 : i32
    %mul3A_0 = arith.muli %arg1, %mul3A : i32
    %add3A = arith.addi %mul3A_0, %arg0 : i32
    %mul3A_1 = arith.constant 5120 : i32
    %mul3A_2 = arith.muli %add3A, %mul3A_1 : i32
    "tpu.region"() ({
      %run_scoped3A = tpu.sem_alloc : memref<!tpu.dma_semaphore, #tpu.memory_space<semaphore_mem>>
      %dma_start3A = tpu.memref_slice %arg3[%mul3A_2] : memref<163840xi32, #tpu.memory_space<hbm>> -> memref<5120xi32, #tpu.memory_space<hbm>>
      %dma_start3A_28 = tpu.memref_slice %arg3[%mul3A_2] : memref<163840xi32, #tpu.memory_space<hbm>> -> memref<5120xi32, #tpu.memory_space<hbm>>
      tpu.enqueue_dma source(%dma_start3A_28 : memref<5120xi32, #tpu.memory_space<hbm>>) target(%arg5 : memref<5120xi32, #tpu.memory_space<vmem>>) target_semaphore(%run_scoped3A : memref<!tpu.dma_semaphore, #tpu.memory_space<semaphore_mem>>)
      %dma_wait3A_29 = tpu.memref_slice %arg3[%mul3A_2] : memref<163840xi32, #tpu.memory_space<hbm>> -> memref<5120xi32, #tpu.memory_space<hbm>>
      %dma_wait3A_30 = tpu.memref_slice %arg3[%mul3A_2] : memref<163840xi32, #tpu.memory_space<hbm>> -> memref<5120xi32, #tpu.memory_space<hbm>>
      tpu.wait_dma2 semaphore(%run_scoped3A : memref<!tpu.dma_semaphore, #tpu.memory_space<semaphore_mem>>) src(%dma_wait3A_30 : memref<5120xi32, #tpu.memory_space<hbm>>) dst(%arg5 : memref<5120xi32, #tpu.memory_space<vmem>>)
      tpu.yield
    }) : () -> ()
    %scan3A = arith.constant 0 : i32
    %scan3A_3 = arith.constant 0 : i32
    %scan3A_4 = arith.constant 8 : i32
    %scan3A_5 = arith.addi %scan3A_3, %scan3A_4 : i32
    %scan3A_6 = arith.constant 1 : i32
    %scan3A_7 = scf.for %scan3A_28 = %scan3A_3 to %scan3A_5 step %scan3A_6 iter_args(%scan3A_29 = %scan3A) -> (i32)  : i32 {
      %mul3A_30 = arith.constant 5 : i32
      %mul3A_31 = arith.muli %scan3A_28, %mul3A_30 : i32
      %add3A_32 = arith.constant 0 : i32
      %add3A_33 = arith.addi %mul3A_31, %add3A_32 : i32
      %gt3A = arith.constant 0 : i32
      %gt3A_34 = arith.cmpi sgt, %scan3A_28, %gt3A : i32
      %convert_element_type3A = arith.extui %gt3A_34 : i1 to i32
      %cond3A = arith.constant 0 : i32
      %cond3A_35 = arith.cmpi ne, %convert_element_type3A, %cond3A : i32
      scf.if %cond3A_35 {
        %dma_wait3A_182 = arith.constant 0 : i32
        %dma_wait3A_183 = tpu.memref_slice %arg4[%mul3A_2, %dma_wait3A_182] : memref<163840x128xf32, #tpu.memory_space<hbm>> -> memref<128x128xf32, #tpu.memory_space<hbm>>
        %dma_wait3A_184 = arith.constant 0 : i32
        %dma_wait3A_185 = tpu.memref_slice %arg4[%mul3A_2, %dma_wait3A_184] : memref<163840x128xf32, #tpu.memory_space<hbm>> -> memref<128x128xf32, #tpu.memory_space<hbm>>
        tpu.wait_dma2 semaphore(%arg16 : memref<!tpu.dma_semaphore, #tpu.memory_space<semaphore_mem>>) src(%arg6 : memref<128x128xf32, #tpu.memory_space<vmem>>) dst(%dma_wait3A_185 : memref<128x128xf32, #tpu.memory_space<hbm>>)
      } else {
      }
      %mul3A_36 = arith.constant 128 : i32
      %mul3A_37 = arith.muli %add3A_33, %mul3A_36 : i32
      %dma_start3A = tpu.memref_slice %arg5[%mul3A_37] : memref<5120xi32, #tpu.memory_space<vmem>> -> memref<128xi32, #tpu.memory_space<vmem>>
      %dma_start3A_38 = arith.constant 0 : i32
      %dma_start3A_39 = arith.constant 0 : i32
      %dma_start3A_40 = tpu.memref_slice %arg2[%dma_start3A_38, %dma_start3A_39] : memref<10000x128xf32, #tpu.memory_space<hbm>> -> memref<10000x128xf32, #tpu.memory_space<hbm>>
      tpu.enqueue_indirect_dma source(%dma_start3A_40 : memref<10000x128xf32, #tpu.memory_space<hbm>>) target(%arg6 : memref<128x128xf32, #tpu.memory_space<vmem>>) offsets(%dma_start3A : memref<128xi32, #tpu.memory_space<vmem>>) semaphore(%arg11 : memref<!tpu.dma_semaphore, #tpu.memory_space<semaphore_mem>>)
      %mul3A_41 = arith.constant 5 : i32
      %mul3A_42 = arith.muli %scan3A_28, %mul3A_41 : i32
      %add3A_43 = arith.constant 1 : i32
      %add3A_44 = arith.addi %mul3A_42, %add3A_43 : i32
      %gt3A_45 = arith.constant 0 : i32
      %gt3A_46 = arith.cmpi sgt, %scan3A_28, %gt3A_45 : i32
      %convert_element_type3A_47 = arith.extui %gt3A_46 : i1 to i32
      %cond3A_48 = arith.constant 0 : i32
      %cond3A_49 = arith.cmpi ne, %convert_element_type3A_47, %cond3A_48 : i32
      scf.if %cond3A_49 {
        %dma_wait3A_182 = arith.constant 0 : i32
        %dma_wait3A_183 = tpu.memref_slice %arg4[%mul3A_2, %dma_wait3A_182] : memref<163840x128xf32, #tpu.memory_space<hbm>> -> memref<128x128xf32, #tpu.memory_space<hbm>>
        %dma_wait3A_184 = arith.constant 0 : i32
        %dma_wait3A_185 = tpu.memref_slice %arg4[%mul3A_2, %dma_wait3A_184] : memref<163840x128xf32, #tpu.memory_space<hbm>> -> memref<128x128xf32, #tpu.memory_space<hbm>>
        tpu.wait_dma2 semaphore(%arg17 : memref<!tpu.dma_semaphore, #tpu.memory_space<semaphore_mem>>) src(%arg7 : memref<128x128xf32, #tpu.memory_space<vmem>>) dst(%dma_wait3A_185 : memref<128x128xf32, #tpu.memory_space<hbm>>)
      } else {
      }
      %mul3A_50 = arith.constant 128 : i32
      %mul3A_51 = arith.muli %add3A_44, %mul3A_50 : i32
      %dma_start3A_52 = tpu.memref_slice %arg5[%mul3A_51] : memref<5120xi32, #tpu.memory_space<vmem>> -> memref<128xi32, #tpu.memory_space<vmem>>
      %dma_start3A_53 = arith.constant 0 : i32
      %dma_start3A_54 = arith.constant 0 : i32
      %dma_start3A_55 = tpu.memref_slice %arg2[%dma_start3A_53, %dma_start3A_54] : memref<10000x128xf32, #tpu.memory_space<hbm>> -> memref<10000x128xf32, #tpu.memory_space<hbm>>
      tpu.enqueue_indirect_dma source(%dma_start3A_55 : memref<10000x128xf32, #tpu.memory_space<hbm>>) target(%arg7 : memref<128x128xf32, #tpu.memory_space<vmem>>) offsets(%dma_start3A_52 : memref<128xi32, #tpu.memory_space<vmem>>) semaphore(%arg12 : memref<!tpu.dma_semaphore, #tpu.memory_space<semaphore_mem>>)
      %mul3A_56 = arith.constant 5 : i32
      %mul3A_57 = arith.muli %scan3A_28, %mul3A_56 : i32
      %add3A_58 = arith.constant 2 : i32
      %add3A_59 = arith.addi %mul3A_57, %add3A_58 : i32
      %gt3A_60 = arith.constant 0 : i32
      %gt3A_61 = arith.cmpi sgt, %scan3A_28, %gt3A_60 : i32
      %convert_element_type3A_62 = arith.extui %gt3A_61 : i1 to i32
      %cond3A_63 = arith.constant 0 : i32
      %cond3A_64 = arith.cmpi ne, %convert_element_type3A_62, %cond3A_63 : i32
      scf.if %cond3A_64 {
        %dma_wait3A_182 = arith.constant 0 : i32
        %dma_wait3A_183 = tpu.memref_slice %arg4[%mul3A_2, %dma_wait3A_182] : memref<163840x128xf32, #tpu.memory_space<hbm>> -> memref<128x128xf32, #tpu.memory_space<hbm>>
        %dma_wait3A_184 = arith.constant 0 : i32
        %dma_wait3A_185 = tpu.memref_slice %arg4[%mul3A_2, %dma_wait3A_184] : memref<163840x128xf32, #tpu.memory_space<hbm>> -> memref<128x128xf32, #tpu.memory_space<hbm>>
        tpu.wait_dma2 semaphore(%arg18 : memref<!tpu.dma_semaphore, #tpu.memory_space<semaphore_mem>>) src(%arg8 : memref<128x128xf32, #tpu.memory_space<vmem>>) dst(%dma_wait3A_185 : memref<128x128xf32, #tpu.memory_space<hbm>>)
      } else {
      }
      %mul3A_65 = arith.constant 128 : i32
      %mul3A_66 = arith.muli %add3A_59, %mul3A_65 : i32
      %dma_start3A_67 = tpu.memref_slice %arg5[%mul3A_66] : memref<5120xi32, #tpu.memory_space<vmem>> -> memref<128xi32, #tpu.memory_space<vmem>>
      %dma_start3A_68 = arith.constant 0 : i32
      %dma_start3A_69 = arith.constant 0 : i32
      %dma_start3A_70 = tpu.memref_slice %arg2[%dma_start3A_68, %dma_start3A_69] : memref<10000x128xf32, #tpu.memory_space<hbm>> -> memref<10000x128xf32, #tpu.memory_space<hbm>>
      tpu.enqueue_indirect_dma source(%dma_start3A_70 : memref<10000x128xf32, #tpu.memory_space<hbm>>) target(%arg8 : memref<128x128xf32, #tpu.memory_space<vmem>>) offsets(%dma_start3A_67 : memref<128xi32, #tpu.memory_space<vmem>>) semaphore(%arg13 : memref<!tpu.dma_semaphore, #tpu.memory_space<semaphore_mem>>)
      %mul3A_71 = arith.constant 5 : i32
      %mul3A_72 = arith.muli %scan3A_28, %mul3A_71 : i32
      %add3A_73 = arith.constant 3 : i32
      %add3A_74 = arith.addi %mul3A_72, %add3A_73 : i32
      %gt3A_75 = arith.constant 0 : i32
      %gt3A_76 = arith.cmpi sgt, %scan3A_28, %gt3A_75 : i32
      %convert_element_type3A_77 = arith.extui %gt3A_76 : i1 to i32
      %cond3A_78 = arith.constant 0 : i32
      %cond3A_79 = arith.cmpi ne, %convert_element_type3A_77, %cond3A_78 : i32
      scf.if %cond3A_79 {
        %dma_wait3A_182 = arith.constant 0 : i32
        %dma_wait3A_183 = tpu.memref_slice %arg4[%mul3A_2, %dma_wait3A_182] : memref<163840x128xf32, #tpu.memory_space<hbm>> -> memref<128x128xf32, #tpu.memory_space<hbm>>
        %dma_wait3A_184 = arith.constant 0 : i32
        %dma_wait3A_185 = tpu.memref_slice %arg4[%mul3A_2, %dma_wait3A_184] : memref<163840x128xf32, #tpu.memory_space<hbm>> -> memref<128x128xf32, #tpu.memory_space<hbm>>
        tpu.wait_dma2 semaphore(%arg19 : memref<!tpu.dma_semaphore, #tpu.memory_space<semaphore_mem>>) src(%arg9 : memref<128x128xf32, #tpu.memory_space<vmem>>) dst(%dma_wait3A_185 : memref<128x128xf32, #tpu.memory_space<hbm>>)
      } else {
      }
      %mul3A_80 = arith.constant 128 : i32
      %mul3A_81 = arith.muli %add3A_74, %mul3A_80 : i32
      %dma_start3A_82 = tpu.memref_slice %arg5[%mul3A_81] : memref<5120xi32, #tpu.memory_space<vmem>> -> memref<128xi32, #tpu.memory_space<vmem>>
      %dma_start3A_83 = arith.constant 0 : i32
      %dma_start3A_84 = arith.constant 0 : i32
      %dma_start3A_85 = tpu.memref_slice %arg2[%dma_start3A_83, %dma_start3A_84] : memref<10000x128xf32, #tpu.memory_space<hbm>> -> memref<10000x128xf32, #tpu.memory_space<hbm>>
      tpu.enqueue_indirect_dma source(%dma_start3A_85 : memref<10000x128xf32, #tpu.memory_space<hbm>>) target(%arg9 : memref<128x128xf32, #tpu.memory_space<vmem>>) offsets(%dma_start3A_82 : memref<128xi32, #tpu.memory_space<vmem>>) semaphore(%arg14 : memref<!tpu.dma_semaphore, #tpu.memory_space<semaphore_mem>>)
      %mul3A_86 = arith.constant 5 : i32
      %mul3A_87 = arith.muli %scan3A_28, %mul3A_86 : i32
      %add3A_88 = arith.constant 4 : i32
      %add3A_89 = arith.addi %mul3A_87, %add3A_88 : i32
      %gt3A_90 = arith.constant 0 : i32
      %gt3A_91 = arith.cmpi sgt, %scan3A_28, %gt3A_90 : i32
      %convert_element_type3A_92 = arith.extui %gt3A_91 : i1 to i32
      %cond3A_93 = arith.constant 0 : i32
      %cond3A_94 = arith.cmpi ne, %convert_element_type3A_92, %cond3A_93 : i32
      scf.if %cond3A_94 {
        %dma_wait3A_182 = arith.constant 0 : i32
        %dma_wait3A_183 = tpu.memref_slice %arg4[%mul3A_2, %dma_wait3A_182] : memref<163840x128xf32, #tpu.memory_space<hbm>> -> memref<128x128xf32, #tpu.memory_space<hbm>>
        %dma_wait3A_184 = arith.constant 0 : i32
        %dma_wait3A_185 = tpu.memref_slice %arg4[%mul3A_2, %dma_wait3A_184] : memref<163840x128xf32, #tpu.memory_space<hbm>> -> memref<128x128xf32, #tpu.memory_space<hbm>>
        tpu.wait_dma2 semaphore(%arg20 : memref<!tpu.dma_semaphore, #tpu.memory_space<semaphore_mem>>) src(%arg10 : memref<128x128xf32, #tpu.memory_space<vmem>>) dst(%dma_wait3A_185 : memref<128x128xf32, #tpu.memory_space<hbm>>)
      } else {
      }
      %mul3A_95 = arith.constant 128 : i32
      %mul3A_96 = arith.muli %add3A_89, %mul3A_95 : i32
      %dma_start3A_97 = tpu.memref_slice %arg5[%mul3A_96] : memref<5120xi32, #tpu.memory_space<vmem>> -> memref<128xi32, #tpu.memory_space<vmem>>
      %dma_start3A_98 = arith.constant 0 : i32
      %dma_start3A_99 = arith.constant 0 : i32
      %dma_start3A_100 = tpu.memref_slice %arg2[%dma_start3A_98, %dma_start3A_99] : memref<10000x128xf32, #tpu.memory_space<hbm>> -> memref<10000x128xf32, #tpu.memory_space<hbm>>
      tpu.enqueue_indirect_dma source(%dma_start3A_100 : memref<10000x128xf32, #tpu.memory_space<hbm>>) target(%arg10 : memref<128x128xf32, #tpu.memory_space<vmem>>) offsets(%dma_start3A_97 : memref<128xi32, #tpu.memory_space<vmem>>) semaphore(%arg15 : memref<!tpu.dma_semaphore, #tpu.memory_space<semaphore_mem>>)
      %mul3A_101 = arith.constant 5 : i32
      %mul3A_102 = arith.muli %scan3A_28, %mul3A_101 : i32
      %add3A_103 = arith.constant 0 : i32
      %add3A_104 = arith.addi %mul3A_102, %add3A_103 : i32
      %dma_wait3A_105 = arith.constant 0 : i32
      %dma_wait3A_106 = tpu.memref_slice %arg5[%dma_wait3A_105] : memref<5120xi32, #tpu.memory_space<vmem>> -> memref<128xi32, #tpu.memory_space<vmem>>
      %dma_wait3A_107 = arith.constant 0 : i32
      %dma_wait3A_108 = arith.constant 0 : i32
      %dma_wait3A_109 = tpu.memref_slice %arg2[%dma_wait3A_107, %dma_wait3A_108] : memref<10000x128xf32, #tpu.memory_space<hbm>> -> memref<10000x128xf32, #tpu.memory_space<hbm>>
      tpu.wait_indirect_dma semaphore(%arg11 : memref<!tpu.dma_semaphore, #tpu.memory_space<semaphore_mem>>) src(%dma_wait3A_109 : memref<10000x128xf32, #tpu.memory_space<hbm>>) dst(%arg6 : memref<128x128xf32, #tpu.memory_space<vmem>>)
      %mul3A_110 = arith.constant 128 : i32
      %mul3A_111 = arith.muli %add3A_104, %mul3A_110 : i32
      %add3A_112 = arith.addi %mul3A_2, %mul3A_111 : i32
      %dma_start3A_113 = arith.constant 0 : i32
      %dma_start3A_114 = tpu.memref_slice %arg4[%add3A_112, %dma_start3A_113] : memref<163840x128xf32, #tpu.memory_space<hbm>> -> memref<128x128xf32, #tpu.memory_space<hbm>>
      %dma_start3A_115 = arith.constant 0 : i32
      %dma_start3A_116 = tpu.memref_slice %arg4[%add3A_112, %dma_start3A_115] : memref<163840x128xf32, #tpu.memory_space<hbm>> -> memref<128x128xf32, #tpu.memory_space<hbm>>
      tpu.enqueue_dma source(%arg6 : memref<128x128xf32, #tpu.memory_space<vmem>>) target(%dma_start3A_116 : memref<128x128xf32, #tpu.memory_space<hbm>>) target_semaphore(%arg16 : memref<!tpu.dma_semaphore, #tpu.memory_space<semaphore_mem>>)
      %mul3A_117 = arith.constant 5 : i32
      %mul3A_118 = arith.muli %scan3A_28, %mul3A_117 : i32
      %add3A_119 = arith.constant 1 : i32
      %add3A_120 = arith.addi %mul3A_118, %add3A_119 : i32
      %dma_wait3A_121 = arith.constant 0 : i32
      %dma_wait3A_122 = tpu.memref_slice %arg5[%dma_wait3A_121] : memref<5120xi32, #tpu.memory_space<vmem>> -> memref<128xi32, #tpu.memory_space<vmem>>
      %dma_wait3A_123 = arith.constant 0 : i32
      %dma_wait3A_124 = arith.constant 0 : i32
      %dma_wait3A_125 = tpu.memref_slice %arg2[%dma_wait3A_123, %dma_wait3A_124] : memref<10000x128xf32, #tpu.memory_space<hbm>> -> memref<10000x128xf32, #tpu.memory_space<hbm>>
      tpu.wait_indirect_dma semaphore(%arg12 : memref<!tpu.dma_semaphore, #tpu.memory_space<semaphore_mem>>) src(%dma_wait3A_125 : memref<10000x128xf32, #tpu.memory_space<hbm>>) dst(%arg7 : memref<128x128xf32, #tpu.memory_space<vmem>>)
      %mul3A_126 = arith.constant 128 : i32
      %mul3A_127 = arith.muli %add3A_120, %mul3A_126 : i32
      %add3A_128 = arith.addi %mul3A_2, %mul3A_127 : i32
      %dma_start3A_129 = arith.constant 0 : i32
      %dma_start3A_130 = tpu.memref_slice %arg4[%add3A_128, %dma_start3A_129] : memref<163840x128xf32, #tpu.memory_space<hbm>> -> memref<128x128xf32, #tpu.memory_space<hbm>>
      %dma_start3A_131 = arith.constant 0 : i32
      %dma_start3A_132 = tpu.memref_slice %arg4[%add3A_128, %dma_start3A_131] : memref<163840x128xf32, #tpu.memory_space<hbm>> -> memref<128x128xf32, #tpu.memory_space<hbm>>
      tpu.enqueue_dma source(%arg7 : memref<128x128xf32, #tpu.memory_space<vmem>>) target(%dma_start3A_132 : memref<128x128xf32, #tpu.memory_space<hbm>>) target_semaphore(%arg17 : memref<!tpu.dma_semaphore, #tpu.memory_space<semaphore_mem>>)
      %mul3A_133 = arith.constant 5 : i32
      %mul3A_134 = arith.muli %scan3A_28, %mul3A_133 : i32
      %add3A_135 = arith.constant 2 : i32
      %add3A_136 = arith.addi %mul3A_134, %add3A_135 : i32
      %dma_wait3A_137 = arith.constant 0 : i32
      %dma_wait3A_138 = tpu.memref_slice %arg5[%dma_wait3A_137] : memref<5120xi32, #tpu.memory_space<vmem>> -> memref<128xi32, #tpu.memory_space<vmem>>
      %dma_wait3A_139 = arith.constant 0 : i32
      %dma_wait3A_140 = arith.constant 0 : i32
      %dma_wait3A_141 = tpu.memref_slice %arg2[%dma_wait3A_139, %dma_wait3A_140] : memref<10000x128xf32, #tpu.memory_space<hbm>> -> memref<10000x128xf32, #tpu.memory_space<hbm>>
      tpu.wait_indirect_dma semaphore(%arg13 : memref<!tpu.dma_semaphore, #tpu.memory_space<semaphore_mem>>) src(%dma_wait3A_141 : memref<10000x128xf32, #tpu.memory_space<hbm>>) dst(%arg8 : memref<128x128xf32, #tpu.memory_space<vmem>>)
      %mul3A_142 = arith.constant 128 : i32
      %mul3A_143 = arith.muli %add3A_136, %mul3A_142 : i32
      %add3A_144 = arith.addi %mul3A_2, %mul3A_143 : i32
      %dma_start3A_145 = arith.constant 0 : i32
      %dma_start3A_146 = tpu.memref_slice %arg4[%add3A_144, %dma_start3A_145] : memref<163840x128xf32, #tpu.memory_space<hbm>> -> memref<128x128xf32, #tpu.memory_space<hbm>>
      %dma_start3A_147 = arith.constant 0 : i32
      %dma_start3A_148 = tpu.memref_slice %arg4[%add3A_144, %dma_start3A_147] : memref<163840x128xf32, #tpu.memory_space<hbm>> -> memref<128x128xf32, #tpu.memory_space<hbm>>
      tpu.enqueue_dma source(%arg8 : memref<128x128xf32, #tpu.memory_space<vmem>>) target(%dma_start3A_148 : memref<128x128xf32, #tpu.memory_space<hbm>>) target_semaphore(%arg18 : memref<!tpu.dma_semaphore, #tpu.memory_space<semaphore_mem>>)
      %mul3A_149 = arith.constant 5 : i32
      %mul3A_150 = arith.muli %scan3A_28, %mul3A_149 : i32
      %add3A_151 = arith.constant 3 : i32
      %add3A_152 = arith.addi %mul3A_150, %add3A_151 : i32
      %dma_wait3A_153 = arith.constant 0 : i32
      %dma_wait3A_154 = tpu.memref_slice %arg5[%dma_wait3A_153] : memref<5120xi32, #tpu.memory_space<vmem>> -> memref<128xi32, #tpu.memory_space<vmem>>
      %dma_wait3A_155 = arith.constant 0 : i32
      %dma_wait3A_156 = arith.constant 0 : i32
      %dma_wait3A_157 = tpu.memref_slice %arg2[%dma_wait3A_155, %dma_wait3A_156] : memref<10000x128xf32, #tpu.memory_space<hbm>> -> memref<10000x128xf32, #tpu.memory_space<hbm>>
      tpu.wait_indirect_dma semaphore(%arg14 : memref<!tpu.dma_semaphore, #tpu.memory_space<semaphore_mem>>) src(%dma_wait3A_157 : memref<10000x128xf32, #tpu.memory_space<hbm>>) dst(%arg9 : memref<128x128xf32, #tpu.memory_space<vmem>>)
      %mul3A_158 = arith.constant 128 : i32
      %mul3A_159 = arith.muli %add3A_152, %mul3A_158 : i32
      %add3A_160 = arith.addi %mul3A_2, %mul3A_159 : i32
      %dma_start3A_161 = arith.constant 0 : i32
      %dma_start3A_162 = tpu.memref_slice %arg4[%add3A_160, %dma_start3A_161] : memref<163840x128xf32, #tpu.memory_space<hbm>> -> memref<128x128xf32, #tpu.memory_space<hbm>>
      %dma_start3A_163 = arith.constant 0 : i32
      %dma_start3A_164 = tpu.memref_slice %arg4[%add3A_160, %dma_start3A_163] : memref<163840x128xf32, #tpu.memory_space<hbm>> -> memref<128x128xf32, #tpu.memory_space<hbm>>
      tpu.enqueue_dma source(%arg9 : memref<128x128xf32, #tpu.memory_space<vmem>>) target(%dma_start3A_164 : memref<128x128xf32, #tpu.memory_space<hbm>>) target_semaphore(%arg19 : memref<!tpu.dma_semaphore, #tpu.memory_space<semaphore_mem>>)
      %mul3A_165 = arith.constant 5 : i32
      %mul3A_166 = arith.muli %scan3A_28, %mul3A_165 : i32
      %add3A_167 = arith.constant 4 : i32
      %add3A_168 = arith.addi %mul3A_166, %add3A_167 : i32
      %dma_wait3A_169 = arith.constant 0 : i32
      %dma_wait3A_170 = tpu.memref_slice %arg5[%dma_wait3A_169] : memref<5120xi32, #tpu.memory_space<vmem>> -> memref<128xi32, #tpu.memory_space<vmem>>
      %dma_wait3A_171 = arith.constant 0 : i32
      %dma_wait3A_172 = arith.constant 0 : i32
      %dma_wait3A_173 = tpu.memref_slice %arg2[%dma_wait3A_171, %dma_wait3A_172] : memref<10000x128xf32, #tpu.memory_space<hbm>> -> memref<10000x128xf32, #tpu.memory_space<hbm>>
      tpu.wait_indirect_dma semaphore(%arg15 : memref<!tpu.dma_semaphore, #tpu.memory_space<semaphore_mem>>) src(%dma_wait3A_173 : memref<10000x128xf32, #tpu.memory_space<hbm>>) dst(%arg10 : memref<128x128xf32, #tpu.memory_space<vmem>>)
      %mul3A_174 = arith.constant 128 : i32
      %mul3A_175 = arith.muli %add3A_168, %mul3A_174 : i32
      %add3A_176 = arith.addi %mul3A_2, %mul3A_175 : i32
      %dma_start3A_177 = arith.constant 0 : i32
      %dma_start3A_178 = tpu.memref_slice %arg4[%add3A_176, %dma_start3A_177] : memref<163840x128xf32, #tpu.memory_space<hbm>> -> memref<128x128xf32, #tpu.memory_space<hbm>>
      %dma_start3A_179 = arith.constant 0 : i32
      %dma_start3A_180 = tpu.memref_slice %arg4[%add3A_176, %dma_start3A_179] : memref<163840x128xf32, #tpu.memory_space<hbm>> -> memref<128x128xf32, #tpu.memory_space<hbm>>
      tpu.enqueue_dma source(%arg10 : memref<128x128xf32, #tpu.memory_space<vmem>>) target(%dma_start3A_180 : memref<128x128xf32, #tpu.memory_space<hbm>>) target_semaphore(%arg20 : memref<!tpu.dma_semaphore, #tpu.memory_space<semaphore_mem>>)
      %scan3A_181 = arith.constant 0 : i32
      scf.yield %scan3A_181 : i32
    }
    %scan3A_8 = arith.constant 8 : i32
    %dma_wait3A = arith.constant 0 : i32
    %dma_wait3A_9 = tpu.memref_slice %arg4[%mul3A_2, %dma_wait3A] : memref<163840x128xf32, #tpu.memory_space<hbm>> -> memref<128x128xf32, #tpu.memory_space<hbm>>
    %dma_wait3A_10 = arith.constant 0 : i32
    %dma_wait3A_11 = tpu.memref_slice %arg4[%mul3A_2, %dma_wait3A_10] : memref<163840x128xf32, #tpu.memory_space<hbm>> -> memref<128x128xf32, #tpu.memory_space<hbm>>
    tpu.wait_dma2 semaphore(%arg16 : memref<!tpu.dma_semaphore, #tpu.memory_space<semaphore_mem>>) src(%arg6 : memref<128x128xf32, #tpu.memory_space<vmem>>) dst(%dma_wait3A_11 : memref<128x128xf32, #tpu.memory_space<hbm>>)
    %dma_wait3A_12 = arith.constant 0 : i32
    %dma_wait3A_13 = tpu.memref_slice %arg4[%mul3A_2, %dma_wait3A_12] : memref<163840x128xf32, #tpu.memory_space<hbm>> -> memref<128x128xf32, #tpu.memory_space<hbm>>
    %dma_wait3A_14 = arith.constant 0 : i32
    %dma_wait3A_15 = tpu.memref_slice %arg4[%mul3A_2, %dma_wait3A_14] : memref<163840x128xf32, #tpu.memory_space<hbm>> -> memref<128x128xf32, #tpu.memory_space<hbm>>
    tpu.wait_dma2 semaphore(%arg17 : memref<!tpu.dma_semaphore, #tpu.memory_space<semaphore_mem>>) src(%arg7 : memref<128x128xf32, #tpu.memory_space<vmem>>) dst(%dma_wait3A_15 : memref<128x128xf32, #tpu.memory_space<hbm>>)
    %dma_wait3A_16 = arith.constant 0 : i32
    %dma_wait3A_17 = tpu.memref_slice %arg4[%mul3A_2, %dma_wait3A_16] : memref<163840x128xf32, #tpu.memory_space<hbm>> -> memref<128x128xf32, #tpu.memory_space<hbm>>
    %dma_wait3A_18 = arith.constant 0 : i32
    %dma_wait3A_19 = tpu.memref_slice %arg4[%mul3A_2, %dma_wait3A_18] : memref<163840x128xf32, #tpu.memory_space<hbm>> -> memref<128x128xf32, #tpu.memory_space<hbm>>
    tpu.wait_dma2 semaphore(%arg18 : memref<!tpu.dma_semaphore, #tpu.memory_space<semaphore_mem>>) src(%arg8 : memref<128x128xf32, #tpu.memory_space<vmem>>) dst(%dma_wait3A_19 : memref<128x128xf32, #tpu.memory_space<hbm>>)
    %dma_wait3A_20 = arith.constant 0 : i32
    %dma_wait3A_21 = tpu.memref_slice %arg4[%mul3A_2, %dma_wait3A_20] : memref<163840x128xf32, #tpu.memory_space<hbm>> -> memref<128x128xf32, #tpu.memory_space<hbm>>
    %dma_wait3A_22 = arith.constant 0 : i32
    %dma_wait3A_23 = tpu.memref_slice %arg4[%mul3A_2, %dma_wait3A_22] : memref<163840x128xf32, #tpu.memory_space<hbm>> -> memref<128x128xf32, #tpu.memory_space<hbm>>
    tpu.wait_dma2 semaphore(%arg19 : memref<!tpu.dma_semaphore, #tpu.memory_space<semaphore_mem>>) src(%arg9 : memref<128x128xf32, #tpu.memory_space<vmem>>) dst(%dma_wait3A_23 : memref<128x128xf32, #tpu.memory_space<hbm>>)
    %dma_wait3A_24 = arith.constant 0 : i32
    %dma_wait3A_25 = tpu.memref_slice %arg4[%mul3A_2, %dma_wait3A_24] : memref<163840x128xf32, #tpu.memory_space<hbm>> -> memref<128x128xf32, #tpu.memory_space<hbm>>
    %dma_wait3A_26 = arith.constant 0 : i32
    %dma_wait3A_27 = tpu.memref_slice %arg4[%mul3A_2, %dma_wait3A_26] : memref<163840x128xf32, #tpu.memory_space<hbm>> -> memref<128x128xf32, #tpu.memory_space<hbm>>
    tpu.wait_dma2 semaphore(%arg20 : memref<!tpu.dma_semaphore, #tpu.memory_space<semaphore_mem>>) src(%arg10 : memref<128x128xf32, #tpu.memory_space<vmem>>) dst(%dma_wait3A_27 : memref<128x128xf32, #tpu.memory_space<hbm>>)
    return
  }
}

module attributes {stable_mosaic.version = 14 : i64} {
  func.func @_premlp_body(%arg0: memref<10000x128xf32, #tpu.memory_space<vmem>>, %arg1: memref<128x64xf32, #tpu.memory_space<vmem>>, %arg2: memref<1x64xf32, #tpu.memory_space<vmem>>, %arg3: memref<1x64xf32, #tpu.memory_space<vmem>>, %arg4: memref<1x64xf32, #tpu.memory_space<vmem>>, %arg5: memref<64x64xf32, #tpu.memory_space<vmem>>, %arg6: memref<1x64xf32, #tpu.memory_space<vmem>>, %arg7: memref<1x64xf32, #tpu.memory_space<vmem>>, %arg8: memref<1x64xf32, #tpu.memory_space<vmem>>, %arg9: memref<64x64xf32, #tpu.memory_space<vmem>>, %arg10: memref<1x64xf32, #tpu.memory_space<vmem>>, %arg11: memref<1x64xf32, #tpu.memory_space<vmem>>, %arg12: memref<1x64xf32, #tpu.memory_space<vmem>>, %arg13: memref<64x128xf32, #tpu.memory_space<vmem>>, %arg14: memref<64x128xf32, #tpu.memory_space<vmem>>, %arg15: memref<1x128xf32, #tpu.memory_space<vmem>>, %arg16: memref<10000x64xf32, #tpu.memory_space<vmem>>, %arg17: memref<10000x128xf32, #tpu.memory_space<vmem>>, %arg18: memref<10000x128xf32, #tpu.memory_space<vmem>>) attributes {dimension_semantics = [], scalar_prefetch = 0 : i64, scratch_operands = 0 : i64, tpu.core_type = #tpu.core_type<tc>} {
    %get3A = arith.constant 0 : index
    %get3A_0 = arith.constant 0 : index
    %get3A_1 = vector.load %arg0[%get3A, %get3A_0] : memref<10000x128xf32, #tpu.memory_space<vmem>>, vector<10000x128xf32>
    %get3A_2 = arith.constant 0 : index
    %get3A_3 = arith.constant 0 : index
    %get3A_4 = vector.load %arg1[%get3A_2, %get3A_3] : memref<128x64xf32, #tpu.memory_space<vmem>>, vector<128x64xf32>
    %dot_general3A = arith.constant dense<0.000000e+00> : vector<10000x64xf32>
    %dot_general3A_5 = tpu.matmul %get3A_1, %get3A_4, %dot_general3A {dimension_numbers = #tpu.dot_dimension_numbers<[1], [0], [0], [1], [0, 0, 1, 1], [], []>, transpose_lhs_hint = false} : vector<10000x128xf32>, vector<128x64xf32>, vector<10000x64xf32> -> vector<10000x64xf32>
    %get3A_6 = arith.constant 0 : index
    %get3A_7 = arith.constant 0 : index
    %get3A_8 = vector.load %arg2[%get3A_6, %get3A_7] : memref<1x64xf32, #tpu.memory_space<vmem>>, vector<1x64xf32>
    %add3A = vector.broadcast %get3A_8 : vector<1x64xf32> to vector<10000x64xf32>
    %add3A_9 = arith.addf %dot_general3A_5, %add3A : vector<10000x64xf32>
    %get3A_10 = arith.constant 0 : index
    %get3A_11 = arith.constant 0 : index
    %get3A_12 = vector.load %arg3[%get3A_10, %get3A_11] : memref<1x64xf32, #tpu.memory_space<vmem>>, vector<1x64xf32>
    %get3A_13 = arith.constant 0 : index
    %get3A_14 = arith.constant 0 : index
    %get3A_15 = vector.load %arg4[%get3A_13, %get3A_14] : memref<1x64xf32, #tpu.memory_space<vmem>>, vector<1x64xf32>
    %reduce_sum3A = arith.constant dense<0.000000e+00> : vector<64xf32>
    %reduce_sum3A_16 = vector.multi_reduction <add>, %add3A_9, %reduce_sum3A [0] : vector<10000x64xf32> to vector<64xf32>
    %broadcast_in_dim3A = vector.shape_cast %reduce_sum3A_16 : vector<64xf32> to vector<1x64xf32>
    %div3A = arith.constant 1.000000e+04 : f32
    %div3A_17 = vector.broadcast %div3A : f32 to vector<1x64xf32>
    %div3A_18 = arith.divf %broadcast_in_dim3A, %div3A_17 : vector<1x64xf32>
    %mul3A = arith.mulf %add3A_9, %add3A_9 : vector<10000x64xf32>
    %reduce_sum3A_19 = arith.constant dense<0.000000e+00> : vector<64xf32>
    %reduce_sum3A_20 = vector.multi_reduction <add>, %mul3A, %reduce_sum3A_19 [0] : vector<10000x64xf32> to vector<64xf32>
    %broadcast_in_dim3A_21 = vector.shape_cast %reduce_sum3A_20 : vector<64xf32> to vector<1x64xf32>
    %div3A_22 = arith.constant 1.000000e+04 : f32
    %div3A_23 = vector.broadcast %div3A_22 : f32 to vector<1x64xf32>
    %div3A_24 = arith.divf %broadcast_in_dim3A_21, %div3A_23 : vector<1x64xf32>
    %mul3A_25 = arith.mulf %div3A_18, %div3A_18 : vector<1x64xf32>
    %sub3A = arith.subf %div3A_24, %mul3A_25 : vector<1x64xf32>
    %sub3A_26 = vector.broadcast %div3A_18 : vector<1x64xf32> to vector<10000x64xf32>
    %sub3A_27 = arith.subf %add3A_9, %sub3A_26 : vector<10000x64xf32>
    %mul3A_28 = vector.broadcast %get3A_12 : vector<1x64xf32> to vector<10000x64xf32>
    %mul3A_29 = arith.mulf %mul3A_28, %sub3A_27 : vector<10000x64xf32>
    %add3A_30 = arith.constant 9.99999974E-6 : f32
    %add3A_31 = vector.broadcast %add3A_30 : f32 to vector<1x64xf32>
    %add3A_32 = arith.addf %sub3A, %add3A_31 : vector<1x64xf32>
    %rsqrt3A = math.rsqrt %add3A_32 : vector<1x64xf32>
    %mul3A_33 = vector.broadcast %rsqrt3A : vector<1x64xf32> to vector<10000x64xf32>
    %mul3A_34 = arith.mulf %mul3A_29, %mul3A_33 : vector<10000x64xf32>
    %add3A_35 = vector.broadcast %get3A_15 : vector<1x64xf32> to vector<10000x64xf32>
    %add3A_36 = arith.addf %mul3A_34, %add3A_35 : vector<10000x64xf32>
    %max3A = arith.constant 0.000000e+00 : f32
    %max3A_37 = vector.broadcast %max3A : f32 to vector<10000x64xf32>
    %max3A_38 = arith.maximumf %add3A_36, %max3A_37 : vector<10000x64xf32>
    %get3A_39 = arith.constant 0 : index
    %get3A_40 = arith.constant 0 : index
    %get3A_41 = vector.load %arg5[%get3A_39, %get3A_40] : memref<64x64xf32, #tpu.memory_space<vmem>>, vector<64x64xf32>
    %dot_general3A_42 = arith.constant dense<0.000000e+00> : vector<10000x64xf32>
    %dot_general3A_43 = tpu.matmul %max3A_38, %get3A_41, %dot_general3A_42 {dimension_numbers = #tpu.dot_dimension_numbers<[1], [0], [0], [1], [0, 0, 1, 1], [], []>, transpose_lhs_hint = false} : vector<10000x64xf32>, vector<64x64xf32>, vector<10000x64xf32> -> vector<10000x64xf32>
    %get3A_44 = arith.constant 0 : index
    %get3A_45 = arith.constant 0 : index
    %get3A_46 = vector.load %arg6[%get3A_44, %get3A_45] : memref<1x64xf32, #tpu.memory_space<vmem>>, vector<1x64xf32>
    %add3A_47 = vector.broadcast %get3A_46 : vector<1x64xf32> to vector<10000x64xf32>
    %add3A_48 = arith.addf %dot_general3A_43, %add3A_47 : vector<10000x64xf32>
    %get3A_49 = arith.constant 0 : index
    %get3A_50 = arith.constant 0 : index
    %get3A_51 = vector.load %arg7[%get3A_49, %get3A_50] : memref<1x64xf32, #tpu.memory_space<vmem>>, vector<1x64xf32>
    %get3A_52 = arith.constant 0 : index
    %get3A_53 = arith.constant 0 : index
    %get3A_54 = vector.load %arg8[%get3A_52, %get3A_53] : memref<1x64xf32, #tpu.memory_space<vmem>>, vector<1x64xf32>
    %reduce_sum3A_55 = arith.constant dense<0.000000e+00> : vector<64xf32>
    %reduce_sum3A_56 = vector.multi_reduction <add>, %add3A_48, %reduce_sum3A_55 [0] : vector<10000x64xf32> to vector<64xf32>
    %broadcast_in_dim3A_57 = vector.shape_cast %reduce_sum3A_56 : vector<64xf32> to vector<1x64xf32>
    %div3A_58 = arith.constant 1.000000e+04 : f32
    %div3A_59 = vector.broadcast %div3A_58 : f32 to vector<1x64xf32>
    %div3A_60 = arith.divf %broadcast_in_dim3A_57, %div3A_59 : vector<1x64xf32>
    %mul3A_61 = arith.mulf %add3A_48, %add3A_48 : vector<10000x64xf32>
    %reduce_sum3A_62 = arith.constant dense<0.000000e+00> : vector<64xf32>
    %reduce_sum3A_63 = vector.multi_reduction <add>, %mul3A_61, %reduce_sum3A_62 [0] : vector<10000x64xf32> to vector<64xf32>
    %broadcast_in_dim3A_64 = vector.shape_cast %reduce_sum3A_63 : vector<64xf32> to vector<1x64xf32>
    %div3A_65 = arith.constant 1.000000e+04 : f32
    %div3A_66 = vector.broadcast %div3A_65 : f32 to vector<1x64xf32>
    %div3A_67 = arith.divf %broadcast_in_dim3A_64, %div3A_66 : vector<1x64xf32>
    %mul3A_68 = arith.mulf %div3A_60, %div3A_60 : vector<1x64xf32>
    %sub3A_69 = arith.subf %div3A_67, %mul3A_68 : vector<1x64xf32>
    %sub3A_70 = vector.broadcast %div3A_60 : vector<1x64xf32> to vector<10000x64xf32>
    %sub3A_71 = arith.subf %add3A_48, %sub3A_70 : vector<10000x64xf32>
    %mul3A_72 = vector.broadcast %get3A_51 : vector<1x64xf32> to vector<10000x64xf32>
    %mul3A_73 = arith.mulf %mul3A_72, %sub3A_71 : vector<10000x64xf32>
    %add3A_74 = arith.constant 9.99999974E-6 : f32
    %add3A_75 = vector.broadcast %add3A_74 : f32 to vector<1x64xf32>
    %add3A_76 = arith.addf %sub3A_69, %add3A_75 : vector<1x64xf32>
    %rsqrt3A_77 = math.rsqrt %add3A_76 : vector<1x64xf32>
    %mul3A_78 = vector.broadcast %rsqrt3A_77 : vector<1x64xf32> to vector<10000x64xf32>
    %mul3A_79 = arith.mulf %mul3A_73, %mul3A_78 : vector<10000x64xf32>
    %add3A_80 = vector.broadcast %get3A_54 : vector<1x64xf32> to vector<10000x64xf32>
    %add3A_81 = arith.addf %mul3A_79, %add3A_80 : vector<10000x64xf32>
    %max3A_82 = arith.constant 0.000000e+00 : f32
    %max3A_83 = vector.broadcast %max3A_82 : f32 to vector<10000x64xf32>
    %max3A_84 = arith.maximumf %add3A_81, %max3A_83 : vector<10000x64xf32>
    %get3A_85 = arith.constant 0 : index
    %get3A_86 = arith.constant 0 : index
    %get3A_87 = vector.load %arg9[%get3A_85, %get3A_86] : memref<64x64xf32, #tpu.memory_space<vmem>>, vector<64x64xf32>
    %dot_general3A_88 = arith.constant dense<0.000000e+00> : vector<10000x64xf32>
    %dot_general3A_89 = tpu.matmul %max3A_84, %get3A_87, %dot_general3A_88 {dimension_numbers = #tpu.dot_dimension_numbers<[1], [0], [0], [1], [0, 0, 1, 1], [], []>, transpose_lhs_hint = false} : vector<10000x64xf32>, vector<64x64xf32>, vector<10000x64xf32> -> vector<10000x64xf32>
    %get3A_90 = arith.constant 0 : index
    %get3A_91 = arith.constant 0 : index
    %get3A_92 = vector.load %arg10[%get3A_90, %get3A_91] : memref<1x64xf32, #tpu.memory_space<vmem>>, vector<1x64xf32>
    %add3A_93 = vector.broadcast %get3A_92 : vector<1x64xf32> to vector<10000x64xf32>
    %add3A_94 = arith.addf %dot_general3A_89, %add3A_93 : vector<10000x64xf32>
    %get3A_95 = arith.constant 0 : index
    %get3A_96 = arith.constant 0 : index
    %get3A_97 = vector.load %arg11[%get3A_95, %get3A_96] : memref<1x64xf32, #tpu.memory_space<vmem>>, vector<1x64xf32>
    %get3A_98 = arith.constant 0 : index
    %get3A_99 = arith.constant 0 : index
    %get3A_100 = vector.load %arg12[%get3A_98, %get3A_99] : memref<1x64xf32, #tpu.memory_space<vmem>>, vector<1x64xf32>
    %reduce_sum3A_101 = arith.constant dense<0.000000e+00> : vector<64xf32>
    %reduce_sum3A_102 = vector.multi_reduction <add>, %add3A_94, %reduce_sum3A_101 [0] : vector<10000x64xf32> to vector<64xf32>
    %broadcast_in_dim3A_103 = vector.shape_cast %reduce_sum3A_102 : vector<64xf32> to vector<1x64xf32>
    %div3A_104 = arith.constant 1.000000e+04 : f32
    %div3A_105 = vector.broadcast %div3A_104 : f32 to vector<1x64xf32>
    %div3A_106 = arith.divf %broadcast_in_dim3A_103, %div3A_105 : vector<1x64xf32>
    %mul3A_107 = arith.mulf %add3A_94, %add3A_94 : vector<10000x64xf32>
    %reduce_sum3A_108 = arith.constant dense<0.000000e+00> : vector<64xf32>
    %reduce_sum3A_109 = vector.multi_reduction <add>, %mul3A_107, %reduce_sum3A_108 [0] : vector<10000x64xf32> to vector<64xf32>
    %broadcast_in_dim3A_110 = vector.shape_cast %reduce_sum3A_109 : vector<64xf32> to vector<1x64xf32>
    %div3A_111 = arith.constant 1.000000e+04 : f32
    %div3A_112 = vector.broadcast %div3A_111 : f32 to vector<1x64xf32>
    %div3A_113 = arith.divf %broadcast_in_dim3A_110, %div3A_112 : vector<1x64xf32>
    %mul3A_114 = arith.mulf %div3A_106, %div3A_106 : vector<1x64xf32>
    %sub3A_115 = arith.subf %div3A_113, %mul3A_114 : vector<1x64xf32>
    %sub3A_116 = vector.broadcast %div3A_106 : vector<1x64xf32> to vector<10000x64xf32>
    %sub3A_117 = arith.subf %add3A_94, %sub3A_116 : vector<10000x64xf32>
    %mul3A_118 = vector.broadcast %get3A_97 : vector<1x64xf32> to vector<10000x64xf32>
    %mul3A_119 = arith.mulf %mul3A_118, %sub3A_117 : vector<10000x64xf32>
    %add3A_120 = arith.constant 9.99999974E-6 : f32
    %add3A_121 = vector.broadcast %add3A_120 : f32 to vector<1x64xf32>
    %add3A_122 = arith.addf %sub3A_115, %add3A_121 : vector<1x64xf32>
    %rsqrt3A_123 = math.rsqrt %add3A_122 : vector<1x64xf32>
    %mul3A_124 = vector.broadcast %rsqrt3A_123 : vector<1x64xf32> to vector<10000x64xf32>
    %mul3A_125 = arith.mulf %mul3A_119, %mul3A_124 : vector<10000x64xf32>
    %add3A_126 = vector.broadcast %get3A_100 : vector<1x64xf32> to vector<10000x64xf32>
    %add3A_127 = arith.addf %mul3A_125, %add3A_126 : vector<10000x64xf32>
    %max3A_128 = arith.constant 0.000000e+00 : f32
    %max3A_129 = vector.broadcast %max3A_128 : f32 to vector<10000x64xf32>
    %max3A_130 = arith.maximumf %add3A_127, %max3A_129 : vector<10000x64xf32>
    %swap3A = arith.constant 0 : index
    %swap3A_131 = arith.constant 0 : index
    %swap3A_132 = vector.load %arg16[%swap3A, %swap3A_131] : memref<10000x64xf32, #tpu.memory_space<vmem>>, vector<10000x64xf32>
    tpu.vector_store %arg16[%swap3A, %swap3A_131], %max3A_130 {strides = array<i32>} : memref<10000x64xf32, #tpu.memory_space<vmem>>, vector<10000x64xf32>,
    %get3A_133 = arith.constant 0 : index
    %get3A_134 = arith.constant 0 : index
    %get3A_135 = vector.load %arg13[%get3A_133, %get3A_134] : memref<64x128xf32, #tpu.memory_space<vmem>>, vector<64x128xf32>
    %dot_general3A_136 = arith.constant dense<0.000000e+00> : vector<10000x128xf32>
    %dot_general3A_137 = tpu.matmul %max3A_130, %get3A_135, %dot_general3A_136 {dimension_numbers = #tpu.dot_dimension_numbers<[1], [0], [0], [1], [0, 0, 1, 1], [], []>, transpose_lhs_hint = false} : vector<10000x64xf32>, vector<64x128xf32>, vector<10000x128xf32> -> vector<10000x128xf32>
    %get3A_138 = arith.constant 0 : index
    %get3A_139 = arith.constant 0 : index
    %get3A_140 = vector.load %arg15[%get3A_138, %get3A_139] : memref<1x128xf32, #tpu.memory_space<vmem>>, vector<1x128xf32>
    %add3A_141 = vector.broadcast %get3A_140 : vector<1x128xf32> to vector<10000x128xf32>
    %add3A_142 = arith.addf %dot_general3A_137, %add3A_141 : vector<10000x128xf32>
    %swap3A_143 = arith.constant 0 : index
    %swap3A_144 = arith.constant 0 : index
    %swap3A_145 = vector.load %arg17[%swap3A_143, %swap3A_144] : memref<10000x128xf32, #tpu.memory_space<vmem>>, vector<10000x128xf32>
    tpu.vector_store %arg17[%swap3A_143, %swap3A_144], %add3A_142 {strides = array<i32>} : memref<10000x128xf32, #tpu.memory_space<vmem>>, vector<10000x128xf32>,
    %get3A_146 = arith.constant 0 : index
    %get3A_147 = arith.constant 0 : index
    %get3A_148 = vector.load %arg14[%get3A_146, %get3A_147] : memref<64x128xf32, #tpu.memory_space<vmem>>, vector<64x128xf32>
    %dot_general3A_149 = arith.constant dense<0.000000e+00> : vector<10000x128xf32>
    %dot_general3A_150 = tpu.matmul %max3A_130, %get3A_148, %dot_general3A_149 {dimension_numbers = #tpu.dot_dimension_numbers<[1], [0], [0], [1], [0, 0, 1, 1], [], []>, transpose_lhs_hint = false} : vector<10000x64xf32>, vector<64x128xf32>, vector<10000x128xf32> -> vector<10000x128xf32>
    %swap3A_151 = arith.constant 0 : index
    %swap3A_152 = arith.constant 0 : index
    %swap3A_153 = vector.load %arg18[%swap3A_151, %swap3A_152] : memref<10000x128xf32, #tpu.memory_space<vmem>>, vector<10000x128xf32>
    tpu.vector_store %arg18[%swap3A_151, %swap3A_152], %dot_general3A_150 {strides = array<i32>} : memref<10000x128xf32, #tpu.memory_space<vmem>>, vector<10000x128xf32>,
    return
  }
}

module attributes {stable_mosaic.version = 14 : i64} {
  func.func @_knn_body(%arg0: i32, %arg1: memref<512x64xf32, #tpu.memory_space<vmem>>, %arg2: memref<64x10240xf32, #tpu.memory_space<vmem>>, %arg3: memref<512x1xf32, #tpu.memory_space<vmem>>, %arg4: memref<1x10240xf32, #tpu.memory_space<vmem>>, %arg5: memref<20xi32, #tpu.memory_space<smem>>, %arg6: memref<20xi32, #tpu.memory_space<smem>>, %arg7: memref<512x16xi32, #tpu.memory_space<vmem>>, %arg8: memref<512x10240xf32, #tpu.memory_space<vmem>>) attributes {dimension_semantics = [#tpu.dimension_semantics<arbitrary>], iteration_bounds = array<i64: 20>, scalar_prefetch = 0 : i64, scratch_operands = 1 : i64, tpu.core_type = #tpu.core_type<tc>, window_params = [{transform_indices = @transform_0, window_bounds = array<i64: 512, 64>}, {pipeline_mode = #tpu.pipeline_mode<synchronous>, transform_indices = @transform_1, window_bounds = array<i64: 64, 10240>}, {transform_indices = @transform_2, window_bounds = array<i64: 512, 1>}, {pipeline_mode = #tpu.pipeline_mode<synchronous>, transform_indices = @transform_3, window_bounds = array<i64: 1, 10240>}, {transform_indices = @transform_4, window_bounds = array<i64: 20>}, {transform_indices = @transform_5, window_bounds = array<i64: 20>}, {transform_indices = @transform_6, window_bounds = array<i64: 512, 16>}]} {
    %get3A = arith.index_cast %arg0 : i32 to index
    %get3A_0 = memref.load %arg5[%get3A] : memref<20xi32, #tpu.memory_space<smem>>
    %jit3A = arith.constant 256 : i32
    %div3A = arith.divsi %get3A_0, %jit3A : i32
    %sign3A = arith.constant 0 : i32
    %sign3A_1 = arith.cmpi sgt, %get3A_0, %sign3A : i32
    %sign3A_2 = arith.extui %sign3A_1 : i1 to i32
    %sign3A_3 = arith.constant 0 : i32
    %sign3A_4 = arith.cmpi slt, %get3A_0, %sign3A_3 : i32
    %sign3A_5 = arith.extui %sign3A_4 : i1 to i32
    %sign3A_6 = arith.subi %sign3A_2, %sign3A_5 : i32
    %sign3A_7 = arith.constant 0 : i32
    %sign3A_8 = arith.cmpi sgt, %jit3A, %sign3A_7 : i32
    %sign3A_9 = arith.extui %sign3A_8 : i1 to i32
    %sign3A_10 = arith.constant 0 : i32
    %sign3A_11 = arith.cmpi slt, %jit3A, %sign3A_10 : i32
    %sign3A_12 = arith.extui %sign3A_11 : i1 to i32
    %sign3A_13 = arith.subi %sign3A_9, %sign3A_12 : i32
    %ne3A = arith.cmpi ne, %sign3A_6, %sign3A_13 : i32
    %rem3A = arith.remsi %get3A_0, %jit3A : i32
    %ne3A_14 = arith.constant 0 : i32
    %ne3A_15 = arith.cmpi ne, %rem3A, %ne3A_14 : i32
    %and3A = arith.andi %ne3A, %ne3A_15 : i1
    %sub3A = arith.constant 1 : i32
    %sub3A_16 = arith.subi %div3A, %sub3A : i32
    %select_n3A = arith.select %and3A, %sub3A_16, %div3A : i32
    %get3A_17 = arith.index_cast %arg0 : i32 to index
    %get3A_18 = memref.load %arg6[%get3A_17] : memref<20xi32, #tpu.memory_space<smem>>
    %add3A = arith.constant 256 : i32
    %add3A_19 = arith.addi %get3A_18, %add3A : i32
    %sub3A_20 = arith.constant 1 : i32
    %sub3A_21 = arith.subi %add3A_19, %sub3A_20 : i32
    %jit3A_22 = arith.constant 256 : i32
    %div3A_23 = arith.divsi %sub3A_21, %jit3A_22 : i32
    %sign3A_24 = arith.constant 0 : i32
    %sign3A_25 = arith.cmpi sgt, %sub3A_21, %sign3A_24 : i32
    %sign3A_26 = arith.extui %sign3A_25 : i1 to i32
    %sign3A_27 = arith.constant 0 : i32
    %sign3A_28 = arith.cmpi slt, %sub3A_21, %sign3A_27 : i32
    %sign3A_29 = arith.extui %sign3A_28 : i1 to i32
    %sign3A_30 = arith.subi %sign3A_26, %sign3A_29 : i32
    %sign3A_31 = arith.constant 0 : i32
    %sign3A_32 = arith.cmpi sgt, %jit3A_22, %sign3A_31 : i32
    %sign3A_33 = arith.extui %sign3A_32 : i1 to i32
    %sign3A_34 = arith.constant 0 : i32
    %sign3A_35 = arith.cmpi slt, %jit3A_22, %sign3A_34 : i32
    %sign3A_36 = arith.extui %sign3A_35 : i1 to i32
    %sign3A_37 = arith.subi %sign3A_33, %sign3A_36 : i32
    %ne3A_38 = arith.cmpi ne, %sign3A_30, %sign3A_37 : i32
    %rem3A_39 = arith.remsi %sub3A_21, %jit3A_22 : i32
    %ne3A_40 = arith.constant 0 : i32
    %ne3A_41 = arith.cmpi ne, %rem3A_39, %ne3A_40 : i32
    %and3A_42 = arith.andi %ne3A_38, %ne3A_41 : i1
    %sub3A_43 = arith.constant 1 : i32
    %sub3A_44 = arith.subi %div3A_23, %sub3A_43 : i32
    %select_n3A_45 = arith.select %and3A_42, %sub3A_44, %div3A_23 : i32
    %get3A_46 = arith.constant 0 : index
    %get3A_47 = arith.constant 0 : index
    %get3A_48 = vector.load %arg1[%get3A_46, %get3A_47] : memref<512x64xf32, #tpu.memory_space<vmem>>, vector<512x64xf32>
    %mul3A = arith.mulf %get3A_48, %get3A_48 : vector<512x64xf32>
    %reduce_sum3A = arith.constant dense<0.000000e+00> : vector<512xf32>
    %reduce_sum3A_49 = vector.multi_reduction <add>, %mul3A, %reduce_sum3A [1] : vector<512x64xf32> to vector<512xf32>
    %broadcast_in_dim3A = vector.shape_cast %reduce_sum3A_49 : vector<512xf32> to vector<512x1xf32>
    %get3A_50 = arith.constant 0 : index
    %get3A_51 = arith.constant 0 : index
    %get3A_52 = vector.load %arg3[%get3A_50, %get3A_51] : memref<512x1xf32, #tpu.memory_space<vmem>>, vector<512x1xf32>
    %iota3A = tpu.iota {dimensions = array<i32: 1>} : vector<1x256xi32>
    %convert_element_type3A = arith.sitofp %iota3A : vector<1x256xi32> to vector<1x256xf32>
    %broadcast_in_dim3A_53 = arith.constant 3.000000e+38 : f32
    %broadcast_in_dim3A_54 = vector.broadcast %broadcast_in_dim3A_53 : f32 to vector<512x1xf32>
    %broadcast_in_dim3A_55 = arith.constant 0.000000e+00 : f32
    %broadcast_in_dim3A_56 = vector.broadcast %broadcast_in_dim3A_55 : f32 to vector<512x1xf32>
    %while3A = arith.constant 1.024000e+04 : f32
    %while3A_57 = arith.subi %select_n3A_45, %select_n3A : i32
    %while3A_58 = arith.addi %select_n3A, %while3A_57 : i32
    %while3A_59 = arith.constant 1 : i32
    %while3A_60 = arith.divsi %while3A_57, %while3A_59 : i32
    %while3A_61 = arith.muli %while3A_60, %while3A_59 : i32
    %while3A_62 = arith.addi %select_n3A, %while3A_61 : i32
    %while3A_63 = arith.constant 1 : i32
    %while3A_64:4 = scf.for %while3A_175 = %select_n3A to %while3A_62 step %while3A_63 iter_args(%while3A_176 = %broadcast_in_dim3A_54, %while3A_177 = %broadcast_in_dim3A_56, %while3A_178 = %broadcast_in_dim3A_54, %while3A_179 = %broadcast_in_dim3A_56) -> (vector<512x1xf32>, vector<512x1xf32>, vector<512x1xf32>, vector<512x1xf32>)  : i32 {
      %mul3A_180 = arith.constant 256 : i32
      %mul3A_181 = arith.muli %while3A_175, %mul3A_180 : i32
      %get3A_182 = arith.constant 0 : index
      %get3A_183 = arith.index_cast %mul3A_181 : i32 to index
      %get3A_184 = vector.load %arg2[%get3A_182, %get3A_183] : memref<64x10240xf32, #tpu.memory_space<vmem>>, vector<64x256xf32>
      %get3A_185 = arith.constant 0 : index
      %get3A_186 = arith.index_cast %mul3A_181 : i32 to index
      %get3A_187 = vector.load %arg4[%get3A_185, %get3A_186] : memref<1x10240xf32, #tpu.memory_space<vmem>>, vector<1x256xf32>
      %dot_general3A = arith.constant dense<0.000000e+00> : vector<512x256xf32>
      %dot_general3A_188 = tpu.matmul %get3A_48, %get3A_184, %dot_general3A {dimension_numbers = #tpu.dot_dimension_numbers<[1], [0], [0], [1], [0, 0, 1, 1], [], []>, transpose_lhs_hint = false} : vector<512x64xf32>, vector<64x256xf32>, vector<512x256xf32> -> vector<512x256xf32>
      %mul3A_189 = arith.mulf %get3A_184, %get3A_184 : vector<64x256xf32>
      %reduce_sum3A_190 = arith.constant dense<0.000000e+00> : vector<256xf32>
      %reduce_sum3A_191 = vector.multi_reduction <add>, %mul3A_189, %reduce_sum3A_190 [0] : vector<64x256xf32> to vector<256xf32>
      %broadcast_in_dim3A_192 = vector.shape_cast %reduce_sum3A_191 : vector<256xf32> to vector<1x256xf32>
      %eq3A = vector.broadcast %get3A_52 : vector<512x1xf32> to vector<512x256xf32>
      %eq3A_193 = vector.broadcast %get3A_187 : vector<1x256xf32> to vector<512x256xf32>
      %eq3A_194 = arith.cmpf oeq, %eq3A, %eq3A_193 : vector<512x256xf32>
      %add3A_195 = vector.broadcast %broadcast_in_dim3A : vector<512x1xf32> to vector<512x256xf32>
      %add3A_196 = vector.broadcast %broadcast_in_dim3A_192 : vector<1x256xf32> to vector<512x256xf32>
      %add3A_197 = arith.addf %add3A_195, %add3A_196 : vector<512x256xf32>
      %mul3A_198 = arith.constant 2.000000e+00 : f32
      %mul3A_199 = vector.broadcast %mul3A_198 : f32 to vector<512x256xf32>
      %mul3A_200 = arith.mulf %mul3A_199, %dot_general3A_188 : vector<512x256xf32>
      %sub3A_201 = arith.subf %add3A_197, %mul3A_200 : vector<512x256xf32>
      %jit3A_202 = arith.constant 1.000000e+30 : f32
      %broadcast_in_dim3A_203 = vector.broadcast %jit3A_202 : f32 to vector<512x256xf32>
      %select_n3A_204 = arith.select %eq3A_194, %sub3A_201, %broadcast_in_dim3A_203 : vector<512x256xi1>, vector<512x256xf32>
      %swap3A_205 = arith.constant 0 : index
      %swap3A_206 = arith.index_cast %mul3A_181 : i32 to index
      %swap3A_207 = vector.load %arg8[%swap3A_205, %swap3A_206] : memref<512x10240xf32, #tpu.memory_space<vmem>>, vector<512x256xf32>
      tpu.vector_store %arg8[%swap3A_205, %swap3A_206], %select_n3A_204 {strides = array<i32>} : memref<512x10240xf32, #tpu.memory_space<vmem>>, vector<512x256xf32>,
      %mul3A_208 = arith.constant 256 : i32
      %mul3A_209 = arith.muli %while3A_175, %mul3A_208 : i32
      %convert_element_type3A_210 = arith.sitofp %mul3A_209 : i32 to f32
      %add3A_211 = vector.broadcast %convert_element_type3A_210 : f32 to vector<1x256xf32>
      %add3A_212 = arith.addf %convert_element_type3A, %add3A_211 : vector<1x256xf32>
      %reduce_min3A = arith.constant dense<0x7F800000> : vector<512xf32>
      %reduce_min3A_213 = vector.multi_reduction <minimumf>, %select_n3A_204, %reduce_min3A [1] : vector<512x256xf32> to vector<512xf32>
      %broadcast_in_dim3A_214 = vector.shape_cast %reduce_min3A_213 : vector<512xf32> to vector<512x1xf32>
      %eq3A_215 = vector.broadcast %broadcast_in_dim3A_214 : vector<512x1xf32> to vector<512x256xf32>
      %eq3A_216 = arith.cmpf oeq, %select_n3A_204, %eq3A_215 : vector<512x256xf32>
      %broadcast_in_dim3A_217 = vector.shape_cast %add3A_212 : vector<1x256xf32> to vector<1x256xf32>
      %broadcast_in_dim3A_218 = vector.broadcast %broadcast_in_dim3A_217 : vector<1x256xf32> to vector<512x256xf32>
      %broadcast_in_dim3A_219 = vector.broadcast %while3A : f32 to vector<512x256xf32>
      %select_n3A_220 = arith.select %eq3A_216, %broadcast_in_dim3A_218, %broadcast_in_dim3A_219 : vector<512x256xi1>, vector<512x256xf32>
      %reduce_min3A_221 = arith.constant dense<0x7F800000> : vector<512xf32>
      %reduce_min3A_222 = vector.multi_reduction <minimumf>, %select_n3A_220, %reduce_min3A_221 [1] : vector<512x256xf32> to vector<512xf32>
      %broadcast_in_dim3A_223 = vector.shape_cast %reduce_min3A_222 : vector<512xf32> to vector<512x1xf32>
      %eq3A_224 = vector.broadcast %add3A_212 : vector<1x256xf32> to vector<512x256xf32>
      %eq3A_225 = vector.broadcast %broadcast_in_dim3A_223 : vector<512x1xf32> to vector<512x256xf32>
      %eq3A_226 = arith.cmpf oeq, %eq3A_224, %eq3A_225 : vector<512x256xf32>
      %jit3A_227 = arith.constant 1.000000e+30 : f32
      %broadcast_in_dim3A_228 = vector.broadcast %jit3A_227 : f32 to vector<512x256xf32>
      %select_n3A_229 = arith.select %eq3A_226, %broadcast_in_dim3A_228, %select_n3A_204 : vector<512x256xi1>, vector<512x256xf32>
      %reduce_min3A_230 = arith.constant dense<0x7F800000> : vector<512xf32>
      %reduce_min3A_231 = vector.multi_reduction <minimumf>, %select_n3A_229, %reduce_min3A_230 [1] : vector<512x256xf32> to vector<512xf32>
      %broadcast_in_dim3A_232 = vector.shape_cast %reduce_min3A_231 : vector<512xf32> to vector<512x1xf32>
      %eq3A_233 = vector.broadcast %broadcast_in_dim3A_232 : vector<512x1xf32> to vector<512x256xf32>
      %eq3A_234 = arith.cmpf oeq, %select_n3A_229, %eq3A_233 : vector<512x256xf32>
      %broadcast_in_dim3A_235 = vector.shape_cast %add3A_212 : vector<1x256xf32> to vector<1x256xf32>
      %broadcast_in_dim3A_236 = vector.broadcast %broadcast_in_dim3A_235 : vector<1x256xf32> to vector<512x256xf32>
      %broadcast_in_dim3A_237 = vector.broadcast %while3A : f32 to vector<512x256xf32>
      %select_n3A_238 = arith.select %eq3A_234, %broadcast_in_dim3A_236, %broadcast_in_dim3A_237 : vector<512x256xi1>, vector<512x256xf32>
      %reduce_min3A_239 = arith.constant dense<0x7F800000> : vector<512xf32>
      %reduce_min3A_240 = vector.multi_reduction <minimumf>, %select_n3A_238, %reduce_min3A_239 [1] : vector<512x256xf32> to vector<512xf32>
      %broadcast_in_dim3A_241 = vector.shape_cast %reduce_min3A_240 : vector<512xf32> to vector<512x1xf32>
      %lt3A = arith.cmpf olt, %broadcast_in_dim3A_214, %while3A_176 : vector<512x1xf32>
      %select_n3A_242 = arith.select %lt3A, %broadcast_in_dim3A_214, %while3A_176 : vector<512x1xi1>, vector<512x1xf32>
      %select_n3A_243 = arith.select %lt3A, %broadcast_in_dim3A_223, %while3A_177 : vector<512x1xi1>, vector<512x1xf32>
      %select_n3A_244 = arith.select %lt3A, %while3A_176, %broadcast_in_dim3A_214 : vector<512x1xi1>, vector<512x1xf32>
      %select_n3A_245 = arith.select %lt3A, %while3A_177, %broadcast_in_dim3A_223 : vector<512x1xi1>, vector<512x1xf32>
      %select_n3A_246 = arith.select %lt3A, %broadcast_in_dim3A_232, %while3A_178 : vector<512x1xi1>, vector<512x1xf32>
      %select_n3A_247 = arith.select %lt3A, %broadcast_in_dim3A_241, %while3A_179 : vector<512x1xi1>, vector<512x1xf32>
      %min3A = arith.minimumf %select_n3A_244, %select_n3A_246 : vector<512x1xf32>
      %le3A = arith.cmpf ole, %select_n3A_244, %select_n3A_246 : vector<512x1xf32>
      %select_n3A_248 = arith.select %le3A, %select_n3A_245, %select_n3A_247 : vector<512x1xi1>, vector<512x1xf32>
      scf.yield %select_n3A_242, %select_n3A_243, %min3A, %select_n3A_248 : vector<512x1xf32>, vector<512x1xf32>, vector<512x1xf32>, vector<512x1xf32>
    }
    %while3A_65 = arith.constant 1 : i32
    %while3A_66:4 = scf.for %while3A_175 = %while3A_62 to %while3A_58 step %while3A_65 iter_args(%while3A_176 = %while3A_64#0, %while3A_177 = %while3A_64#1, %while3A_178 = %while3A_64#2, %while3A_179 = %while3A_64#3) -> (vector<512x1xf32>, vector<512x1xf32>, vector<512x1xf32>, vector<512x1xf32>)  : i32 {
      %mul3A_180 = arith.constant 256 : i32
      %mul3A_181 = arith.muli %while3A_175, %mul3A_180 : i32
      %get3A_182 = arith.constant 0 : index
      %get3A_183 = arith.index_cast %mul3A_181 : i32 to index
      %get3A_184 = vector.load %arg2[%get3A_182, %get3A_183] : memref<64x10240xf32, #tpu.memory_space<vmem>>, vector<64x256xf32>
      %get3A_185 = arith.constant 0 : index
      %get3A_186 = arith.index_cast %mul3A_181 : i32 to index
      %get3A_187 = vector.load %arg4[%get3A_185, %get3A_186] : memref<1x10240xf32, #tpu.memory_space<vmem>>, vector<1x256xf32>
      %dot_general3A = arith.constant dense<0.000000e+00> : vector<512x256xf32>
      %dot_general3A_188 = tpu.matmul %get3A_48, %get3A_184, %dot_general3A {dimension_numbers = #tpu.dot_dimension_numbers<[1], [0], [0], [1], [0, 0, 1, 1], [], []>, transpose_lhs_hint = false} : vector<512x64xf32>, vector<64x256xf32>, vector<512x256xf32> -> vector<512x256xf32>
      %mul3A_189 = arith.mulf %get3A_184, %get3A_184 : vector<64x256xf32>
      %reduce_sum3A_190 = arith.constant dense<0.000000e+00> : vector<256xf32>
      %reduce_sum3A_191 = vector.multi_reduction <add>, %mul3A_189, %reduce_sum3A_190 [0] : vector<64x256xf32> to vector<256xf32>
      %broadcast_in_dim3A_192 = vector.shape_cast %reduce_sum3A_191 : vector<256xf32> to vector<1x256xf32>
      %eq3A = vector.broadcast %get3A_52 : vector<512x1xf32> to vector<512x256xf32>
      %eq3A_193 = vector.broadcast %get3A_187 : vector<1x256xf32> to vector<512x256xf32>
      %eq3A_194 = arith.cmpf oeq, %eq3A, %eq3A_193 : vector<512x256xf32>
      %add3A_195 = vector.broadcast %broadcast_in_dim3A : vector<512x1xf32> to vector<512x256xf32>
      %add3A_196 = vector.broadcast %broadcast_in_dim3A_192 : vector<1x256xf32> to vector<512x256xf32>
      %add3A_197 = arith.addf %add3A_195, %add3A_196 : vector<512x256xf32>
      %mul3A_198 = arith.constant 2.000000e+00 : f32
      %mul3A_199 = vector.broadcast %mul3A_198 : f32 to vector<512x256xf32>
      %mul3A_200 = arith.mulf %mul3A_199, %dot_general3A_188 : vector<512x256xf32>
      %sub3A_201 = arith.subf %add3A_197, %mul3A_200 : vector<512x256xf32>
      %jit3A_202 = arith.constant 1.000000e+30 : f32
      %broadcast_in_dim3A_203 = vector.broadcast %jit3A_202 : f32 to vector<512x256xf32>
      %select_n3A_204 = arith.select %eq3A_194, %sub3A_201, %broadcast_in_dim3A_203 : vector<512x256xi1>, vector<512x256xf32>
      %swap3A_205 = arith.constant 0 : index
      %swap3A_206 = arith.index_cast %mul3A_181 : i32 to index
      %swap3A_207 = vector.load %arg8[%swap3A_205, %swap3A_206] : memref<512x10240xf32, #tpu.memory_space<vmem>>, vector<512x256xf32>
      tpu.vector_store %arg8[%swap3A_205, %swap3A_206], %select_n3A_204 {strides = array<i32>} : memref<512x10240xf32, #tpu.memory_space<vmem>>, vector<512x256xf32>,
      %mul3A_208 = arith.constant 256 : i32
      %mul3A_209 = arith.muli %while3A_175, %mul3A_208 : i32
      %convert_element_type3A_210 = arith.sitofp %mul3A_209 : i32 to f32
      %add3A_211 = vector.broadcast %convert_element_type3A_210 : f32 to vector<1x256xf32>
      %add3A_212 = arith.addf %convert_element_type3A, %add3A_211 : vector<1x256xf32>
      %reduce_min3A = arith.constant dense<0x7F800000> : vector<512xf32>
      %reduce_min3A_213 = vector.multi_reduction <minimumf>, %select_n3A_204, %reduce_min3A [1] : vector<512x256xf32> to vector<512xf32>
      %broadcast_in_dim3A_214 = vector.shape_cast %reduce_min3A_213 : vector<512xf32> to vector<512x1xf32>
      %eq3A_215 = vector.broadcast %broadcast_in_dim3A_214 : vector<512x1xf32> to vector<512x256xf32>
      %eq3A_216 = arith.cmpf oeq, %select_n3A_204, %eq3A_215 : vector<512x256xf32>
      %broadcast_in_dim3A_217 = vector.shape_cast %add3A_212 : vector<1x256xf32> to vector<1x256xf32>
      %broadcast_in_dim3A_218 = vector.broadcast %broadcast_in_dim3A_217 : vector<1x256xf32> to vector<512x256xf32>
      %broadcast_in_dim3A_219 = vector.broadcast %while3A : f32 to vector<512x256xf32>
      %select_n3A_220 = arith.select %eq3A_216, %broadcast_in_dim3A_218, %broadcast_in_dim3A_219 : vector<512x256xi1>, vector<512x256xf32>
      %reduce_min3A_221 = arith.constant dense<0x7F800000> : vector<512xf32>
      %reduce_min3A_222 = vector.multi_reduction <minimumf>, %select_n3A_220, %reduce_min3A_221 [1] : vector<512x256xf32> to vector<512xf32>
      %broadcast_in_dim3A_223 = vector.shape_cast %reduce_min3A_222 : vector<512xf32> to vector<512x1xf32>
      %eq3A_224 = vector.broadcast %add3A_212 : vector<1x256xf32> to vector<512x256xf32>
      %eq3A_225 = vector.broadcast %broadcast_in_dim3A_223 : vector<512x1xf32> to vector<512x256xf32>
      %eq3A_226 = arith.cmpf oeq, %eq3A_224, %eq3A_225 : vector<512x256xf32>
      %jit3A_227 = arith.constant 1.000000e+30 : f32
      %broadcast_in_dim3A_228 = vector.broadcast %jit3A_227 : f32 to vector<512x256xf32>
      %select_n3A_229 = arith.select %eq3A_226, %broadcast_in_dim3A_228, %select_n3A_204 : vector<512x256xi1>, vector<512x256xf32>
      %reduce_min3A_230 = arith.constant dense<0x7F800000> : vector<512xf32>
      %reduce_min3A_231 = vector.multi_reduction <minimumf>, %select_n3A_229, %reduce_min3A_230 [1] : vector<512x256xf32> to vector<512xf32>
      %broadcast_in_dim3A_232 = vector.shape_cast %reduce_min3A_231 : vector<512xf32> to vector<512x1xf32>
      %eq3A_233 = vector.broadcast %broadcast_in_dim3A_232 : vector<512x1xf32> to vector<512x256xf32>
      %eq3A_234 = arith.cmpf oeq, %select_n3A_229, %eq3A_233 : vector<512x256xf32>
      %broadcast_in_dim3A_235 = vector.shape_cast %add3A_212 : vector<1x256xf32> to vector<1x256xf32>
      %broadcast_in_dim3A_236 = vector.broadcast %broadcast_in_dim3A_235 : vector<1x256xf32> to vector<512x256xf32>
      %broadcast_in_dim3A_237 = vector.broadcast %while3A : f32 to vector<512x256xf32>
      %select_n3A_238 = arith.select %eq3A_234, %broadcast_in_dim3A_236, %broadcast_in_dim3A_237 : vector<512x256xi1>, vector<512x256xf32>
      %reduce_min3A_239 = arith.constant dense<0x7F800000> : vector<512xf32>
      %reduce_min3A_240 = vector.multi_reduction <minimumf>, %select_n3A_238, %reduce_min3A_239 [1] : vector<512x256xf32> to vector<512xf32>
      %broadcast_in_dim3A_241 = vector.shape_cast %reduce_min3A_240 : vector<512xf32> to vector<512x1xf32>
      %lt3A = arith.cmpf olt, %broadcast_in_dim3A_214, %while3A_176 : vector<512x1xf32>
      %select_n3A_242 = arith.select %lt3A, %broadcast_in_dim3A_214, %while3A_176 : vector<512x1xi1>, vector<512x1xf32>
      %select_n3A_243 = arith.select %lt3A, %broadcast_in_dim3A_223, %while3A_177 : vector<512x1xi1>, vector<512x1xf32>
      %select_n3A_244 = arith.select %lt3A, %while3A_176, %broadcast_in_dim3A_214 : vector<512x1xi1>, vector<512x1xf32>
      %select_n3A_245 = arith.select %lt3A, %while3A_177, %broadcast_in_dim3A_223 : vector<512x1xi1>, vector<512x1xf32>
      %select_n3A_246 = arith.select %lt3A, %broadcast_in_dim3A_232, %while3A_178 : vector<512x1xi1>, vector<512x1xf32>
      %select_n3A_247 = arith.select %lt3A, %broadcast_in_dim3A_241, %while3A_179 : vector<512x1xi1>, vector<512x1xf32>
      %min3A = arith.minimumf %select_n3A_244, %select_n3A_246 : vector<512x1xf32>
      %le3A = arith.cmpf ole, %select_n3A_244, %select_n3A_246 : vector<512x1xf32>
      %select_n3A_248 = arith.select %le3A, %select_n3A_245, %select_n3A_247 : vector<512x1xi1>, vector<512x1xf32>
      scf.yield %select_n3A_242, %select_n3A_243, %min3A, %select_n3A_248 : vector<512x1xf32>, vector<512x1xf32>, vector<512x1xf32>, vector<512x1xf32>
    }
    %broadcast_in_dim3A_67 = arith.constant 3.000000e+38 : f32
    %broadcast_in_dim3A_68 = vector.broadcast %broadcast_in_dim3A_67 : f32 to vector<512x1xf32>
    %broadcast_in_dim3A_69 = arith.constant 0.000000e+00 : f32
    %broadcast_in_dim3A_70 = vector.broadcast %broadcast_in_dim3A_69 : f32 to vector<512x1xf32>
    %while3A_71 = arith.constant 1.024000e+04 : f32
    %while3A_72 = arith.subi %select_n3A_45, %select_n3A : i32
    %while3A_73 = arith.addi %select_n3A, %while3A_72 : i32
    %while3A_74 = arith.constant 1 : i32
    %while3A_75 = arith.divsi %while3A_72, %while3A_74 : i32
    %while3A_76 = arith.muli %while3A_75, %while3A_74 : i32
    %while3A_77 = arith.addi %select_n3A, %while3A_76 : i32
    %while3A_78 = arith.constant 1 : i32
    %while3A_79:4 = scf.for %while3A_175 = %select_n3A to %while3A_77 step %while3A_78 iter_args(%while3A_176 = %broadcast_in_dim3A_68, %while3A_177 = %broadcast_in_dim3A_70, %while3A_178 = %broadcast_in_dim3A_68, %while3A_179 = %broadcast_in_dim3A_70) -> (vector<512x1xf32>, vector<512x1xf32>, vector<512x1xf32>, vector<512x1xf32>)  : i32 {
      %mul3A_180 = arith.constant 256 : i32
      %mul3A_181 = arith.muli %while3A_175, %mul3A_180 : i32
      %mul3A_182 = arith.constant 256 : i32
      %mul3A_183 = arith.muli %while3A_175, %mul3A_182 : i32
      %convert_element_type3A_184 = arith.sitofp %mul3A_183 : i32 to f32
      %add3A_185 = vector.broadcast %convert_element_type3A_184 : f32 to vector<1x256xf32>
      %add3A_186 = arith.addf %convert_element_type3A, %add3A_185 : vector<1x256xf32>
      %get3A_187 = arith.constant 0 : index
      %get3A_188 = arith.index_cast %mul3A_181 : i32 to index
      %get3A_189 = vector.load %arg8[%get3A_187, %get3A_188] : memref<512x10240xf32, #tpu.memory_space<vmem>>, vector<512x256xf32>
      %eq3A = vector.broadcast %add3A_186 : vector<1x256xf32> to vector<512x256xf32>
      %eq3A_190 = vector.broadcast %while3A_66#1 : vector<512x1xf32> to vector<512x256xf32>
      %eq3A_191 = arith.cmpf oeq, %eq3A, %eq3A_190 : vector<512x256xf32>
      %eq3A_192 = vector.broadcast %add3A_186 : vector<1x256xf32> to vector<512x256xf32>
      %eq3A_193 = vector.broadcast %while3A_66#3 : vector<512x1xf32> to vector<512x256xf32>
      %eq3A_194 = arith.cmpf oeq, %eq3A_192, %eq3A_193 : vector<512x256xf32>
      %or3A = arith.ori %eq3A_191, %eq3A_194 : vector<512x256xi1>
      %jit3A_195 = arith.constant 1.000000e+30 : f32
      %broadcast_in_dim3A_196 = vector.broadcast %jit3A_195 : f32 to vector<512x256xf32>
      %select_n3A_197 = arith.select %or3A, %broadcast_in_dim3A_196, %get3A_189 : vector<512x256xi1>, vector<512x256xf32>
      %swap3A_198 = arith.constant 0 : index
      %swap3A_199 = arith.index_cast %mul3A_181 : i32 to index
      %swap3A_200 = vector.load %arg8[%swap3A_198, %swap3A_199] : memref<512x10240xf32, #tpu.memory_space<vmem>>, vector<512x256xf32>
      tpu.vector_store %arg8[%swap3A_198, %swap3A_199], %select_n3A_197 {strides = array<i32>} : memref<512x10240xf32, #tpu.memory_space<vmem>>, vector<512x256xf32>,
      %reduce_min3A = arith.constant dense<0x7F800000> : vector<512xf32>
      %reduce_min3A_201 = vector.multi_reduction <minimumf>, %select_n3A_197, %reduce_min3A [1] : vector<512x256xf32> to vector<512xf32>
      %broadcast_in_dim3A_202 = vector.shape_cast %reduce_min3A_201 : vector<512xf32> to vector<512x1xf32>
      %eq3A_203 = vector.broadcast %broadcast_in_dim3A_202 : vector<512x1xf32> to vector<512x256xf32>
      %eq3A_204 = arith.cmpf oeq, %select_n3A_197, %eq3A_203 : vector<512x256xf32>
      %broadcast_in_dim3A_205 = vector.shape_cast %add3A_186 : vector<1x256xf32> to vector<1x256xf32>
      %broadcast_in_dim3A_206 = vector.broadcast %broadcast_in_dim3A_205 : vector<1x256xf32> to vector<512x256xf32>
      %broadcast_in_dim3A_207 = vector.broadcast %while3A_71 : f32 to vector<512x256xf32>
      %select_n3A_208 = arith.select %eq3A_204, %broadcast_in_dim3A_206, %broadcast_in_dim3A_207 : vector<512x256xi1>, vector<512x256xf32>
      %reduce_min3A_209 = arith.constant dense<0x7F800000> : vector<512xf32>
      %reduce_min3A_210 = vector.multi_reduction <minimumf>, %select_n3A_208, %reduce_min3A_209 [1] : vector<512x256xf32> to vector<512xf32>
      %broadcast_in_dim3A_211 = vector.shape_cast %reduce_min3A_210 : vector<512xf32> to vector<512x1xf32>
      %eq3A_212 = vector.broadcast %add3A_186 : vector<1x256xf32> to vector<512x256xf32>
      %eq3A_213 = vector.broadcast %broadcast_in_dim3A_211 : vector<512x1xf32> to vector<512x256xf32>
      %eq3A_214 = arith.cmpf oeq, %eq3A_212, %eq3A_213 : vector<512x256xf32>
      %jit3A_215 = arith.constant 1.000000e+30 : f32
      %broadcast_in_dim3A_216 = vector.broadcast %jit3A_215 : f32 to vector<512x256xf32>
      %select_n3A_217 = arith.select %eq3A_214, %broadcast_in_dim3A_216, %select_n3A_197 : vector<512x256xi1>, vector<512x256xf32>
      %reduce_min3A_218 = arith.constant dense<0x7F800000> : vector<512xf32>
      %reduce_min3A_219 = vector.multi_reduction <minimumf>, %select_n3A_217, %reduce_min3A_218 [1] : vector<512x256xf32> to vector<512xf32>
      %broadcast_in_dim3A_220 = vector.shape_cast %reduce_min3A_219 : vector<512xf32> to vector<512x1xf32>
      %eq3A_221 = vector.broadcast %broadcast_in_dim3A_220 : vector<512x1xf32> to vector<512x256xf32>
      %eq3A_222 = arith.cmpf oeq, %select_n3A_217, %eq3A_221 : vector<512x256xf32>
      %broadcast_in_dim3A_223 = vector.shape_cast %add3A_186 : vector<1x256xf32> to vector<1x256xf32>
      %broadcast_in_dim3A_224 = vector.broadcast %broadcast_in_dim3A_223 : vector<1x256xf32> to vector<512x256xf32>
      %broadcast_in_dim3A_225 = vector.broadcast %while3A_71 : f32 to vector<512x256xf32>
      %select_n3A_226 = arith.select %eq3A_222, %broadcast_in_dim3A_224, %broadcast_in_dim3A_225 : vector<512x256xi1>, vector<512x256xf32>
      %reduce_min3A_227 = arith.constant dense<0x7F800000> : vector<512xf32>
      %reduce_min3A_228 = vector.multi_reduction <minimumf>, %select_n3A_226, %reduce_min3A_227 [1] : vector<512x256xf32> to vector<512xf32>
      %broadcast_in_dim3A_229 = vector.shape_cast %reduce_min3A_228 : vector<512xf32> to vector<512x1xf32>
      %lt3A = arith.cmpf olt, %broadcast_in_dim3A_202, %while3A_176 : vector<512x1xf32>
      %select_n3A_230 = arith.select %lt3A, %broadcast_in_dim3A_202, %while3A_176 : vector<512x1xi1>, vector<512x1xf32>
      %select_n3A_231 = arith.select %lt3A, %broadcast_in_dim3A_211, %while3A_177 : vector<512x1xi1>, vector<512x1xf32>
      %select_n3A_232 = arith.select %lt3A, %while3A_176, %broadcast_in_dim3A_202 : vector<512x1xi1>, vector<512x1xf32>
      %select_n3A_233 = arith.select %lt3A, %while3A_177, %broadcast_in_dim3A_211 : vector<512x1xi1>, vector<512x1xf32>
      %select_n3A_234 = arith.select %lt3A, %broadcast_in_dim3A_220, %while3A_178 : vector<512x1xi1>, vector<512x1xf32>
      %select_n3A_235 = arith.select %lt3A, %broadcast_in_dim3A_229, %while3A_179 : vector<512x1xi1>, vector<512x1xf32>
      %min3A = arith.minimumf %select_n3A_232, %select_n3A_234 : vector<512x1xf32>
      %le3A = arith.cmpf ole, %select_n3A_232, %select_n3A_234 : vector<512x1xf32>
      %select_n3A_236 = arith.select %le3A, %select_n3A_233, %select_n3A_235 : vector<512x1xi1>, vector<512x1xf32>
      scf.yield %select_n3A_230, %select_n3A_231, %min3A, %select_n3A_236 : vector<512x1xf32>, vector<512x1xf32>, vector<512x1xf32>, vector<512x1xf32>
    }
    %while3A_80 = arith.constant 1 : i32
    %while3A_81:4 = scf.for %while3A_175 = %while3A_77 to %while3A_73 step %while3A_80 iter_args(%while3A_176 = %while3A_79#0, %while3A_177 = %while3A_79#1, %while3A_178 = %while3A_79#2, %while3A_179 = %while3A_79#3) -> (vector<512x1xf32>, vector<512x1xf32>, vector<512x1xf32>, vector<512x1xf32>)  : i32 {
      %mul3A_180 = arith.constant 256 : i32
      %mul3A_181 = arith.muli %while3A_175, %mul3A_180 : i32
      %mul3A_182 = arith.constant 256 : i32
      %mul3A_183 = arith.muli %while3A_175, %mul3A_182 : i32
      %convert_element_type3A_184 = arith.sitofp %mul3A_183 : i32 to f32
      %add3A_185 = vector.broadcast %convert_element_type3A_184 : f32 to vector<1x256xf32>
      %add3A_186 = arith.addf %convert_element_type3A, %add3A_185 : vector<1x256xf32>
      %get3A_187 = arith.constant 0 : index
      %get3A_188 = arith.index_cast %mul3A_181 : i32 to index
      %get3A_189 = vector.load %arg8[%get3A_187, %get3A_188] : memref<512x10240xf32, #tpu.memory_space<vmem>>, vector<512x256xf32>
      %eq3A = vector.broadcast %add3A_186 : vector<1x256xf32> to vector<512x256xf32>
      %eq3A_190 = vector.broadcast %while3A_66#1 : vector<512x1xf32> to vector<512x256xf32>
      %eq3A_191 = arith.cmpf oeq, %eq3A, %eq3A_190 : vector<512x256xf32>
      %eq3A_192 = vector.broadcast %add3A_186 : vector<1x256xf32> to vector<512x256xf32>
      %eq3A_193 = vector.broadcast %while3A_66#3 : vector<512x1xf32> to vector<512x256xf32>
      %eq3A_194 = arith.cmpf oeq, %eq3A_192, %eq3A_193 : vector<512x256xf32>
      %or3A = arith.ori %eq3A_191, %eq3A_194 : vector<512x256xi1>
      %jit3A_195 = arith.constant 1.000000e+30 : f32
      %broadcast_in_dim3A_196 = vector.broadcast %jit3A_195 : f32 to vector<512x256xf32>
      %select_n3A_197 = arith.select %or3A, %broadcast_in_dim3A_196, %get3A_189 : vector<512x256xi1>, vector<512x256xf32>
      %swap3A_198 = arith.constant 0 : index
      %swap3A_199 = arith.index_cast %mul3A_181 : i32 to index
      %swap3A_200 = vector.load %arg8[%swap3A_198, %swap3A_199] : memref<512x10240xf32, #tpu.memory_space<vmem>>, vector<512x256xf32>
      tpu.vector_store %arg8[%swap3A_198, %swap3A_199], %select_n3A_197 {strides = array<i32>} : memref<512x10240xf32, #tpu.memory_space<vmem>>, vector<512x256xf32>,
      %reduce_min3A = arith.constant dense<0x7F800000> : vector<512xf32>
      %reduce_min3A_201 = vector.multi_reduction <minimumf>, %select_n3A_197, %reduce_min3A [1] : vector<512x256xf32> to vector<512xf32>
      %broadcast_in_dim3A_202 = vector.shape_cast %reduce_min3A_201 : vector<512xf32> to vector<512x1xf32>
      %eq3A_203 = vector.broadcast %broadcast_in_dim3A_202 : vector<512x1xf32> to vector<512x256xf32>
      %eq3A_204 = arith.cmpf oeq, %select_n3A_197, %eq3A_203 : vector<512x256xf32>
      %broadcast_in_dim3A_205 = vector.shape_cast %add3A_186 : vector<1x256xf32> to vector<1x256xf32>
      %broadcast_in_dim3A_206 = vector.broadcast %broadcast_in_dim3A_205 : vector<1x256xf32> to vector<512x256xf32>
      %broadcast_in_dim3A_207 = vector.broadcast %while3A_71 : f32 to vector<512x256xf32>
      %select_n3A_208 = arith.select %eq3A_204, %broadcast_in_dim3A_206, %broadcast_in_dim3A_207 : vector<512x256xi1>, vector<512x256xf32>
      %reduce_min3A_209 = arith.constant dense<0x7F800000> : vector<512xf32>
      %reduce_min3A_210 = vector.multi_reduction <minimumf>, %select_n3A_208, %reduce_min3A_209 [1] : vector<512x256xf32> to vector<512xf32>
      %broadcast_in_dim3A_211 = vector.shape_cast %reduce_min3A_210 : vector<512xf32> to vector<512x1xf32>
      %eq3A_212 = vector.broadcast %add3A_186 : vector<1x256xf32> to vector<512x256xf32>
      %eq3A_213 = vector.broadcast %broadcast_in_dim3A_211 : vector<512x1xf32> to vector<512x256xf32>
      %eq3A_214 = arith.cmpf oeq, %eq3A_212, %eq3A_213 : vector<512x256xf32>
      %jit3A_215 = arith.constant 1.000000e+30 : f32
      %broadcast_in_dim3A_216 = vector.broadcast %jit3A_215 : f32 to vector<512x256xf32>
      %select_n3A_217 = arith.select %eq3A_214, %broadcast_in_dim3A_216, %select_n3A_197 : vector<512x256xi1>, vector<512x256xf32>
      %reduce_min3A_218 = arith.constant dense<0x7F800000> : vector<512xf32>
      %reduce_min3A_219 = vector.multi_reduction <minimumf>, %select_n3A_217, %reduce_min3A_218 [1] : vector<512x256xf32> to vector<512xf32>
      %broadcast_in_dim3A_220 = vector.shape_cast %reduce_min3A_219 : vector<512xf32> to vector<512x1xf32>
      %eq3A_221 = vector.broadcast %broadcast_in_dim3A_220 : vector<512x1xf32> to vector<512x256xf32>
      %eq3A_222 = arith.cmpf oeq, %select_n3A_217, %eq3A_221 : vector<512x256xf32>
      %broadcast_in_dim3A_223 = vector.shape_cast %add3A_186 : vector<1x256xf32> to vector<1x256xf32>
      %broadcast_in_dim3A_224 = vector.broadcast %broadcast_in_dim3A_223 : vector<1x256xf32> to vector<512x256xf32>
      %broadcast_in_dim3A_225 = vector.broadcast %while3A_71 : f32 to vector<512x256xf32>
      %select_n3A_226 = arith.select %eq3A_222, %broadcast_in_dim3A_224, %broadcast_in_dim3A_225 : vector<512x256xi1>, vector<512x256xf32>
      %reduce_min3A_227 = arith.constant dense<0x7F800000> : vector<512xf32>
      %reduce_min3A_228 = vector.multi_reduction <minimumf>, %select_n3A_226, %reduce_min3A_227 [1] : vector<512x256xf32> to vector<512xf32>
      %broadcast_in_dim3A_229 = vector.shape_cast %reduce_min3A_228 : vector<512xf32> to vector<512x1xf32>
      %lt3A = arith.cmpf olt, %broadcast_in_dim3A_202, %while3A_176 : vector<512x1xf32>
      %select_n3A_230 = arith.select %lt3A, %broadcast_in_dim3A_202, %while3A_176 : vector<512x1xi1>, vector<512x1xf32>
      %select_n3A_231 = arith.select %lt3A, %broadcast_in_dim3A_211, %while3A_177 : vector<512x1xi1>, vector<512x1xf32>
      %select_n3A_232 = arith.select %lt3A, %while3A_176, %broadcast_in_dim3A_202 : vector<512x1xi1>, vector<512x1xf32>
      %select_n3A_233 = arith.select %lt3A, %while3A_177, %broadcast_in_dim3A_211 : vector<512x1xi1>, vector<512x1xf32>
      %select_n3A_234 = arith.select %lt3A, %broadcast_in_dim3A_220, %while3A_178 : vector<512x1xi1>, vector<512x1xf32>
      %select_n3A_235 = arith.select %lt3A, %broadcast_in_dim3A_229, %while3A_179 : vector<512x1xi1>, vector<512x1xf32>
      %min3A = arith.minimumf %select_n3A_232, %select_n3A_234 : vector<512x1xf32>
      %le3A = arith.cmpf ole, %select_n3A_232, %select_n3A_234 : vector<512x1xf32>
      %select_n3A_236 = arith.select %le3A, %select_n3A_233, %select_n3A_235 : vector<512x1xi1>, vector<512x1xf32>
      scf.yield %select_n3A_230, %select_n3A_231, %min3A, %select_n3A_236 : vector<512x1xf32>, vector<512x1xf32>, vector<512x1xf32>, vector<512x1xf32>
    }
    %broadcast_in_dim3A_82 = arith.constant 3.000000e+38 : f32
    %broadcast_in_dim3A_83 = vector.broadcast %broadcast_in_dim3A_82 : f32 to vector<512x1xf32>
    %broadcast_in_dim3A_84 = arith.constant 0.000000e+00 : f32
    %broadcast_in_dim3A_85 = vector.broadcast %broadcast_in_dim3A_84 : f32 to vector<512x1xf32>
    %while3A_86 = arith.constant 1.024000e+04 : f32
    %while3A_87 = arith.subi %select_n3A_45, %select_n3A : i32
    %while3A_88 = arith.addi %select_n3A, %while3A_87 : i32
    %while3A_89 = arith.constant 1 : i32
    %while3A_90 = arith.divsi %while3A_87, %while3A_89 : i32
    %while3A_91 = arith.muli %while3A_90, %while3A_89 : i32
    %while3A_92 = arith.addi %select_n3A, %while3A_91 : i32
    %while3A_93 = arith.constant 1 : i32
    %while3A_94:4 = scf.for %while3A_175 = %select_n3A to %while3A_92 step %while3A_93 iter_args(%while3A_176 = %broadcast_in_dim3A_83, %while3A_177 = %broadcast_in_dim3A_85, %while3A_178 = %broadcast_in_dim3A_83, %while3A_179 = %broadcast_in_dim3A_85) -> (vector<512x1xf32>, vector<512x1xf32>, vector<512x1xf32>, vector<512x1xf32>)  : i32 {
      %mul3A_180 = arith.constant 256 : i32
      %mul3A_181 = arith.muli %while3A_175, %mul3A_180 : i32
      %mul3A_182 = arith.constant 256 : i32
      %mul3A_183 = arith.muli %while3A_175, %mul3A_182 : i32
      %convert_element_type3A_184 = arith.sitofp %mul3A_183 : i32 to f32
      %add3A_185 = vector.broadcast %convert_element_type3A_184 : f32 to vector<1x256xf32>
      %add3A_186 = arith.addf %convert_element_type3A, %add3A_185 : vector<1x256xf32>
      %get3A_187 = arith.constant 0 : index
      %get3A_188 = arith.index_cast %mul3A_181 : i32 to index
      %get3A_189 = vector.load %arg8[%get3A_187, %get3A_188] : memref<512x10240xf32, #tpu.memory_space<vmem>>, vector<512x256xf32>
      %eq3A = vector.broadcast %add3A_186 : vector<1x256xf32> to vector<512x256xf32>
      %eq3A_190 = vector.broadcast %while3A_81#1 : vector<512x1xf32> to vector<512x256xf32>
      %eq3A_191 = arith.cmpf oeq, %eq3A, %eq3A_190 : vector<512x256xf32>
      %eq3A_192 = vector.broadcast %add3A_186 : vector<1x256xf32> to vector<512x256xf32>
      %eq3A_193 = vector.broadcast %while3A_81#3 : vector<512x1xf32> to vector<512x256xf32>
      %eq3A_194 = arith.cmpf oeq, %eq3A_192, %eq3A_193 : vector<512x256xf32>
      %or3A = arith.ori %eq3A_191, %eq3A_194 : vector<512x256xi1>
      %jit3A_195 = arith.constant 1.000000e+30 : f32
      %broadcast_in_dim3A_196 = vector.broadcast %jit3A_195 : f32 to vector<512x256xf32>
      %select_n3A_197 = arith.select %or3A, %broadcast_in_dim3A_196, %get3A_189 : vector<512x256xi1>, vector<512x256xf32>
      %swap3A_198 = arith.constant 0 : index
      %swap3A_199 = arith.index_cast %mul3A_181 : i32 to index
      %swap3A_200 = vector.load %arg8[%swap3A_198, %swap3A_199] : memref<512x10240xf32, #tpu.memory_space<vmem>>, vector<512x256xf32>
      tpu.vector_store %arg8[%swap3A_198, %swap3A_199], %select_n3A_197 {strides = array<i32>} : memref<512x10240xf32, #tpu.memory_space<vmem>>, vector<512x256xf32>,
      %reduce_min3A = arith.constant dense<0x7F800000> : vector<512xf32>
      %reduce_min3A_201 = vector.multi_reduction <minimumf>, %select_n3A_197, %reduce_min3A [1] : vector<512x256xf32> to vector<512xf32>
      %broadcast_in_dim3A_202 = vector.shape_cast %reduce_min3A_201 : vector<512xf32> to vector<512x1xf32>
      %eq3A_203 = vector.broadcast %broadcast_in_dim3A_202 : vector<512x1xf32> to vector<512x256xf32>
      %eq3A_204 = arith.cmpf oeq, %select_n3A_197, %eq3A_203 : vector<512x256xf32>
      %broadcast_in_dim3A_205 = vector.shape_cast %add3A_186 : vector<1x256xf32> to vector<1x256xf32>
      %broadcast_in_dim3A_206 = vector.broadcast %broadcast_in_dim3A_205 : vector<1x256xf32> to vector<512x256xf32>
      %broadcast_in_dim3A_207 = vector.broadcast %while3A_86 : f32 to vector<512x256xf32>
      %select_n3A_208 = arith.select %eq3A_204, %broadcast_in_dim3A_206, %broadcast_in_dim3A_207 : vector<512x256xi1>, vector<512x256xf32>
      %reduce_min3A_209 = arith.constant dense<0x7F800000> : vector<512xf32>
      %reduce_min3A_210 = vector.multi_reduction <minimumf>, %select_n3A_208, %reduce_min3A_209 [1] : vector<512x256xf32> to vector<512xf32>
      %broadcast_in_dim3A_211 = vector.shape_cast %reduce_min3A_210 : vector<512xf32> to vector<512x1xf32>
      %eq3A_212 = vector.broadcast %add3A_186 : vector<1x256xf32> to vector<512x256xf32>
      %eq3A_213 = vector.broadcast %broadcast_in_dim3A_211 : vector<512x1xf32> to vector<512x256xf32>
      %eq3A_214 = arith.cmpf oeq, %eq3A_212, %eq3A_213 : vector<512x256xf32>
      %jit3A_215 = arith.constant 1.000000e+30 : f32
      %broadcast_in_dim3A_216 = vector.broadcast %jit3A_215 : f32 to vector<512x256xf32>
      %select_n3A_217 = arith.select %eq3A_214, %broadcast_in_dim3A_216, %select_n3A_197 : vector<512x256xi1>, vector<512x256xf32>
      %reduce_min3A_218 = arith.constant dense<0x7F800000> : vector<512xf32>
      %reduce_min3A_219 = vector.multi_reduction <minimumf>, %select_n3A_217, %reduce_min3A_218 [1] : vector<512x256xf32> to vector<512xf32>
      %broadcast_in_dim3A_220 = vector.shape_cast %reduce_min3A_219 : vector<512xf32> to vector<512x1xf32>
      %eq3A_221 = vector.broadcast %broadcast_in_dim3A_220 : vector<512x1xf32> to vector<512x256xf32>
      %eq3A_222 = arith.cmpf oeq, %select_n3A_217, %eq3A_221 : vector<512x256xf32>
      %broadcast_in_dim3A_223 = vector.shape_cast %add3A_186 : vector<1x256xf32> to vector<1x256xf32>
      %broadcast_in_dim3A_224 = vector.broadcast %broadcast_in_dim3A_223 : vector<1x256xf32> to vector<512x256xf32>
      %broadcast_in_dim3A_225 = vector.broadcast %while3A_86 : f32 to vector<512x256xf32>
      %select_n3A_226 = arith.select %eq3A_222, %broadcast_in_dim3A_224, %broadcast_in_dim3A_225 : vector<512x256xi1>, vector<512x256xf32>
      %reduce_min3A_227 = arith.constant dense<0x7F800000> : vector<512xf32>
      %reduce_min3A_228 = vector.multi_reduction <minimumf>, %select_n3A_226, %reduce_min3A_227 [1] : vector<512x256xf32> to vector<512xf32>
      %broadcast_in_dim3A_229 = vector.shape_cast %reduce_min3A_228 : vector<512xf32> to vector<512x1xf32>
      %lt3A = arith.cmpf olt, %broadcast_in_dim3A_202, %while3A_176 : vector<512x1xf32>
      %select_n3A_230 = arith.select %lt3A, %broadcast_in_dim3A_202, %while3A_176 : vector<512x1xi1>, vector<512x1xf32>
      %select_n3A_231 = arith.select %lt3A, %broadcast_in_dim3A_211, %while3A_177 : vector<512x1xi1>, vector<512x1xf32>
      %select_n3A_232 = arith.select %lt3A, %while3A_176, %broadcast_in_dim3A_202 : vector<512x1xi1>, vector<512x1xf32>
      %select_n3A_233 = arith.select %lt3A, %while3A_177, %broadcast_in_dim3A_211 : vector<512x1xi1>, vector<512x1xf32>
      %select_n3A_234 = arith.select %lt3A, %broadcast_in_dim3A_220, %while3A_178 : vector<512x1xi1>, vector<512x1xf32>
      %select_n3A_235 = arith.select %lt3A, %broadcast_in_dim3A_229, %while3A_179 : vector<512x1xi1>, vector<512x1xf32>
      %min3A = arith.minimumf %select_n3A_232, %select_n3A_234 : vector<512x1xf32>
      %le3A = arith.cmpf ole, %select_n3A_232, %select_n3A_234 : vector<512x1xf32>
      %select_n3A_236 = arith.select %le3A, %select_n3A_233, %select_n3A_235 : vector<512x1xi1>, vector<512x1xf32>
      scf.yield %select_n3A_230, %select_n3A_231, %min3A, %select_n3A_236 : vector<512x1xf32>, vector<512x1xf32>, vector<512x1xf32>, vector<512x1xf32>
    }
    %while3A_95 = arith.constant 1 : i32
    %while3A_96:4 = scf.for %while3A_175 = %while3A_92 to %while3A_88 step %while3A_95 iter_args(%while3A_176 = %while3A_94#0, %while3A_177 = %while3A_94#1, %while3A_178 = %while3A_94#2, %while3A_179 = %while3A_94#3) -> (vector<512x1xf32>, vector<512x1xf32>, vector<512x1xf32>, vector<512x1xf32>)  : i32 {
      %mul3A_180 = arith.constant 256 : i32
      %mul3A_181 = arith.muli %while3A_175, %mul3A_180 : i32
      %mul3A_182 = arith.constant 256 : i32
      %mul3A_183 = arith.muli %while3A_175, %mul3A_182 : i32
      %convert_element_type3A_184 = arith.sitofp %mul3A_183 : i32 to f32
      %add3A_185 = vector.broadcast %convert_element_type3A_184 : f32 to vector<1x256xf32>
      %add3A_186 = arith.addf %convert_element_type3A, %add3A_185 : vector<1x256xf32>
      %get3A_187 = arith.constant 0 : index
      %get3A_188 = arith.index_cast %mul3A_181 : i32 to index
      %get3A_189 = vector.load %arg8[%get3A_187, %get3A_188] : memref<512x10240xf32, #tpu.memory_space<vmem>>, vector<512x256xf32>
      %eq3A = vector.broadcast %add3A_186 : vector<1x256xf32> to vector<512x256xf32>
      %eq3A_190 = vector.broadcast %while3A_81#1 : vector<512x1xf32> to vector<512x256xf32>
      %eq3A_191 = arith.cmpf oeq, %eq3A, %eq3A_190 : vector<512x256xf32>
      %eq3A_192 = vector.broadcast %add3A_186 : vector<1x256xf32> to vector<512x256xf32>
      %eq3A_193 = vector.broadcast %while3A_81#3 : vector<512x1xf32> to vector<512x256xf32>
      %eq3A_194 = arith.cmpf oeq, %eq3A_192, %eq3A_193 : vector<512x256xf32>
      %or3A = arith.ori %eq3A_191, %eq3A_194 : vector<512x256xi1>
      %jit3A_195 = arith.constant 1.000000e+30 : f32
      %broadcast_in_dim3A_196 = vector.broadcast %jit3A_195 : f32 to vector<512x256xf32>
      %select_n3A_197 = arith.select %or3A, %broadcast_in_dim3A_196, %get3A_189 : vector<512x256xi1>, vector<512x256xf32>
      %swap3A_198 = arith.constant 0 : index
      %swap3A_199 = arith.index_cast %mul3A_181 : i32 to index
      %swap3A_200 = vector.load %arg8[%swap3A_198, %swap3A_199] : memref<512x10240xf32, #tpu.memory_space<vmem>>, vector<512x256xf32>
      tpu.vector_store %arg8[%swap3A_198, %swap3A_199], %select_n3A_197 {strides = array<i32>} : memref<512x10240xf32, #tpu.memory_space<vmem>>, vector<512x256xf32>,
      %reduce_min3A = arith.constant dense<0x7F800000> : vector<512xf32>
      %reduce_min3A_201 = vector.multi_reduction <minimumf>, %select_n3A_197, %reduce_min3A [1] : vector<512x256xf32> to vector<512xf32>
      %broadcast_in_dim3A_202 = vector.shape_cast %reduce_min3A_201 : vector<512xf32> to vector<512x1xf32>
      %eq3A_203 = vector.broadcast %broadcast_in_dim3A_202 : vector<512x1xf32> to vector<512x256xf32>
      %eq3A_204 = arith.cmpf oeq, %select_n3A_197, %eq3A_203 : vector<512x256xf32>
      %broadcast_in_dim3A_205 = vector.shape_cast %add3A_186 : vector<1x256xf32> to vector<1x256xf32>
      %broadcast_in_dim3A_206 = vector.broadcast %broadcast_in_dim3A_205 : vector<1x256xf32> to vector<512x256xf32>
      %broadcast_in_dim3A_207 = vector.broadcast %while3A_86 : f32 to vector<512x256xf32>
      %select_n3A_208 = arith.select %eq3A_204, %broadcast_in_dim3A_206, %broadcast_in_dim3A_207 : vector<512x256xi1>, vector<512x256xf32>
      %reduce_min3A_209 = arith.constant dense<0x7F800000> : vector<512xf32>
      %reduce_min3A_210 = vector.multi_reduction <minimumf>, %select_n3A_208, %reduce_min3A_209 [1] : vector<512x256xf32> to vector<512xf32>
      %broadcast_in_dim3A_211 = vector.shape_cast %reduce_min3A_210 : vector<512xf32> to vector<512x1xf32>
      %eq3A_212 = vector.broadcast %add3A_186 : vector<1x256xf32> to vector<512x256xf32>
      %eq3A_213 = vector.broadcast %broadcast_in_dim3A_211 : vector<512x1xf32> to vector<512x256xf32>
      %eq3A_214 = arith.cmpf oeq, %eq3A_212, %eq3A_213 : vector<512x256xf32>
      %jit3A_215 = arith.constant 1.000000e+30 : f32
      %broadcast_in_dim3A_216 = vector.broadcast %jit3A_215 : f32 to vector<512x256xf32>
      %select_n3A_217 = arith.select %eq3A_214, %broadcast_in_dim3A_216, %select_n3A_197 : vector<512x256xi1>, vector<512x256xf32>
      %reduce_min3A_218 = arith.constant dense<0x7F800000> : vector<512xf32>
      %reduce_min3A_219 = vector.multi_reduction <minimumf>, %select_n3A_217, %reduce_min3A_218 [1] : vector<512x256xf32> to vector<512xf32>
      %broadcast_in_dim3A_220 = vector.shape_cast %reduce_min3A_219 : vector<512xf32> to vector<512x1xf32>
      %eq3A_221 = vector.broadcast %broadcast_in_dim3A_220 : vector<512x1xf32> to vector<512x256xf32>
      %eq3A_222 = arith.cmpf oeq, %select_n3A_217, %eq3A_221 : vector<512x256xf32>
      %broadcast_in_dim3A_223 = vector.shape_cast %add3A_186 : vector<1x256xf32> to vector<1x256xf32>
      %broadcast_in_dim3A_224 = vector.broadcast %broadcast_in_dim3A_223 : vector<1x256xf32> to vector<512x256xf32>
      %broadcast_in_dim3A_225 = vector.broadcast %while3A_86 : f32 to vector<512x256xf32>
      %select_n3A_226 = arith.select %eq3A_222, %broadcast_in_dim3A_224, %broadcast_in_dim3A_225 : vector<512x256xi1>, vector<512x256xf32>
      %reduce_min3A_227 = arith.constant dense<0x7F800000> : vector<512xf32>
      %reduce_min3A_228 = vector.multi_reduction <minimumf>, %select_n3A_226, %reduce_min3A_227 [1] : vector<512x256xf32> to vector<512xf32>
      %broadcast_in_dim3A_229 = vector.shape_cast %reduce_min3A_228 : vector<512xf32> to vector<512x1xf32>
      %lt3A = arith.cmpf olt, %broadcast_in_dim3A_202, %while3A_176 : vector<512x1xf32>
      %select_n3A_230 = arith.select %lt3A, %broadcast_in_dim3A_202, %while3A_176 : vector<512x1xi1>, vector<512x1xf32>
      %select_n3A_231 = arith.select %lt3A, %broadcast_in_dim3A_211, %while3A_177 : vector<512x1xi1>, vector<512x1xf32>
      %select_n3A_232 = arith.select %lt3A, %while3A_176, %broadcast_in_dim3A_202 : vector<512x1xi1>, vector<512x1xf32>
      %select_n3A_233 = arith.select %lt3A, %while3A_177, %broadcast_in_dim3A_211 : vector<512x1xi1>, vector<512x1xf32>
      %select_n3A_234 = arith.select %lt3A, %broadcast_in_dim3A_220, %while3A_178 : vector<512x1xi1>, vector<512x1xf32>
      %select_n3A_235 = arith.select %lt3A, %broadcast_in_dim3A_229, %while3A_179 : vector<512x1xi1>, vector<512x1xf32>
      %min3A = arith.minimumf %select_n3A_232, %select_n3A_234 : vector<512x1xf32>
      %le3A = arith.cmpf ole, %select_n3A_232, %select_n3A_234 : vector<512x1xf32>
      %select_n3A_236 = arith.select %le3A, %select_n3A_233, %select_n3A_235 : vector<512x1xi1>, vector<512x1xf32>
      scf.yield %select_n3A_230, %select_n3A_231, %min3A, %select_n3A_236 : vector<512x1xf32>, vector<512x1xf32>, vector<512x1xf32>, vector<512x1xf32>
    }
    %broadcast_in_dim3A_97 = arith.constant 3.000000e+38 : f32
    %broadcast_in_dim3A_98 = vector.broadcast %broadcast_in_dim3A_97 : f32 to vector<512x1xf32>
    %broadcast_in_dim3A_99 = arith.constant 0.000000e+00 : f32
    %broadcast_in_dim3A_100 = vector.broadcast %broadcast_in_dim3A_99 : f32 to vector<512x1xf32>
    %while3A_101 = arith.constant 1.024000e+04 : f32
    %while3A_102 = arith.subi %select_n3A_45, %select_n3A : i32
    %while3A_103 = arith.addi %select_n3A, %while3A_102 : i32
    %while3A_104 = arith.constant 1 : i32
    %while3A_105 = arith.divsi %while3A_102, %while3A_104 : i32
    %while3A_106 = arith.muli %while3A_105, %while3A_104 : i32
    %while3A_107 = arith.addi %select_n3A, %while3A_106 : i32
    %while3A_108 = arith.constant 1 : i32
    %while3A_109:4 = scf.for %while3A_175 = %select_n3A to %while3A_107 step %while3A_108 iter_args(%while3A_176 = %broadcast_in_dim3A_98, %while3A_177 = %broadcast_in_dim3A_100, %while3A_178 = %broadcast_in_dim3A_98, %while3A_179 = %broadcast_in_dim3A_100) -> (vector<512x1xf32>, vector<512x1xf32>, vector<512x1xf32>, vector<512x1xf32>)  : i32 {
      %mul3A_180 = arith.constant 256 : i32
      %mul3A_181 = arith.muli %while3A_175, %mul3A_180 : i32
      %mul3A_182 = arith.constant 256 : i32
      %mul3A_183 = arith.muli %while3A_175, %mul3A_182 : i32
      %convert_element_type3A_184 = arith.sitofp %mul3A_183 : i32 to f32
      %add3A_185 = vector.broadcast %convert_element_type3A_184 : f32 to vector<1x256xf32>
      %add3A_186 = arith.addf %convert_element_type3A, %add3A_185 : vector<1x256xf32>
      %get3A_187 = arith.constant 0 : index
      %get3A_188 = arith.index_cast %mul3A_181 : i32 to index
      %get3A_189 = vector.load %arg8[%get3A_187, %get3A_188] : memref<512x10240xf32, #tpu.memory_space<vmem>>, vector<512x256xf32>
      %eq3A = vector.broadcast %add3A_186 : vector<1x256xf32> to vector<512x256xf32>
      %eq3A_190 = vector.broadcast %while3A_96#1 : vector<512x1xf32> to vector<512x256xf32>
      %eq3A_191 = arith.cmpf oeq, %eq3A, %eq3A_190 : vector<512x256xf32>
      %eq3A_192 = vector.broadcast %add3A_186 : vector<1x256xf32> to vector<512x256xf32>
      %eq3A_193 = vector.broadcast %while3A_96#3 : vector<512x1xf32> to vector<512x256xf32>
      %eq3A_194 = arith.cmpf oeq, %eq3A_192, %eq3A_193 : vector<512x256xf32>
      %or3A = arith.ori %eq3A_191, %eq3A_194 : vector<512x256xi1>
      %jit3A_195 = arith.constant 1.000000e+30 : f32
      %broadcast_in_dim3A_196 = vector.broadcast %jit3A_195 : f32 to vector<512x256xf32>
      %select_n3A_197 = arith.select %or3A, %broadcast_in_dim3A_196, %get3A_189 : vector<512x256xi1>, vector<512x256xf32>
      %swap3A_198 = arith.constant 0 : index
      %swap3A_199 = arith.index_cast %mul3A_181 : i32 to index
      %swap3A_200 = vector.load %arg8[%swap3A_198, %swap3A_199] : memref<512x10240xf32, #tpu.memory_space<vmem>>, vector<512x256xf32>
      tpu.vector_store %arg8[%swap3A_198, %swap3A_199], %select_n3A_197 {strides = array<i32>} : memref<512x10240xf32, #tpu.memory_space<vmem>>, vector<512x256xf32>,
      %reduce_min3A = arith.constant dense<0x7F800000> : vector<512xf32>
      %reduce_min3A_201 = vector.multi_reduction <minimumf>, %select_n3A_197, %reduce_min3A [1] : vector<512x256xf32> to vector<512xf32>
      %broadcast_in_dim3A_202 = vector.shape_cast %reduce_min3A_201 : vector<512xf32> to vector<512x1xf32>
      %eq3A_203 = vector.broadcast %broadcast_in_dim3A_202 : vector<512x1xf32> to vector<512x256xf32>
      %eq3A_204 = arith.cmpf oeq, %select_n3A_197, %eq3A_203 : vector<512x256xf32>
      %broadcast_in_dim3A_205 = vector.shape_cast %add3A_186 : vector<1x256xf32> to vector<1x256xf32>
      %broadcast_in_dim3A_206 = vector.broadcast %broadcast_in_dim3A_205 : vector<1x256xf32> to vector<512x256xf32>
      %broadcast_in_dim3A_207 = vector.broadcast %while3A_101 : f32 to vector<512x256xf32>
      %select_n3A_208 = arith.select %eq3A_204, %broadcast_in_dim3A_206, %broadcast_in_dim3A_207 : vector<512x256xi1>, vector<512x256xf32>
      %reduce_min3A_209 = arith.constant dense<0x7F800000> : vector<512xf32>
      %reduce_min3A_210 = vector.multi_reduction <minimumf>, %select_n3A_208, %reduce_min3A_209 [1] : vector<512x256xf32> to vector<512xf32>
      %broadcast_in_dim3A_211 = vector.shape_cast %reduce_min3A_210 : vector<512xf32> to vector<512x1xf32>
      %eq3A_212 = vector.broadcast %add3A_186 : vector<1x256xf32> to vector<512x256xf32>
      %eq3A_213 = vector.broadcast %broadcast_in_dim3A_211 : vector<512x1xf32> to vector<512x256xf32>
      %eq3A_214 = arith.cmpf oeq, %eq3A_212, %eq3A_213 : vector<512x256xf32>
      %jit3A_215 = arith.constant 1.000000e+30 : f32
      %broadcast_in_dim3A_216 = vector.broadcast %jit3A_215 : f32 to vector<512x256xf32>
      %select_n3A_217 = arith.select %eq3A_214, %broadcast_in_dim3A_216, %select_n3A_197 : vector<512x256xi1>, vector<512x256xf32>
      %reduce_min3A_218 = arith.constant dense<0x7F800000> : vector<512xf32>
      %reduce_min3A_219 = vector.multi_reduction <minimumf>, %select_n3A_217, %reduce_min3A_218 [1] : vector<512x256xf32> to vector<512xf32>
      %broadcast_in_dim3A_220 = vector.shape_cast %reduce_min3A_219 : vector<512xf32> to vector<512x1xf32>
      %eq3A_221 = vector.broadcast %broadcast_in_dim3A_220 : vector<512x1xf32> to vector<512x256xf32>
      %eq3A_222 = arith.cmpf oeq, %select_n3A_217, %eq3A_221 : vector<512x256xf32>
      %broadcast_in_dim3A_223 = vector.shape_cast %add3A_186 : vector<1x256xf32> to vector<1x256xf32>
      %broadcast_in_dim3A_224 = vector.broadcast %broadcast_in_dim3A_223 : vector<1x256xf32> to vector<512x256xf32>
      %broadcast_in_dim3A_225 = vector.broadcast %while3A_101 : f32 to vector<512x256xf32>
      %select_n3A_226 = arith.select %eq3A_222, %broadcast_in_dim3A_224, %broadcast_in_dim3A_225 : vector<512x256xi1>, vector<512x256xf32>
      %reduce_min3A_227 = arith.constant dense<0x7F800000> : vector<512xf32>
      %reduce_min3A_228 = vector.multi_reduction <minimumf>, %select_n3A_226, %reduce_min3A_227 [1] : vector<512x256xf32> to vector<512xf32>
      %broadcast_in_dim3A_229 = vector.shape_cast %reduce_min3A_228 : vector<512xf32> to vector<512x1xf32>
      %lt3A = arith.cmpf olt, %broadcast_in_dim3A_202, %while3A_176 : vector<512x1xf32>
      %select_n3A_230 = arith.select %lt3A, %broadcast_in_dim3A_202, %while3A_176 : vector<512x1xi1>, vector<512x1xf32>
      %select_n3A_231 = arith.select %lt3A, %broadcast_in_dim3A_211, %while3A_177 : vector<512x1xi1>, vector<512x1xf32>
      %select_n3A_232 = arith.select %lt3A, %while3A_176, %broadcast_in_dim3A_202 : vector<512x1xi1>, vector<512x1xf32>
      %select_n3A_233 = arith.select %lt3A, %while3A_177, %broadcast_in_dim3A_211 : vector<512x1xi1>, vector<512x1xf32>
      %select_n3A_234 = arith.select %lt3A, %broadcast_in_dim3A_220, %while3A_178 : vector<512x1xi1>, vector<512x1xf32>
      %select_n3A_235 = arith.select %lt3A, %broadcast_in_dim3A_229, %while3A_179 : vector<512x1xi1>, vector<512x1xf32>
      %min3A = arith.minimumf %select_n3A_232, %select_n3A_234 : vector<512x1xf32>
      %le3A = arith.cmpf ole, %select_n3A_232, %select_n3A_234 : vector<512x1xf32>
      %select_n3A_236 = arith.select %le3A, %select_n3A_233, %select_n3A_235 : vector<512x1xi1>, vector<512x1xf32>
      scf.yield %select_n3A_230, %select_n3A_231, %min3A, %select_n3A_236 : vector<512x1xf32>, vector<512x1xf32>, vector<512x1xf32>, vector<512x1xf32>
    }
    %while3A_110 = arith.constant 1 : i32
    %while3A_111:4 = scf.for %while3A_175 = %while3A_107 to %while3A_103 step %while3A_110 iter_args(%while3A_176 = %while3A_109#0, %while3A_177 = %while3A_109#1, %while3A_178 = %while3A_109#2, %while3A_179 = %while3A_109#3) -> (vector<512x1xf32>, vector<512x1xf32>, vector<512x1xf32>, vector<512x1xf32>)  : i32 {
      %mul3A_180 = arith.constant 256 : i32
      %mul3A_181 = arith.muli %while3A_175, %mul3A_180 : i32
      %mul3A_182 = arith.constant 256 : i32
      %mul3A_183 = arith.muli %while3A_175, %mul3A_182 : i32
      %convert_element_type3A_184 = arith.sitofp %mul3A_183 : i32 to f32
      %add3A_185 = vector.broadcast %convert_element_type3A_184 : f32 to vector<1x256xf32>
      %add3A_186 = arith.addf %convert_element_type3A, %add3A_185 : vector<1x256xf32>
      %get3A_187 = arith.constant 0 : index
      %get3A_188 = arith.index_cast %mul3A_181 : i32 to index
      %get3A_189 = vector.load %arg8[%get3A_187, %get3A_188] : memref<512x10240xf32, #tpu.memory_space<vmem>>, vector<512x256xf32>
      %eq3A = vector.broadcast %add3A_186 : vector<1x256xf32> to vector<512x256xf32>
      %eq3A_190 = vector.broadcast %while3A_96#1 : vector<512x1xf32> to vector<512x256xf32>
      %eq3A_191 = arith.cmpf oeq, %eq3A, %eq3A_190 : vector<512x256xf32>
      %eq3A_192 = vector.broadcast %add3A_186 : vector<1x256xf32> to vector<512x256xf32>
      %eq3A_193 = vector.broadcast %while3A_96#3 : vector<512x1xf32> to vector<512x256xf32>
      %eq3A_194 = arith.cmpf oeq, %eq3A_192, %eq3A_193 : vector<512x256xf32>
      %or3A = arith.ori %eq3A_191, %eq3A_194 : vector<512x256xi1>
      %jit3A_195 = arith.constant 1.000000e+30 : f32
      %broadcast_in_dim3A_196 = vector.broadcast %jit3A_195 : f32 to vector<512x256xf32>
      %select_n3A_197 = arith.select %or3A, %broadcast_in_dim3A_196, %get3A_189 : vector<512x256xi1>, vector<512x256xf32>
      %swap3A_198 = arith.constant 0 : index
      %swap3A_199 = arith.index_cast %mul3A_181 : i32 to index
      %swap3A_200 = vector.load %arg8[%swap3A_198, %swap3A_199] : memref<512x10240xf32, #tpu.memory_space<vmem>>, vector<512x256xf32>
      tpu.vector_store %arg8[%swap3A_198, %swap3A_199], %select_n3A_197 {strides = array<i32>} : memref<512x10240xf32, #tpu.memory_space<vmem>>, vector<512x256xf32>,
      %reduce_min3A = arith.constant dense<0x7F800000> : vector<512xf32>
      %reduce_min3A_201 = vector.multi_reduction <minimumf>, %select_n3A_197, %reduce_min3A [1] : vector<512x256xf32> to vector<512xf32>
      %broadcast_in_dim3A_202 = vector.shape_cast %reduce_min3A_201 : vector<512xf32> to vector<512x1xf32>
      %eq3A_203 = vector.broadcast %broadcast_in_dim3A_202 : vector<512x1xf32> to vector<512x256xf32>
      %eq3A_204 = arith.cmpf oeq, %select_n3A_197, %eq3A_203 : vector<512x256xf32>
      %broadcast_in_dim3A_205 = vector.shape_cast %add3A_186 : vector<1x256xf32> to vector<1x256xf32>
      %broadcast_in_dim3A_206 = vector.broadcast %broadcast_in_dim3A_205 : vector<1x256xf32> to vector<512x256xf32>
      %broadcast_in_dim3A_207 = vector.broadcast %while3A_101 : f32 to vector<512x256xf32>
      %select_n3A_208 = arith.select %eq3A_204, %broadcast_in_dim3A_206, %broadcast_in_dim3A_207 : vector<512x256xi1>, vector<512x256xf32>
      %reduce_min3A_209 = arith.constant dense<0x7F800000> : vector<512xf32>
      %reduce_min3A_210 = vector.multi_reduction <minimumf>, %select_n3A_208, %reduce_min3A_209 [1] : vector<512x256xf32> to vector<512xf32>
      %broadcast_in_dim3A_211 = vector.shape_cast %reduce_min3A_210 : vector<512xf32> to vector<512x1xf32>
      %eq3A_212 = vector.broadcast %add3A_186 : vector<1x256xf32> to vector<512x256xf32>
      %eq3A_213 = vector.broadcast %broadcast_in_dim3A_211 : vector<512x1xf32> to vector<512x256xf32>
      %eq3A_214 = arith.cmpf oeq, %eq3A_212, %eq3A_213 : vector<512x256xf32>
      %jit3A_215 = arith.constant 1.000000e+30 : f32
      %broadcast_in_dim3A_216 = vector.broadcast %jit3A_215 : f32 to vector<512x256xf32>
      %select_n3A_217 = arith.select %eq3A_214, %broadcast_in_dim3A_216, %select_n3A_197 : vector<512x256xi1>, vector<512x256xf32>
      %reduce_min3A_218 = arith.constant dense<0x7F800000> : vector<512xf32>
      %reduce_min3A_219 = vector.multi_reduction <minimumf>, %select_n3A_217, %reduce_min3A_218 [1] : vector<512x256xf32> to vector<512xf32>
      %broadcast_in_dim3A_220 = vector.shape_cast %reduce_min3A_219 : vector<512xf32> to vector<512x1xf32>
      %eq3A_221 = vector.broadcast %broadcast_in_dim3A_220 : vector<512x1xf32> to vector<512x256xf32>
      %eq3A_222 = arith.cmpf oeq, %select_n3A_217, %eq3A_221 : vector<512x256xf32>
      %broadcast_in_dim3A_223 = vector.shape_cast %add3A_186 : vector<1x256xf32> to vector<1x256xf32>
      %broadcast_in_dim3A_224 = vector.broadcast %broadcast_in_dim3A_223 : vector<1x256xf32> to vector<512x256xf32>
      %broadcast_in_dim3A_225 = vector.broadcast %while3A_101 : f32 to vector<512x256xf32>
      %select_n3A_226 = arith.select %eq3A_222, %broadcast_in_dim3A_224, %broadcast_in_dim3A_225 : vector<512x256xi1>, vector<512x256xf32>
      %reduce_min3A_227 = arith.constant dense<0x7F800000> : vector<512xf32>
      %reduce_min3A_228 = vector.multi_reduction <minimumf>, %select_n3A_226, %reduce_min3A_227 [1] : vector<512x256xf32> to vector<512xf32>
      %broadcast_in_dim3A_229 = vector.shape_cast %reduce_min3A_228 : vector<512xf32> to vector<512x1xf32>
      %lt3A = arith.cmpf olt, %broadcast_in_dim3A_202, %while3A_176 : vector<512x1xf32>
      %select_n3A_230 = arith.select %lt3A, %broadcast_in_dim3A_202, %while3A_176 : vector<512x1xi1>, vector<512x1xf32>
      %select_n3A_231 = arith.select %lt3A, %broadcast_in_dim3A_211, %while3A_177 : vector<512x1xi1>, vector<512x1xf32>
      %select_n3A_232 = arith.select %lt3A, %while3A_176, %broadcast_in_dim3A_202 : vector<512x1xi1>, vector<512x1xf32>
      %select_n3A_233 = arith.select %lt3A, %while3A_177, %broadcast_in_dim3A_211 : vector<512x1xi1>, vector<512x1xf32>
      %select_n3A_234 = arith.select %lt3A, %broadcast_in_dim3A_220, %while3A_178 : vector<512x1xi1>, vector<512x1xf32>
      %select_n3A_235 = arith.select %lt3A, %broadcast_in_dim3A_229, %while3A_179 : vector<512x1xi1>, vector<512x1xf32>
      %min3A = arith.minimumf %select_n3A_232, %select_n3A_234 : vector<512x1xf32>
      %le3A = arith.cmpf ole, %select_n3A_232, %select_n3A_234 : vector<512x1xf32>
      %select_n3A_236 = arith.select %le3A, %select_n3A_233, %select_n3A_235 : vector<512x1xi1>, vector<512x1xf32>
      scf.yield %select_n3A_230, %select_n3A_231, %min3A, %select_n3A_236 : vector<512x1xf32>, vector<512x1xf32>, vector<512x1xf32>, vector<512x1xf32>
    }
    %broadcast_in_dim3A_112 = arith.constant 3.000000e+38 : f32
    %broadcast_in_dim3A_113 = vector.broadcast %broadcast_in_dim3A_112 : f32 to vector<512x1xf32>
    %broadcast_in_dim3A_114 = arith.constant 0.000000e+00 : f32
    %broadcast_in_dim3A_115 = vector.broadcast %broadcast_in_dim3A_114 : f32 to vector<512x1xf32>
    %while3A_116 = arith.constant 1.024000e+04 : f32
    %while3A_117 = arith.subi %select_n3A_45, %select_n3A : i32
    %while3A_118 = arith.addi %select_n3A, %while3A_117 : i32
    %while3A_119 = arith.constant 1 : i32
    %while3A_120 = arith.divsi %while3A_117, %while3A_119 : i32
    %while3A_121 = arith.muli %while3A_120, %while3A_119 : i32
    %while3A_122 = arith.addi %select_n3A, %while3A_121 : i32
    %while3A_123 = arith.constant 1 : i32
    %while3A_124:4 = scf.for %while3A_175 = %select_n3A to %while3A_122 step %while3A_123 iter_args(%while3A_176 = %broadcast_in_dim3A_113, %while3A_177 = %broadcast_in_dim3A_115, %while3A_178 = %broadcast_in_dim3A_113, %while3A_179 = %broadcast_in_dim3A_115) -> (vector<512x1xf32>, vector<512x1xf32>, vector<512x1xf32>, vector<512x1xf32>)  : i32 {
      %mul3A_180 = arith.constant 256 : i32
      %mul3A_181 = arith.muli %while3A_175, %mul3A_180 : i32
      %mul3A_182 = arith.constant 256 : i32
      %mul3A_183 = arith.muli %while3A_175, %mul3A_182 : i32
      %convert_element_type3A_184 = arith.sitofp %mul3A_183 : i32 to f32
      %add3A_185 = vector.broadcast %convert_element_type3A_184 : f32 to vector<1x256xf32>
      %add3A_186 = arith.addf %convert_element_type3A, %add3A_185 : vector<1x256xf32>
      %get3A_187 = arith.constant 0 : index
      %get3A_188 = arith.index_cast %mul3A_181 : i32 to index
      %get3A_189 = vector.load %arg8[%get3A_187, %get3A_188] : memref<512x10240xf32, #tpu.memory_space<vmem>>, vector<512x256xf32>
      %eq3A = vector.broadcast %add3A_186 : vector<1x256xf32> to vector<512x256xf32>
      %eq3A_190 = vector.broadcast %while3A_111#1 : vector<512x1xf32> to vector<512x256xf32>
      %eq3A_191 = arith.cmpf oeq, %eq3A, %eq3A_190 : vector<512x256xf32>
      %eq3A_192 = vector.broadcast %add3A_186 : vector<1x256xf32> to vector<512x256xf32>
      %eq3A_193 = vector.broadcast %while3A_111#3 : vector<512x1xf32> to vector<512x256xf32>
      %eq3A_194 = arith.cmpf oeq, %eq3A_192, %eq3A_193 : vector<512x256xf32>
      %or3A = arith.ori %eq3A_191, %eq3A_194 : vector<512x256xi1>
      %jit3A_195 = arith.constant 1.000000e+30 : f32
      %broadcast_in_dim3A_196 = vector.broadcast %jit3A_195 : f32 to vector<512x256xf32>
      %select_n3A_197 = arith.select %or3A, %broadcast_in_dim3A_196, %get3A_189 : vector<512x256xi1>, vector<512x256xf32>
      %swap3A_198 = arith.constant 0 : index
      %swap3A_199 = arith.index_cast %mul3A_181 : i32 to index
      %swap3A_200 = vector.load %arg8[%swap3A_198, %swap3A_199] : memref<512x10240xf32, #tpu.memory_space<vmem>>, vector<512x256xf32>
      tpu.vector_store %arg8[%swap3A_198, %swap3A_199], %select_n3A_197 {strides = array<i32>} : memref<512x10240xf32, #tpu.memory_space<vmem>>, vector<512x256xf32>,
      %reduce_min3A = arith.constant dense<0x7F800000> : vector<512xf32>
      %reduce_min3A_201 = vector.multi_reduction <minimumf>, %select_n3A_197, %reduce_min3A [1] : vector<512x256xf32> to vector<512xf32>
      %broadcast_in_dim3A_202 = vector.shape_cast %reduce_min3A_201 : vector<512xf32> to vector<512x1xf32>
      %eq3A_203 = vector.broadcast %broadcast_in_dim3A_202 : vector<512x1xf32> to vector<512x256xf32>
      %eq3A_204 = arith.cmpf oeq, %select_n3A_197, %eq3A_203 : vector<512x256xf32>
      %broadcast_in_dim3A_205 = vector.shape_cast %add3A_186 : vector<1x256xf32> to vector<1x256xf32>
      %broadcast_in_dim3A_206 = vector.broadcast %broadcast_in_dim3A_205 : vector<1x256xf32> to vector<512x256xf32>
      %broadcast_in_dim3A_207 = vector.broadcast %while3A_116 : f32 to vector<512x256xf32>
      %select_n3A_208 = arith.select %eq3A_204, %broadcast_in_dim3A_206, %broadcast_in_dim3A_207 : vector<512x256xi1>, vector<512x256xf32>
      %reduce_min3A_209 = arith.constant dense<0x7F800000> : vector<512xf32>
      %reduce_min3A_210 = vector.multi_reduction <minimumf>, %select_n3A_208, %reduce_min3A_209 [1] : vector<512x256xf32> to vector<512xf32>
      %broadcast_in_dim3A_211 = vector.shape_cast %reduce_min3A_210 : vector<512xf32> to vector<512x1xf32>
      %eq3A_212 = vector.broadcast %add3A_186 : vector<1x256xf32> to vector<512x256xf32>
      %eq3A_213 = vector.broadcast %broadcast_in_dim3A_211 : vector<512x1xf32> to vector<512x256xf32>
      %eq3A_214 = arith.cmpf oeq, %eq3A_212, %eq3A_213 : vector<512x256xf32>
      %jit3A_215 = arith.constant 1.000000e+30 : f32
      %broadcast_in_dim3A_216 = vector.broadcast %jit3A_215 : f32 to vector<512x256xf32>
      %select_n3A_217 = arith.select %eq3A_214, %broadcast_in_dim3A_216, %select_n3A_197 : vector<512x256xi1>, vector<512x256xf32>
      %reduce_min3A_218 = arith.constant dense<0x7F800000> : vector<512xf32>
      %reduce_min3A_219 = vector.multi_reduction <minimumf>, %select_n3A_217, %reduce_min3A_218 [1] : vector<512x256xf32> to vector<512xf32>
      %broadcast_in_dim3A_220 = vector.shape_cast %reduce_min3A_219 : vector<512xf32> to vector<512x1xf32>
      %eq3A_221 = vector.broadcast %broadcast_in_dim3A_220 : vector<512x1xf32> to vector<512x256xf32>
      %eq3A_222 = arith.cmpf oeq, %select_n3A_217, %eq3A_221 : vector<512x256xf32>
      %broadcast_in_dim3A_223 = vector.shape_cast %add3A_186 : vector<1x256xf32> to vector<1x256xf32>
      %broadcast_in_dim3A_224 = vector.broadcast %broadcast_in_dim3A_223 : vector<1x256xf32> to vector<512x256xf32>
      %broadcast_in_dim3A_225 = vector.broadcast %while3A_116 : f32 to vector<512x256xf32>
      %select_n3A_226 = arith.select %eq3A_222, %broadcast_in_dim3A_224, %broadcast_in_dim3A_225 : vector<512x256xi1>, vector<512x256xf32>
      %reduce_min3A_227 = arith.constant dense<0x7F800000> : vector<512xf32>
      %reduce_min3A_228 = vector.multi_reduction <minimumf>, %select_n3A_226, %reduce_min3A_227 [1] : vector<512x256xf32> to vector<512xf32>
      %broadcast_in_dim3A_229 = vector.shape_cast %reduce_min3A_228 : vector<512xf32> to vector<512x1xf32>
      %lt3A = arith.cmpf olt, %broadcast_in_dim3A_202, %while3A_176 : vector<512x1xf32>
      %select_n3A_230 = arith.select %lt3A, %broadcast_in_dim3A_202, %while3A_176 : vector<512x1xi1>, vector<512x1xf32>
      %select_n3A_231 = arith.select %lt3A, %broadcast_in_dim3A_211, %while3A_177 : vector<512x1xi1>, vector<512x1xf32>
      %select_n3A_232 = arith.select %lt3A, %while3A_176, %broadcast_in_dim3A_202 : vector<512x1xi1>, vector<512x1xf32>
      %select_n3A_233 = arith.select %lt3A, %while3A_177, %broadcast_in_dim3A_211 : vector<512x1xi1>, vector<512x1xf32>
      %select_n3A_234 = arith.select %lt3A, %broadcast_in_dim3A_220, %while3A_178 : vector<512x1xi1>, vector<512x1xf32>
      %select_n3A_235 = arith.select %lt3A, %broadcast_in_dim3A_229, %while3A_179 : vector<512x1xi1>, vector<512x1xf32>
      %min3A = arith.minimumf %select_n3A_232, %select_n3A_234 : vector<512x1xf32>
      %le3A = arith.cmpf ole, %select_n3A_232, %select_n3A_234 : vector<512x1xf32>
      %select_n3A_236 = arith.select %le3A, %select_n3A_233, %select_n3A_235 : vector<512x1xi1>, vector<512x1xf32>
      scf.yield %select_n3A_230, %select_n3A_231, %min3A, %select_n3A_236 : vector<512x1xf32>, vector<512x1xf32>, vector<512x1xf32>, vector<512x1xf32>
    }
    %while3A_125 = arith.constant 1 : i32
    %while3A_126:4 = scf.for %while3A_175 = %while3A_122 to %while3A_118 step %while3A_125 iter_args(%while3A_176 = %while3A_124#0, %while3A_177 = %while3A_124#1, %while3A_178 = %while3A_124#2, %while3A_179 = %while3A_124#3) -> (vector<512x1xf32>, vector<512x1xf32>, vector<512x1xf32>, vector<512x1xf32>)  : i32 {
      %mul3A_180 = arith.constant 256 : i32
      %mul3A_181 = arith.muli %while3A_175, %mul3A_180 : i32
      %mul3A_182 = arith.constant 256 : i32
      %mul3A_183 = arith.muli %while3A_175, %mul3A_182 : i32
      %convert_element_type3A_184 = arith.sitofp %mul3A_183 : i32 to f32
      %add3A_185 = vector.broadcast %convert_element_type3A_184 : f32 to vector<1x256xf32>
      %add3A_186 = arith.addf %convert_element_type3A, %add3A_185 : vector<1x256xf32>
      %get3A_187 = arith.constant 0 : index
      %get3A_188 = arith.index_cast %mul3A_181 : i32 to index
      %get3A_189 = vector.load %arg8[%get3A_187, %get3A_188] : memref<512x10240xf32, #tpu.memory_space<vmem>>, vector<512x256xf32>
      %eq3A = vector.broadcast %add3A_186 : vector<1x256xf32> to vector<512x256xf32>
      %eq3A_190 = vector.broadcast %while3A_111#1 : vector<512x1xf32> to vector<512x256xf32>
      %eq3A_191 = arith.cmpf oeq, %eq3A, %eq3A_190 : vector<512x256xf32>
      %eq3A_192 = vector.broadcast %add3A_186 : vector<1x256xf32> to vector<512x256xf32>
      %eq3A_193 = vector.broadcast %while3A_111#3 : vector<512x1xf32> to vector<512x256xf32>
      %eq3A_194 = arith.cmpf oeq, %eq3A_192, %eq3A_193 : vector<512x256xf32>
      %or3A = arith.ori %eq3A_191, %eq3A_194 : vector<512x256xi1>
      %jit3A_195 = arith.constant 1.000000e+30 : f32
      %broadcast_in_dim3A_196 = vector.broadcast %jit3A_195 : f32 to vector<512x256xf32>
      %select_n3A_197 = arith.select %or3A, %broadcast_in_dim3A_196, %get3A_189 : vector<512x256xi1>, vector<512x256xf32>
      %swap3A_198 = arith.constant 0 : index
      %swap3A_199 = arith.index_cast %mul3A_181 : i32 to index
      %swap3A_200 = vector.load %arg8[%swap3A_198, %swap3A_199] : memref<512x10240xf32, #tpu.memory_space<vmem>>, vector<512x256xf32>
      tpu.vector_store %arg8[%swap3A_198, %swap3A_199], %select_n3A_197 {strides = array<i32>} : memref<512x10240xf32, #tpu.memory_space<vmem>>, vector<512x256xf32>,
      %reduce_min3A = arith.constant dense<0x7F800000> : vector<512xf32>
      %reduce_min3A_201 = vector.multi_reduction <minimumf>, %select_n3A_197, %reduce_min3A [1] : vector<512x256xf32> to vector<512xf32>
      %broadcast_in_dim3A_202 = vector.shape_cast %reduce_min3A_201 : vector<512xf32> to vector<512x1xf32>
      %eq3A_203 = vector.broadcast %broadcast_in_dim3A_202 : vector<512x1xf32> to vector<512x256xf32>
      %eq3A_204 = arith.cmpf oeq, %select_n3A_197, %eq3A_203 : vector<512x256xf32>
      %broadcast_in_dim3A_205 = vector.shape_cast %add3A_186 : vector<1x256xf32> to vector<1x256xf32>
      %broadcast_in_dim3A_206 = vector.broadcast %broadcast_in_dim3A_205 : vector<1x256xf32> to vector<512x256xf32>
      %broadcast_in_dim3A_207 = vector.broadcast %while3A_116 : f32 to vector<512x256xf32>
      %select_n3A_208 = arith.select %eq3A_204, %broadcast_in_dim3A_206, %broadcast_in_dim3A_207 : vector<512x256xi1>, vector<512x256xf32>
      %reduce_min3A_209 = arith.constant dense<0x7F800000> : vector<512xf32>
      %reduce_min3A_210 = vector.multi_reduction <minimumf>, %select_n3A_208, %reduce_min3A_209 [1] : vector<512x256xf32> to vector<512xf32>
      %broadcast_in_dim3A_211 = vector.shape_cast %reduce_min3A_210 : vector<512xf32> to vector<512x1xf32>
      %eq3A_212 = vector.broadcast %add3A_186 : vector<1x256xf32> to vector<512x256xf32>
      %eq3A_213 = vector.broadcast %broadcast_in_dim3A_211 : vector<512x1xf32> to vector<512x256xf32>
      %eq3A_214 = arith.cmpf oeq, %eq3A_212, %eq3A_213 : vector<512x256xf32>
      %jit3A_215 = arith.constant 1.000000e+30 : f32
      %broadcast_in_dim3A_216 = vector.broadcast %jit3A_215 : f32 to vector<512x256xf32>
      %select_n3A_217 = arith.select %eq3A_214, %broadcast_in_dim3A_216, %select_n3A_197 : vector<512x256xi1>, vector<512x256xf32>
      %reduce_min3A_218 = arith.constant dense<0x7F800000> : vector<512xf32>
      %reduce_min3A_219 = vector.multi_reduction <minimumf>, %select_n3A_217, %reduce_min3A_218 [1] : vector<512x256xf32> to vector<512xf32>
      %broadcast_in_dim3A_220 = vector.shape_cast %reduce_min3A_219 : vector<512xf32> to vector<512x1xf32>
      %eq3A_221 = vector.broadcast %broadcast_in_dim3A_220 : vector<512x1xf32> to vector<512x256xf32>
      %eq3A_222 = arith.cmpf oeq, %select_n3A_217, %eq3A_221 : vector<512x256xf32>
      %broadcast_in_dim3A_223 = vector.shape_cast %add3A_186 : vector<1x256xf32> to vector<1x256xf32>
      %broadcast_in_dim3A_224 = vector.broadcast %broadcast_in_dim3A_223 : vector<1x256xf32> to vector<512x256xf32>
      %broadcast_in_dim3A_225 = vector.broadcast %while3A_116 : f32 to vector<512x256xf32>
      %select_n3A_226 = arith.select %eq3A_222, %broadcast_in_dim3A_224, %broadcast_in_dim3A_225 : vector<512x256xi1>, vector<512x256xf32>
      %reduce_min3A_227 = arith.constant dense<0x7F800000> : vector<512xf32>
      %reduce_min3A_228 = vector.multi_reduction <minimumf>, %select_n3A_226, %reduce_min3A_227 [1] : vector<512x256xf32> to vector<512xf32>
      %broadcast_in_dim3A_229 = vector.shape_cast %reduce_min3A_228 : vector<512xf32> to vector<512x1xf32>
      %lt3A = arith.cmpf olt, %broadcast_in_dim3A_202, %while3A_176 : vector<512x1xf32>
      %select_n3A_230 = arith.select %lt3A, %broadcast_in_dim3A_202, %while3A_176 : vector<512x1xi1>, vector<512x1xf32>
      %select_n3A_231 = arith.select %lt3A, %broadcast_in_dim3A_211, %while3A_177 : vector<512x1xi1>, vector<512x1xf32>
      %select_n3A_232 = arith.select %lt3A, %while3A_176, %broadcast_in_dim3A_202 : vector<512x1xi1>, vector<512x1xf32>
      %select_n3A_233 = arith.select %lt3A, %while3A_177, %broadcast_in_dim3A_211 : vector<512x1xi1>, vector<512x1xf32>
      %select_n3A_234 = arith.select %lt3A, %broadcast_in_dim3A_220, %while3A_178 : vector<512x1xi1>, vector<512x1xf32>
      %select_n3A_235 = arith.select %lt3A, %broadcast_in_dim3A_229, %while3A_179 : vector<512x1xi1>, vector<512x1xf32>
      %min3A = arith.minimumf %select_n3A_232, %select_n3A_234 : vector<512x1xf32>
      %le3A = arith.cmpf ole, %select_n3A_232, %select_n3A_234 : vector<512x1xf32>
      %select_n3A_236 = arith.select %le3A, %select_n3A_233, %select_n3A_235 : vector<512x1xi1>, vector<512x1xf32>
      scf.yield %select_n3A_230, %select_n3A_231, %min3A, %select_n3A_236 : vector<512x1xf32>, vector<512x1xf32>, vector<512x1xf32>, vector<512x1xf32>
    }
    %broadcast_in_dim3A_127 = arith.constant 3.000000e+38 : f32
    %broadcast_in_dim3A_128 = vector.broadcast %broadcast_in_dim3A_127 : f32 to vector<512x1xf32>
    %broadcast_in_dim3A_129 = arith.constant 0.000000e+00 : f32
    %broadcast_in_dim3A_130 = vector.broadcast %broadcast_in_dim3A_129 : f32 to vector<512x1xf32>
    %while3A_131 = arith.constant 1.024000e+04 : f32
    %while3A_132 = arith.subi %select_n3A_45, %select_n3A : i32
    %while3A_133 = arith.addi %select_n3A, %while3A_132 : i32
    %while3A_134 = arith.constant 1 : i32
    %while3A_135 = arith.divsi %while3A_132, %while3A_134 : i32
    %while3A_136 = arith.muli %while3A_135, %while3A_134 : i32
    %while3A_137 = arith.addi %select_n3A, %while3A_136 : i32
    %while3A_138 = arith.constant 1 : i32
    %while3A_139:4 = scf.for %while3A_175 = %select_n3A to %while3A_137 step %while3A_138 iter_args(%while3A_176 = %broadcast_in_dim3A_128, %while3A_177 = %broadcast_in_dim3A_130, %while3A_178 = %broadcast_in_dim3A_128, %while3A_179 = %broadcast_in_dim3A_130) -> (vector<512x1xf32>, vector<512x1xf32>, vector<512x1xf32>, vector<512x1xf32>)  : i32 {
      %mul3A_180 = arith.constant 256 : i32
      %mul3A_181 = arith.muli %while3A_175, %mul3A_180 : i32
      %mul3A_182 = arith.constant 256 : i32
      %mul3A_183 = arith.muli %while3A_175, %mul3A_182 : i32
      %convert_element_type3A_184 = arith.sitofp %mul3A_183 : i32 to f32
      %add3A_185 = vector.broadcast %convert_element_type3A_184 : f32 to vector<1x256xf32>
      %add3A_186 = arith.addf %convert_element_type3A, %add3A_185 : vector<1x256xf32>
      %get3A_187 = arith.constant 0 : index
      %get3A_188 = arith.index_cast %mul3A_181 : i32 to index
      %get3A_189 = vector.load %arg8[%get3A_187, %get3A_188] : memref<512x10240xf32, #tpu.memory_space<vmem>>, vector<512x256xf32>
      %eq3A = vector.broadcast %add3A_186 : vector<1x256xf32> to vector<512x256xf32>
      %eq3A_190 = vector.broadcast %while3A_126#1 : vector<512x1xf32> to vector<512x256xf32>
      %eq3A_191 = arith.cmpf oeq, %eq3A, %eq3A_190 : vector<512x256xf32>
      %eq3A_192 = vector.broadcast %add3A_186 : vector<1x256xf32> to vector<512x256xf32>
      %eq3A_193 = vector.broadcast %while3A_126#3 : vector<512x1xf32> to vector<512x256xf32>
      %eq3A_194 = arith.cmpf oeq, %eq3A_192, %eq3A_193 : vector<512x256xf32>
      %or3A = arith.ori %eq3A_191, %eq3A_194 : vector<512x256xi1>
      %jit3A_195 = arith.constant 1.000000e+30 : f32
      %broadcast_in_dim3A_196 = vector.broadcast %jit3A_195 : f32 to vector<512x256xf32>
      %select_n3A_197 = arith.select %or3A, %broadcast_in_dim3A_196, %get3A_189 : vector<512x256xi1>, vector<512x256xf32>
      %swap3A_198 = arith.constant 0 : index
      %swap3A_199 = arith.index_cast %mul3A_181 : i32 to index
      %swap3A_200 = vector.load %arg8[%swap3A_198, %swap3A_199] : memref<512x10240xf32, #tpu.memory_space<vmem>>, vector<512x256xf32>
      tpu.vector_store %arg8[%swap3A_198, %swap3A_199], %select_n3A_197 {strides = array<i32>} : memref<512x10240xf32, #tpu.memory_space<vmem>>, vector<512x256xf32>,
      %reduce_min3A = arith.constant dense<0x7F800000> : vector<512xf32>
      %reduce_min3A_201 = vector.multi_reduction <minimumf>, %select_n3A_197, %reduce_min3A [1] : vector<512x256xf32> to vector<512xf32>
      %broadcast_in_dim3A_202 = vector.shape_cast %reduce_min3A_201 : vector<512xf32> to vector<512x1xf32>
      %eq3A_203 = vector.broadcast %broadcast_in_dim3A_202 : vector<512x1xf32> to vector<512x256xf32>
      %eq3A_204 = arith.cmpf oeq, %select_n3A_197, %eq3A_203 : vector<512x256xf32>
      %broadcast_in_dim3A_205 = vector.shape_cast %add3A_186 : vector<1x256xf32> to vector<1x256xf32>
      %broadcast_in_dim3A_206 = vector.broadcast %broadcast_in_dim3A_205 : vector<1x256xf32> to vector<512x256xf32>
      %broadcast_in_dim3A_207 = vector.broadcast %while3A_131 : f32 to vector<512x256xf32>
      %select_n3A_208 = arith.select %eq3A_204, %broadcast_in_dim3A_206, %broadcast_in_dim3A_207 : vector<512x256xi1>, vector<512x256xf32>
      %reduce_min3A_209 = arith.constant dense<0x7F800000> : vector<512xf32>
      %reduce_min3A_210 = vector.multi_reduction <minimumf>, %select_n3A_208, %reduce_min3A_209 [1] : vector<512x256xf32> to vector<512xf32>
      %broadcast_in_dim3A_211 = vector.shape_cast %reduce_min3A_210 : vector<512xf32> to vector<512x1xf32>
      %eq3A_212 = vector.broadcast %add3A_186 : vector<1x256xf32> to vector<512x256xf32>
      %eq3A_213 = vector.broadcast %broadcast_in_dim3A_211 : vector<512x1xf32> to vector<512x256xf32>
      %eq3A_214 = arith.cmpf oeq, %eq3A_212, %eq3A_213 : vector<512x256xf32>
      %jit3A_215 = arith.constant 1.000000e+30 : f32
      %broadcast_in_dim3A_216 = vector.broadcast %jit3A_215 : f32 to vector<512x256xf32>
      %select_n3A_217 = arith.select %eq3A_214, %broadcast_in_dim3A_216, %select_n3A_197 : vector<512x256xi1>, vector<512x256xf32>
      %reduce_min3A_218 = arith.constant dense<0x7F800000> : vector<512xf32>
      %reduce_min3A_219 = vector.multi_reduction <minimumf>, %select_n3A_217, %reduce_min3A_218 [1] : vector<512x256xf32> to vector<512xf32>
      %broadcast_in_dim3A_220 = vector.shape_cast %reduce_min3A_219 : vector<512xf32> to vector<512x1xf32>
      %eq3A_221 = vector.broadcast %broadcast_in_dim3A_220 : vector<512x1xf32> to vector<512x256xf32>
      %eq3A_222 = arith.cmpf oeq, %select_n3A_217, %eq3A_221 : vector<512x256xf32>
      %broadcast_in_dim3A_223 = vector.shape_cast %add3A_186 : vector<1x256xf32> to vector<1x256xf32>
      %broadcast_in_dim3A_224 = vector.broadcast %broadcast_in_dim3A_223 : vector<1x256xf32> to vector<512x256xf32>
      %broadcast_in_dim3A_225 = vector.broadcast %while3A_131 : f32 to vector<512x256xf32>
      %select_n3A_226 = arith.select %eq3A_222, %broadcast_in_dim3A_224, %broadcast_in_dim3A_225 : vector<512x256xi1>, vector<512x256xf32>
      %reduce_min3A_227 = arith.constant dense<0x7F800000> : vector<512xf32>
      %reduce_min3A_228 = vector.multi_reduction <minimumf>, %select_n3A_226, %reduce_min3A_227 [1] : vector<512x256xf32> to vector<512xf32>
      %broadcast_in_dim3A_229 = vector.shape_cast %reduce_min3A_228 : vector<512xf32> to vector<512x1xf32>
      %lt3A = arith.cmpf olt, %broadcast_in_dim3A_202, %while3A_176 : vector<512x1xf32>
      %select_n3A_230 = arith.select %lt3A, %broadcast_in_dim3A_202, %while3A_176 : vector<512x1xi1>, vector<512x1xf32>
      %select_n3A_231 = arith.select %lt3A, %broadcast_in_dim3A_211, %while3A_177 : vector<512x1xi1>, vector<512x1xf32>
      %select_n3A_232 = arith.select %lt3A, %while3A_176, %broadcast_in_dim3A_202 : vector<512x1xi1>, vector<512x1xf32>
      %select_n3A_233 = arith.select %lt3A, %while3A_177, %broadcast_in_dim3A_211 : vector<512x1xi1>, vector<512x1xf32>
      %select_n3A_234 = arith.select %lt3A, %broadcast_in_dim3A_220, %while3A_178 : vector<512x1xi1>, vector<512x1xf32>
      %select_n3A_235 = arith.select %lt3A, %broadcast_in_dim3A_229, %while3A_179 : vector<512x1xi1>, vector<512x1xf32>
      %min3A = arith.minimumf %select_n3A_232, %select_n3A_234 : vector<512x1xf32>
      %le3A = arith.cmpf ole, %select_n3A_232, %select_n3A_234 : vector<512x1xf32>
      %select_n3A_236 = arith.select %le3A, %select_n3A_233, %select_n3A_235 : vector<512x1xi1>, vector<512x1xf32>
      scf.yield %select_n3A_230, %select_n3A_231, %min3A, %select_n3A_236 : vector<512x1xf32>, vector<512x1xf32>, vector<512x1xf32>, vector<512x1xf32>
    }
    %while3A_140 = arith.constant 1 : i32
    %while3A_141:4 = scf.for %while3A_175 = %while3A_137 to %while3A_133 step %while3A_140 iter_args(%while3A_176 = %while3A_139#0, %while3A_177 = %while3A_139#1, %while3A_178 = %while3A_139#2, %while3A_179 = %while3A_139#3) -> (vector<512x1xf32>, vector<512x1xf32>, vector<512x1xf32>, vector<512x1xf32>)  : i32 {
      %mul3A_180 = arith.constant 256 : i32
      %mul3A_181 = arith.muli %while3A_175, %mul3A_180 : i32
      %mul3A_182 = arith.constant 256 : i32
      %mul3A_183 = arith.muli %while3A_175, %mul3A_182 : i32
      %convert_element_type3A_184 = arith.sitofp %mul3A_183 : i32 to f32
      %add3A_185 = vector.broadcast %convert_element_type3A_184 : f32 to vector<1x256xf32>
      %add3A_186 = arith.addf %convert_element_type3A, %add3A_185 : vector<1x256xf32>
      %get3A_187 = arith.constant 0 : index
      %get3A_188 = arith.index_cast %mul3A_181 : i32 to index
      %get3A_189 = vector.load %arg8[%get3A_187, %get3A_188] : memref<512x10240xf32, #tpu.memory_space<vmem>>, vector<512x256xf32>
      %eq3A = vector.broadcast %add3A_186 : vector<1x256xf32> to vector<512x256xf32>
      %eq3A_190 = vector.broadcast %while3A_126#1 : vector<512x1xf32> to vector<512x256xf32>
      %eq3A_191 = arith.cmpf oeq, %eq3A, %eq3A_190 : vector<512x256xf32>
      %eq3A_192 = vector.broadcast %add3A_186 : vector<1x256xf32> to vector<512x256xf32>
      %eq3A_193 = vector.broadcast %while3A_126#3 : vector<512x1xf32> to vector<512x256xf32>
      %eq3A_194 = arith.cmpf oeq, %eq3A_192, %eq3A_193 : vector<512x256xf32>
      %or3A = arith.ori %eq3A_191, %eq3A_194 : vector<512x256xi1>
      %jit3A_195 = arith.constant 1.000000e+30 : f32
      %broadcast_in_dim3A_196 = vector.broadcast %jit3A_195 : f32 to vector<512x256xf32>
      %select_n3A_197 = arith.select %or3A, %broadcast_in_dim3A_196, %get3A_189 : vector<512x256xi1>, vector<512x256xf32>
      %swap3A_198 = arith.constant 0 : index
      %swap3A_199 = arith.index_cast %mul3A_181 : i32 to index
      %swap3A_200 = vector.load %arg8[%swap3A_198, %swap3A_199] : memref<512x10240xf32, #tpu.memory_space<vmem>>, vector<512x256xf32>
      tpu.vector_store %arg8[%swap3A_198, %swap3A_199], %select_n3A_197 {strides = array<i32>} : memref<512x10240xf32, #tpu.memory_space<vmem>>, vector<512x256xf32>,
      %reduce_min3A = arith.constant dense<0x7F800000> : vector<512xf32>
      %reduce_min3A_201 = vector.multi_reduction <minimumf>, %select_n3A_197, %reduce_min3A [1] : vector<512x256xf32> to vector<512xf32>
      %broadcast_in_dim3A_202 = vector.shape_cast %reduce_min3A_201 : vector<512xf32> to vector<512x1xf32>
      %eq3A_203 = vector.broadcast %broadcast_in_dim3A_202 : vector<512x1xf32> to vector<512x256xf32>
      %eq3A_204 = arith.cmpf oeq, %select_n3A_197, %eq3A_203 : vector<512x256xf32>
      %broadcast_in_dim3A_205 = vector.shape_cast %add3A_186 : vector<1x256xf32> to vector<1x256xf32>
      %broadcast_in_dim3A_206 = vector.broadcast %broadcast_in_dim3A_205 : vector<1x256xf32> to vector<512x256xf32>
      %broadcast_in_dim3A_207 = vector.broadcast %while3A_131 : f32 to vector<512x256xf32>
      %select_n3A_208 = arith.select %eq3A_204, %broadcast_in_dim3A_206, %broadcast_in_dim3A_207 : vector<512x256xi1>, vector<512x256xf32>
      %reduce_min3A_209 = arith.constant dense<0x7F800000> : vector<512xf32>
      %reduce_min3A_210 = vector.multi_reduction <minimumf>, %select_n3A_208, %reduce_min3A_209 [1] : vector<512x256xf32> to vector<512xf32>
      %broadcast_in_dim3A_211 = vector.shape_cast %reduce_min3A_210 : vector<512xf32> to vector<512x1xf32>
      %eq3A_212 = vector.broadcast %add3A_186 : vector<1x256xf32> to vector<512x256xf32>
      %eq3A_213 = vector.broadcast %broadcast_in_dim3A_211 : vector<512x1xf32> to vector<512x256xf32>
      %eq3A_214 = arith.cmpf oeq, %eq3A_212, %eq3A_213 : vector<512x256xf32>
      %jit3A_215 = arith.constant 1.000000e+30 : f32
      %broadcast_in_dim3A_216 = vector.broadcast %jit3A_215 : f32 to vector<512x256xf32>
      %select_n3A_217 = arith.select %eq3A_214, %broadcast_in_dim3A_216, %select_n3A_197 : vector<512x256xi1>, vector<512x256xf32>
      %reduce_min3A_218 = arith.constant dense<0x7F800000> : vector<512xf32>
      %reduce_min3A_219 = vector.multi_reduction <minimumf>, %select_n3A_217, %reduce_min3A_218 [1] : vector<512x256xf32> to vector<512xf32>
      %broadcast_in_dim3A_220 = vector.shape_cast %reduce_min3A_219 : vector<512xf32> to vector<512x1xf32>
      %eq3A_221 = vector.broadcast %broadcast_in_dim3A_220 : vector<512x1xf32> to vector<512x256xf32>
      %eq3A_222 = arith.cmpf oeq, %select_n3A_217, %eq3A_221 : vector<512x256xf32>
      %broadcast_in_dim3A_223 = vector.shape_cast %add3A_186 : vector<1x256xf32> to vector<1x256xf32>
      %broadcast_in_dim3A_224 = vector.broadcast %broadcast_in_dim3A_223 : vector<1x256xf32> to vector<512x256xf32>
      %broadcast_in_dim3A_225 = vector.broadcast %while3A_131 : f32 to vector<512x256xf32>
      %select_n3A_226 = arith.select %eq3A_222, %broadcast_in_dim3A_224, %broadcast_in_dim3A_225 : vector<512x256xi1>, vector<512x256xf32>
      %reduce_min3A_227 = arith.constant dense<0x7F800000> : vector<512xf32>
      %reduce_min3A_228 = vector.multi_reduction <minimumf>, %select_n3A_226, %reduce_min3A_227 [1] : vector<512x256xf32> to vector<512xf32>
      %broadcast_in_dim3A_229 = vector.shape_cast %reduce_min3A_228 : vector<512xf32> to vector<512x1xf32>
      %lt3A = arith.cmpf olt, %broadcast_in_dim3A_202, %while3A_176 : vector<512x1xf32>
      %select_n3A_230 = arith.select %lt3A, %broadcast_in_dim3A_202, %while3A_176 : vector<512x1xi1>, vector<512x1xf32>
      %select_n3A_231 = arith.select %lt3A, %broadcast_in_dim3A_211, %while3A_177 : vector<512x1xi1>, vector<512x1xf32>
      %select_n3A_232 = arith.select %lt3A, %while3A_176, %broadcast_in_dim3A_202 : vector<512x1xi1>, vector<512x1xf32>
      %select_n3A_233 = arith.select %lt3A, %while3A_177, %broadcast_in_dim3A_211 : vector<512x1xi1>, vector<512x1xf32>
      %select_n3A_234 = arith.select %lt3A, %broadcast_in_dim3A_220, %while3A_178 : vector<512x1xi1>, vector<512x1xf32>
      %select_n3A_235 = arith.select %lt3A, %broadcast_in_dim3A_229, %while3A_179 : vector<512x1xi1>, vector<512x1xf32>
      %min3A = arith.minimumf %select_n3A_232, %select_n3A_234 : vector<512x1xf32>
      %le3A = arith.cmpf ole, %select_n3A_232, %select_n3A_234 : vector<512x1xf32>
      %select_n3A_236 = arith.select %le3A, %select_n3A_233, %select_n3A_235 : vector<512x1xi1>, vector<512x1xf32>
      scf.yield %select_n3A_230, %select_n3A_231, %min3A, %select_n3A_236 : vector<512x1xf32>, vector<512x1xf32>, vector<512x1xf32>, vector<512x1xf32>
    }
    %broadcast_in_dim3A_142 = arith.constant 3.000000e+38 : f32
    %broadcast_in_dim3A_143 = vector.broadcast %broadcast_in_dim3A_142 : f32 to vector<512x1xf32>
    %broadcast_in_dim3A_144 = arith.constant 0.000000e+00 : f32
    %broadcast_in_dim3A_145 = vector.broadcast %broadcast_in_dim3A_144 : f32 to vector<512x1xf32>
    %while3A_146 = arith.constant 1.024000e+04 : f32
    %while3A_147 = arith.subi %select_n3A_45, %select_n3A : i32
    %while3A_148 = arith.addi %select_n3A, %while3A_147 : i32
    %while3A_149 = arith.constant 1 : i32
    %while3A_150 = arith.divsi %while3A_147, %while3A_149 : i32
    %while3A_151 = arith.muli %while3A_150, %while3A_149 : i32
    %while3A_152 = arith.addi %select_n3A, %while3A_151 : i32
    %while3A_153 = arith.constant 1 : i32
    %while3A_154:4 = scf.for %while3A_175 = %select_n3A to %while3A_152 step %while3A_153 iter_args(%while3A_176 = %broadcast_in_dim3A_143, %while3A_177 = %broadcast_in_dim3A_145, %while3A_178 = %broadcast_in_dim3A_143, %while3A_179 = %broadcast_in_dim3A_145) -> (vector<512x1xf32>, vector<512x1xf32>, vector<512x1xf32>, vector<512x1xf32>)  : i32 {
      %mul3A_180 = arith.constant 256 : i32
      %mul3A_181 = arith.muli %while3A_175, %mul3A_180 : i32
      %mul3A_182 = arith.constant 256 : i32
      %mul3A_183 = arith.muli %while3A_175, %mul3A_182 : i32
      %convert_element_type3A_184 = arith.sitofp %mul3A_183 : i32 to f32
      %add3A_185 = vector.broadcast %convert_element_type3A_184 : f32 to vector<1x256xf32>
      %add3A_186 = arith.addf %convert_element_type3A, %add3A_185 : vector<1x256xf32>
      %get3A_187 = arith.constant 0 : index
      %get3A_188 = arith.index_cast %mul3A_181 : i32 to index
      %get3A_189 = vector.load %arg8[%get3A_187, %get3A_188] : memref<512x10240xf32, #tpu.memory_space<vmem>>, vector<512x256xf32>
      %eq3A = vector.broadcast %add3A_186 : vector<1x256xf32> to vector<512x256xf32>
      %eq3A_190 = vector.broadcast %while3A_141#1 : vector<512x1xf32> to vector<512x256xf32>
      %eq3A_191 = arith.cmpf oeq, %eq3A, %eq3A_190 : vector<512x256xf32>
      %eq3A_192 = vector.broadcast %add3A_186 : vector<1x256xf32> to vector<512x256xf32>
      %eq3A_193 = vector.broadcast %while3A_141#3 : vector<512x1xf32> to vector<512x256xf32>
      %eq3A_194 = arith.cmpf oeq, %eq3A_192, %eq3A_193 : vector<512x256xf32>
      %or3A = arith.ori %eq3A_191, %eq3A_194 : vector<512x256xi1>
      %jit3A_195 = arith.constant 1.000000e+30 : f32
      %broadcast_in_dim3A_196 = vector.broadcast %jit3A_195 : f32 to vector<512x256xf32>
      %select_n3A_197 = arith.select %or3A, %broadcast_in_dim3A_196, %get3A_189 : vector<512x256xi1>, vector<512x256xf32>
      %swap3A_198 = arith.constant 0 : index
      %swap3A_199 = arith.index_cast %mul3A_181 : i32 to index
      %swap3A_200 = vector.load %arg8[%swap3A_198, %swap3A_199] : memref<512x10240xf32, #tpu.memory_space<vmem>>, vector<512x256xf32>
      tpu.vector_store %arg8[%swap3A_198, %swap3A_199], %select_n3A_197 {strides = array<i32>} : memref<512x10240xf32, #tpu.memory_space<vmem>>, vector<512x256xf32>,
      %reduce_min3A = arith.constant dense<0x7F800000> : vector<512xf32>
      %reduce_min3A_201 = vector.multi_reduction <minimumf>, %select_n3A_197, %reduce_min3A [1] : vector<512x256xf32> to vector<512xf32>
      %broadcast_in_dim3A_202 = vector.shape_cast %reduce_min3A_201 : vector<512xf32> to vector<512x1xf32>
      %eq3A_203 = vector.broadcast %broadcast_in_dim3A_202 : vector<512x1xf32> to vector<512x256xf32>
      %eq3A_204 = arith.cmpf oeq, %select_n3A_197, %eq3A_203 : vector<512x256xf32>
      %broadcast_in_dim3A_205 = vector.shape_cast %add3A_186 : vector<1x256xf32> to vector<1x256xf32>
      %broadcast_in_dim3A_206 = vector.broadcast %broadcast_in_dim3A_205 : vector<1x256xf32> to vector<512x256xf32>
      %broadcast_in_dim3A_207 = vector.broadcast %while3A_146 : f32 to vector<512x256xf32>
      %select_n3A_208 = arith.select %eq3A_204, %broadcast_in_dim3A_206, %broadcast_in_dim3A_207 : vector<512x256xi1>, vector<512x256xf32>
      %reduce_min3A_209 = arith.constant dense<0x7F800000> : vector<512xf32>
      %reduce_min3A_210 = vector.multi_reduction <minimumf>, %select_n3A_208, %reduce_min3A_209 [1] : vector<512x256xf32> to vector<512xf32>
      %broadcast_in_dim3A_211 = vector.shape_cast %reduce_min3A_210 : vector<512xf32> to vector<512x1xf32>
      %eq3A_212 = vector.broadcast %add3A_186 : vector<1x256xf32> to vector<512x256xf32>
      %eq3A_213 = vector.broadcast %broadcast_in_dim3A_211 : vector<512x1xf32> to vector<512x256xf32>
      %eq3A_214 = arith.cmpf oeq, %eq3A_212, %eq3A_213 : vector<512x256xf32>
      %jit3A_215 = arith.constant 1.000000e+30 : f32
      %broadcast_in_dim3A_216 = vector.broadcast %jit3A_215 : f32 to vector<512x256xf32>
      %select_n3A_217 = arith.select %eq3A_214, %broadcast_in_dim3A_216, %select_n3A_197 : vector<512x256xi1>, vector<512x256xf32>
      %reduce_min3A_218 = arith.constant dense<0x7F800000> : vector<512xf32>
      %reduce_min3A_219 = vector.multi_reduction <minimumf>, %select_n3A_217, %reduce_min3A_218 [1] : vector<512x256xf32> to vector<512xf32>
      %broadcast_in_dim3A_220 = vector.shape_cast %reduce_min3A_219 : vector<512xf32> to vector<512x1xf32>
      %eq3A_221 = vector.broadcast %broadcast_in_dim3A_220 : vector<512x1xf32> to vector<512x256xf32>
      %eq3A_222 = arith.cmpf oeq, %select_n3A_217, %eq3A_221 : vector<512x256xf32>
      %broadcast_in_dim3A_223 = vector.shape_cast %add3A_186 : vector<1x256xf32> to vector<1x256xf32>
      %broadcast_in_dim3A_224 = vector.broadcast %broadcast_in_dim3A_223 : vector<1x256xf32> to vector<512x256xf32>
      %broadcast_in_dim3A_225 = vector.broadcast %while3A_146 : f32 to vector<512x256xf32>
      %select_n3A_226 = arith.select %eq3A_222, %broadcast_in_dim3A_224, %broadcast_in_dim3A_225 : vector<512x256xi1>, vector<512x256xf32>
      %reduce_min3A_227 = arith.constant dense<0x7F800000> : vector<512xf32>
      %reduce_min3A_228 = vector.multi_reduction <minimumf>, %select_n3A_226, %reduce_min3A_227 [1] : vector<512x256xf32> to vector<512xf32>
      %broadcast_in_dim3A_229 = vector.shape_cast %reduce_min3A_228 : vector<512xf32> to vector<512x1xf32>
      %lt3A = arith.cmpf olt, %broadcast_in_dim3A_202, %while3A_176 : vector<512x1xf32>
      %select_n3A_230 = arith.select %lt3A, %broadcast_in_dim3A_202, %while3A_176 : vector<512x1xi1>, vector<512x1xf32>
      %select_n3A_231 = arith.select %lt3A, %broadcast_in_dim3A_211, %while3A_177 : vector<512x1xi1>, vector<512x1xf32>
      %select_n3A_232 = arith.select %lt3A, %while3A_176, %broadcast_in_dim3A_202 : vector<512x1xi1>, vector<512x1xf32>
      %select_n3A_233 = arith.select %lt3A, %while3A_177, %broadcast_in_dim3A_211 : vector<512x1xi1>, vector<512x1xf32>
      %select_n3A_234 = arith.select %lt3A, %broadcast_in_dim3A_220, %while3A_178 : vector<512x1xi1>, vector<512x1xf32>
      %select_n3A_235 = arith.select %lt3A, %broadcast_in_dim3A_229, %while3A_179 : vector<512x1xi1>, vector<512x1xf32>
      %min3A = arith.minimumf %select_n3A_232, %select_n3A_234 : vector<512x1xf32>
      %le3A = arith.cmpf ole, %select_n3A_232, %select_n3A_234 : vector<512x1xf32>
      %select_n3A_236 = arith.select %le3A, %select_n3A_233, %select_n3A_235 : vector<512x1xi1>, vector<512x1xf32>
      scf.yield %select_n3A_230, %select_n3A_231, %min3A, %select_n3A_236 : vector<512x1xf32>, vector<512x1xf32>, vector<512x1xf32>, vector<512x1xf32>
    }
    %while3A_155 = arith.constant 1 : i32
    %while3A_156:4 = scf.for %while3A_175 = %while3A_152 to %while3A_148 step %while3A_155 iter_args(%while3A_176 = %while3A_154#0, %while3A_177 = %while3A_154#1, %while3A_178 = %while3A_154#2, %while3A_179 = %while3A_154#3) -> (vector<512x1xf32>, vector<512x1xf32>, vector<512x1xf32>, vector<512x1xf32>)  : i32 {
      %mul3A_180 = arith.constant 256 : i32
      %mul3A_181 = arith.muli %while3A_175, %mul3A_180 : i32
      %mul3A_182 = arith.constant 256 : i32
      %mul3A_183 = arith.muli %while3A_175, %mul3A_182 : i32
      %convert_element_type3A_184 = arith.sitofp %mul3A_183 : i32 to f32
      %add3A_185 = vector.broadcast %convert_element_type3A_184 : f32 to vector<1x256xf32>
      %add3A_186 = arith.addf %convert_element_type3A, %add3A_185 : vector<1x256xf32>
      %get3A_187 = arith.constant 0 : index
      %get3A_188 = arith.index_cast %mul3A_181 : i32 to index
      %get3A_189 = vector.load %arg8[%get3A_187, %get3A_188] : memref<512x10240xf32, #tpu.memory_space<vmem>>, vector<512x256xf32>
      %eq3A = vector.broadcast %add3A_186 : vector<1x256xf32> to vector<512x256xf32>
      %eq3A_190 = vector.broadcast %while3A_141#1 : vector<512x1xf32> to vector<512x256xf32>
      %eq3A_191 = arith.cmpf oeq, %eq3A, %eq3A_190 : vector<512x256xf32>
      %eq3A_192 = vector.broadcast %add3A_186 : vector<1x256xf32> to vector<512x256xf32>
      %eq3A_193 = vector.broadcast %while3A_141#3 : vector<512x1xf32> to vector<512x256xf32>
      %eq3A_194 = arith.cmpf oeq, %eq3A_192, %eq3A_193 : vector<512x256xf32>
      %or3A = arith.ori %eq3A_191, %eq3A_194 : vector<512x256xi1>
      %jit3A_195 = arith.constant 1.000000e+30 : f32
      %broadcast_in_dim3A_196 = vector.broadcast %jit3A_195 : f32 to vector<512x256xf32>
      %select_n3A_197 = arith.select %or3A, %broadcast_in_dim3A_196, %get3A_189 : vector<512x256xi1>, vector<512x256xf32>
      %swap3A_198 = arith.constant 0 : index
      %swap3A_199 = arith.index_cast %mul3A_181 : i32 to index
      %swap3A_200 = vector.load %arg8[%swap3A_198, %swap3A_199] : memref<512x10240xf32, #tpu.memory_space<vmem>>, vector<512x256xf32>
      tpu.vector_store %arg8[%swap3A_198, %swap3A_199], %select_n3A_197 {strides = array<i32>} : memref<512x10240xf32, #tpu.memory_space<vmem>>, vector<512x256xf32>,
      %reduce_min3A = arith.constant dense<0x7F800000> : vector<512xf32>
      %reduce_min3A_201 = vector.multi_reduction <minimumf>, %select_n3A_197, %reduce_min3A [1] : vector<512x256xf32> to vector<512xf32>
      %broadcast_in_dim3A_202 = vector.shape_cast %reduce_min3A_201 : vector<512xf32> to vector<512x1xf32>
      %eq3A_203 = vector.broadcast %broadcast_in_dim3A_202 : vector<512x1xf32> to vector<512x256xf32>
      %eq3A_204 = arith.cmpf oeq, %select_n3A_197, %eq3A_203 : vector<512x256xf32>
      %broadcast_in_dim3A_205 = vector.shape_cast %add3A_186 : vector<1x256xf32> to vector<1x256xf32>
      %broadcast_in_dim3A_206 = vector.broadcast %broadcast_in_dim3A_205 : vector<1x256xf32> to vector<512x256xf32>
      %broadcast_in_dim3A_207 = vector.broadcast %while3A_146 : f32 to vector<512x256xf32>
      %select_n3A_208 = arith.select %eq3A_204, %broadcast_in_dim3A_206, %broadcast_in_dim3A_207 : vector<512x256xi1>, vector<512x256xf32>
      %reduce_min3A_209 = arith.constant dense<0x7F800000> : vector<512xf32>
      %reduce_min3A_210 = vector.multi_reduction <minimumf>, %select_n3A_208, %reduce_min3A_209 [1] : vector<512x256xf32> to vector<512xf32>
      %broadcast_in_dim3A_211 = vector.shape_cast %reduce_min3A_210 : vector<512xf32> to vector<512x1xf32>
      %eq3A_212 = vector.broadcast %add3A_186 : vector<1x256xf32> to vector<512x256xf32>
      %eq3A_213 = vector.broadcast %broadcast_in_dim3A_211 : vector<512x1xf32> to vector<512x256xf32>
      %eq3A_214 = arith.cmpf oeq, %eq3A_212, %eq3A_213 : vector<512x256xf32>
      %jit3A_215 = arith.constant 1.000000e+30 : f32
      %broadcast_in_dim3A_216 = vector.broadcast %jit3A_215 : f32 to vector<512x256xf32>
      %select_n3A_217 = arith.select %eq3A_214, %broadcast_in_dim3A_216, %select_n3A_197 : vector<512x256xi1>, vector<512x256xf32>
      %reduce_min3A_218 = arith.constant dense<0x7F800000> : vector<512xf32>
      %reduce_min3A_219 = vector.multi_reduction <minimumf>, %select_n3A_217, %reduce_min3A_218 [1] : vector<512x256xf32> to vector<512xf32>
      %broadcast_in_dim3A_220 = vector.shape_cast %reduce_min3A_219 : vector<512xf32> to vector<512x1xf32>
      %eq3A_221 = vector.broadcast %broadcast_in_dim3A_220 : vector<512x1xf32> to vector<512x256xf32>
      %eq3A_222 = arith.cmpf oeq, %select_n3A_217, %eq3A_221 : vector<512x256xf32>
      %broadcast_in_dim3A_223 = vector.shape_cast %add3A_186 : vector<1x256xf32> to vector<1x256xf32>
      %broadcast_in_dim3A_224 = vector.broadcast %broadcast_in_dim3A_223 : vector<1x256xf32> to vector<512x256xf32>
      %broadcast_in_dim3A_225 = vector.broadcast %while3A_146 : f32 to vector<512x256xf32>
      %select_n3A_226 = arith.select %eq3A_222, %broadcast_in_dim3A_224, %broadcast_in_dim3A_225 : vector<512x256xi1>, vector<512x256xf32>
      %reduce_min3A_227 = arith.constant dense<0x7F800000> : vector<512xf32>
      %reduce_min3A_228 = vector.multi_reduction <minimumf>, %select_n3A_226, %reduce_min3A_227 [1] : vector<512x256xf32> to vector<512xf32>
      %broadcast_in_dim3A_229 = vector.shape_cast %reduce_min3A_228 : vector<512xf32> to vector<512x1xf32>
      %lt3A = arith.cmpf olt, %broadcast_in_dim3A_202, %while3A_176 : vector<512x1xf32>
      %select_n3A_230 = arith.select %lt3A, %broadcast_in_dim3A_202, %while3A_176 : vector<512x1xi1>, vector<512x1xf32>
      %select_n3A_231 = arith.select %lt3A, %broadcast_in_dim3A_211, %while3A_177 : vector<512x1xi1>, vector<512x1xf32>
      %select_n3A_232 = arith.select %lt3A, %while3A_176, %broadcast_in_dim3A_202 : vector<512x1xi1>, vector<512x1xf32>
      %select_n3A_233 = arith.select %lt3A, %while3A_177, %broadcast_in_dim3A_211 : vector<512x1xi1>, vector<512x1xf32>
      %select_n3A_234 = arith.select %lt3A, %broadcast_in_dim3A_220, %while3A_178 : vector<512x1xi1>, vector<512x1xf32>
      %select_n3A_235 = arith.select %lt3A, %broadcast_in_dim3A_229, %while3A_179 : vector<512x1xi1>, vector<512x1xf32>
      %min3A = arith.minimumf %select_n3A_232, %select_n3A_234 : vector<512x1xf32>
      %le3A = arith.cmpf ole, %select_n3A_232, %select_n3A_234 : vector<512x1xf32>
      %select_n3A_236 = arith.select %le3A, %select_n3A_233, %select_n3A_235 : vector<512x1xi1>, vector<512x1xf32>
      scf.yield %select_n3A_230, %select_n3A_231, %min3A, %select_n3A_236 : vector<512x1xf32>, vector<512x1xf32>, vector<512x1xf32>, vector<512x1xf32>
    }
    %broadcast_in_dim3A_157 = arith.constant 3.000000e+38 : f32
    %broadcast_in_dim3A_158 = vector.broadcast %broadcast_in_dim3A_157 : f32 to vector<512x1xf32>
    %broadcast_in_dim3A_159 = arith.constant 0.000000e+00 : f32
    %broadcast_in_dim3A_160 = vector.broadcast %broadcast_in_dim3A_159 : f32 to vector<512x1xf32>
    %while3A_161 = arith.constant 1.024000e+04 : f32
    %while3A_162 = arith.subi %select_n3A_45, %select_n3A : i32
    %while3A_163 = arith.addi %select_n3A, %while3A_162 : i32
    %while3A_164 = arith.constant 1 : i32
    %while3A_165 = arith.divsi %while3A_162, %while3A_164 : i32
    %while3A_166 = arith.muli %while3A_165, %while3A_164 : i32
    %while3A_167 = arith.addi %select_n3A, %while3A_166 : i32
    %while3A_168 = arith.constant 1 : i32
    %while3A_169:4 = scf.for %while3A_175 = %select_n3A to %while3A_167 step %while3A_168 iter_args(%while3A_176 = %broadcast_in_dim3A_158, %while3A_177 = %broadcast_in_dim3A_160, %while3A_178 = %broadcast_in_dim3A_158, %while3A_179 = %broadcast_in_dim3A_160) -> (vector<512x1xf32>, vector<512x1xf32>, vector<512x1xf32>, vector<512x1xf32>)  : i32 {
      %mul3A_180 = arith.constant 256 : i32
      %mul3A_181 = arith.muli %while3A_175, %mul3A_180 : i32
      %mul3A_182 = arith.constant 256 : i32
      %mul3A_183 = arith.muli %while3A_175, %mul3A_182 : i32
      %convert_element_type3A_184 = arith.sitofp %mul3A_183 : i32 to f32
      %add3A_185 = vector.broadcast %convert_element_type3A_184 : f32 to vector<1x256xf32>
      %add3A_186 = arith.addf %convert_element_type3A, %add3A_185 : vector<1x256xf32>
      %get3A_187 = arith.constant 0 : index
      %get3A_188 = arith.index_cast %mul3A_181 : i32 to index
      %get3A_189 = vector.load %arg8[%get3A_187, %get3A_188] : memref<512x10240xf32, #tpu.memory_space<vmem>>, vector<512x256xf32>
      %eq3A = vector.broadcast %add3A_186 : vector<1x256xf32> to vector<512x256xf32>
      %eq3A_190 = vector.broadcast %while3A_156#1 : vector<512x1xf32> to vector<512x256xf32>
      %eq3A_191 = arith.cmpf oeq, %eq3A, %eq3A_190 : vector<512x256xf32>
      %eq3A_192 = vector.broadcast %add3A_186 : vector<1x256xf32> to vector<512x256xf32>
      %eq3A_193 = vector.broadcast %while3A_156#3 : vector<512x1xf32> to vector<512x256xf32>
      %eq3A_194 = arith.cmpf oeq, %eq3A_192, %eq3A_193 : vector<512x256xf32>
      %or3A = arith.ori %eq3A_191, %eq3A_194 : vector<512x256xi1>
      %jit3A_195 = arith.constant 1.000000e+30 : f32
      %broadcast_in_dim3A_196 = vector.broadcast %jit3A_195 : f32 to vector<512x256xf32>
      %select_n3A_197 = arith.select %or3A, %broadcast_in_dim3A_196, %get3A_189 : vector<512x256xi1>, vector<512x256xf32>
      %reduce_min3A = arith.constant dense<0x7F800000> : vector<512xf32>
      %reduce_min3A_198 = vector.multi_reduction <minimumf>, %select_n3A_197, %reduce_min3A [1] : vector<512x256xf32> to vector<512xf32>
      %broadcast_in_dim3A_199 = vector.shape_cast %reduce_min3A_198 : vector<512xf32> to vector<512x1xf32>
      %eq3A_200 = vector.broadcast %broadcast_in_dim3A_199 : vector<512x1xf32> to vector<512x256xf32>
      %eq3A_201 = arith.cmpf oeq, %select_n3A_197, %eq3A_200 : vector<512x256xf32>
      %broadcast_in_dim3A_202 = vector.shape_cast %add3A_186 : vector<1x256xf32> to vector<1x256xf32>
      %broadcast_in_dim3A_203 = vector.broadcast %broadcast_in_dim3A_202 : vector<1x256xf32> to vector<512x256xf32>
      %broadcast_in_dim3A_204 = vector.broadcast %while3A_161 : f32 to vector<512x256xf32>
      %select_n3A_205 = arith.select %eq3A_201, %broadcast_in_dim3A_203, %broadcast_in_dim3A_204 : vector<512x256xi1>, vector<512x256xf32>
      %reduce_min3A_206 = arith.constant dense<0x7F800000> : vector<512xf32>
      %reduce_min3A_207 = vector.multi_reduction <minimumf>, %select_n3A_205, %reduce_min3A_206 [1] : vector<512x256xf32> to vector<512xf32>
      %broadcast_in_dim3A_208 = vector.shape_cast %reduce_min3A_207 : vector<512xf32> to vector<512x1xf32>
      %eq3A_209 = vector.broadcast %add3A_186 : vector<1x256xf32> to vector<512x256xf32>
      %eq3A_210 = vector.broadcast %broadcast_in_dim3A_208 : vector<512x1xf32> to vector<512x256xf32>
      %eq3A_211 = arith.cmpf oeq, %eq3A_209, %eq3A_210 : vector<512x256xf32>
      %jit3A_212 = arith.constant 1.000000e+30 : f32
      %broadcast_in_dim3A_213 = vector.broadcast %jit3A_212 : f32 to vector<512x256xf32>
      %select_n3A_214 = arith.select %eq3A_211, %broadcast_in_dim3A_213, %select_n3A_197 : vector<512x256xi1>, vector<512x256xf32>
      %reduce_min3A_215 = arith.constant dense<0x7F800000> : vector<512xf32>
      %reduce_min3A_216 = vector.multi_reduction <minimumf>, %select_n3A_214, %reduce_min3A_215 [1] : vector<512x256xf32> to vector<512xf32>
      %broadcast_in_dim3A_217 = vector.shape_cast %reduce_min3A_216 : vector<512xf32> to vector<512x1xf32>
      %eq3A_218 = vector.broadcast %broadcast_in_dim3A_217 : vector<512x1xf32> to vector<512x256xf32>
      %eq3A_219 = arith.cmpf oeq, %select_n3A_214, %eq3A_218 : vector<512x256xf32>
      %broadcast_in_dim3A_220 = vector.shape_cast %add3A_186 : vector<1x256xf32> to vector<1x256xf32>
      %broadcast_in_dim3A_221 = vector.broadcast %broadcast_in_dim3A_220 : vector<1x256xf32> to vector<512x256xf32>
      %broadcast_in_dim3A_222 = vector.broadcast %while3A_161 : f32 to vector<512x256xf32>
      %select_n3A_223 = arith.select %eq3A_219, %broadcast_in_dim3A_221, %broadcast_in_dim3A_222 : vector<512x256xi1>, vector<512x256xf32>
      %reduce_min3A_224 = arith.constant dense<0x7F800000> : vector<512xf32>
      %reduce_min3A_225 = vector.multi_reduction <minimumf>, %select_n3A_223, %reduce_min3A_224 [1] : vector<512x256xf32> to vector<512xf32>
      %broadcast_in_dim3A_226 = vector.shape_cast %reduce_min3A_225 : vector<512xf32> to vector<512x1xf32>
      %lt3A = arith.cmpf olt, %broadcast_in_dim3A_199, %while3A_176 : vector<512x1xf32>
      %select_n3A_227 = arith.select %lt3A, %broadcast_in_dim3A_199, %while3A_176 : vector<512x1xi1>, vector<512x1xf32>
      %select_n3A_228 = arith.select %lt3A, %broadcast_in_dim3A_208, %while3A_177 : vector<512x1xi1>, vector<512x1xf32>
      %select_n3A_229 = arith.select %lt3A, %while3A_176, %broadcast_in_dim3A_199 : vector<512x1xi1>, vector<512x1xf32>
      %select_n3A_230 = arith.select %lt3A, %while3A_177, %broadcast_in_dim3A_208 : vector<512x1xi1>, vector<512x1xf32>
      %select_n3A_231 = arith.select %lt3A, %broadcast_in_dim3A_217, %while3A_178 : vector<512x1xi1>, vector<512x1xf32>
      %select_n3A_232 = arith.select %lt3A, %broadcast_in_dim3A_226, %while3A_179 : vector<512x1xi1>, vector<512x1xf32>
      %min3A = arith.minimumf %select_n3A_229, %select_n3A_231 : vector<512x1xf32>
      %le3A = arith.cmpf ole, %select_n3A_229, %select_n3A_231 : vector<512x1xf32>
      %select_n3A_233 = arith.select %le3A, %select_n3A_230, %select_n3A_232 : vector<512x1xi1>, vector<512x1xf32>
      scf.yield %select_n3A_227, %select_n3A_228, %min3A, %select_n3A_233 : vector<512x1xf32>, vector<512x1xf32>, vector<512x1xf32>, vector<512x1xf32>
    }
    %while3A_170 = arith.constant 1 : i32
    %while3A_171:4 = scf.for %while3A_175 = %while3A_167 to %while3A_163 step %while3A_170 iter_args(%while3A_176 = %while3A_169#0, %while3A_177 = %while3A_169#1, %while3A_178 = %while3A_169#2, %while3A_179 = %while3A_169#3) -> (vector<512x1xf32>, vector<512x1xf32>, vector<512x1xf32>, vector<512x1xf32>)  : i32 {
      %mul3A_180 = arith.constant 256 : i32
      %mul3A_181 = arith.muli %while3A_175, %mul3A_180 : i32
      %mul3A_182 = arith.constant 256 : i32
      %mul3A_183 = arith.muli %while3A_175, %mul3A_182 : i32
      %convert_element_type3A_184 = arith.sitofp %mul3A_183 : i32 to f32
      %add3A_185 = vector.broadcast %convert_element_type3A_184 : f32 to vector<1x256xf32>
      %add3A_186 = arith.addf %convert_element_type3A, %add3A_185 : vector<1x256xf32>
      %get3A_187 = arith.constant 0 : index
      %get3A_188 = arith.index_cast %mul3A_181 : i32 to index
      %get3A_189 = vector.load %arg8[%get3A_187, %get3A_188] : memref<512x10240xf32, #tpu.memory_space<vmem>>, vector<512x256xf32>
      %eq3A = vector.broadcast %add3A_186 : vector<1x256xf32> to vector<512x256xf32>
      %eq3A_190 = vector.broadcast %while3A_156#1 : vector<512x1xf32> to vector<512x256xf32>
      %eq3A_191 = arith.cmpf oeq, %eq3A, %eq3A_190 : vector<512x256xf32>
      %eq3A_192 = vector.broadcast %add3A_186 : vector<1x256xf32> to vector<512x256xf32>
      %eq3A_193 = vector.broadcast %while3A_156#3 : vector<512x1xf32> to vector<512x256xf32>
      %eq3A_194 = arith.cmpf oeq, %eq3A_192, %eq3A_193 : vector<512x256xf32>
      %or3A = arith.ori %eq3A_191, %eq3A_194 : vector<512x256xi1>
      %jit3A_195 = arith.constant 1.000000e+30 : f32
      %broadcast_in_dim3A_196 = vector.broadcast %jit3A_195 : f32 to vector<512x256xf32>
      %select_n3A_197 = arith.select %or3A, %broadcast_in_dim3A_196, %get3A_189 : vector<512x256xi1>, vector<512x256xf32>
      %reduce_min3A = arith.constant dense<0x7F800000> : vector<512xf32>
      %reduce_min3A_198 = vector.multi_reduction <minimumf>, %select_n3A_197, %reduce_min3A [1] : vector<512x256xf32> to vector<512xf32>
      %broadcast_in_dim3A_199 = vector.shape_cast %reduce_min3A_198 : vector<512xf32> to vector<512x1xf32>
      %eq3A_200 = vector.broadcast %broadcast_in_dim3A_199 : vector<512x1xf32> to vector<512x256xf32>
      %eq3A_201 = arith.cmpf oeq, %select_n3A_197, %eq3A_200 : vector<512x256xf32>
      %broadcast_in_dim3A_202 = vector.shape_cast %add3A_186 : vector<1x256xf32> to vector<1x256xf32>
      %broadcast_in_dim3A_203 = vector.broadcast %broadcast_in_dim3A_202 : vector<1x256xf32> to vector<512x256xf32>
      %broadcast_in_dim3A_204 = vector.broadcast %while3A_161 : f32 to vector<512x256xf32>
      %select_n3A_205 = arith.select %eq3A_201, %broadcast_in_dim3A_203, %broadcast_in_dim3A_204 : vector<512x256xi1>, vector<512x256xf32>
      %reduce_min3A_206 = arith.constant dense<0x7F800000> : vector<512xf32>
      %reduce_min3A_207 = vector.multi_reduction <minimumf>, %select_n3A_205, %reduce_min3A_206 [1] : vector<512x256xf32> to vector<512xf32>
      %broadcast_in_dim3A_208 = vector.shape_cast %reduce_min3A_207 : vector<512xf32> to vector<512x1xf32>
      %eq3A_209 = vector.broadcast %add3A_186 : vector<1x256xf32> to vector<512x256xf32>
      %eq3A_210 = vector.broadcast %broadcast_in_dim3A_208 : vector<512x1xf32> to vector<512x256xf32>
      %eq3A_211 = arith.cmpf oeq, %eq3A_209, %eq3A_210 : vector<512x256xf32>
      %jit3A_212 = arith.constant 1.000000e+30 : f32
      %broadcast_in_dim3A_213 = vector.broadcast %jit3A_212 : f32 to vector<512x256xf32>
      %select_n3A_214 = arith.select %eq3A_211, %broadcast_in_dim3A_213, %select_n3A_197 : vector<512x256xi1>, vector<512x256xf32>
      %reduce_min3A_215 = arith.constant dense<0x7F800000> : vector<512xf32>
      %reduce_min3A_216 = vector.multi_reduction <minimumf>, %select_n3A_214, %reduce_min3A_215 [1] : vector<512x256xf32> to vector<512xf32>
      %broadcast_in_dim3A_217 = vector.shape_cast %reduce_min3A_216 : vector<512xf32> to vector<512x1xf32>
      %eq3A_218 = vector.broadcast %broadcast_in_dim3A_217 : vector<512x1xf32> to vector<512x256xf32>
      %eq3A_219 = arith.cmpf oeq, %select_n3A_214, %eq3A_218 : vector<512x256xf32>
      %broadcast_in_dim3A_220 = vector.shape_cast %add3A_186 : vector<1x256xf32> to vector<1x256xf32>
      %broadcast_in_dim3A_221 = vector.broadcast %broadcast_in_dim3A_220 : vector<1x256xf32> to vector<512x256xf32>
      %broadcast_in_dim3A_222 = vector.broadcast %while3A_161 : f32 to vector<512x256xf32>
      %select_n3A_223 = arith.select %eq3A_219, %broadcast_in_dim3A_221, %broadcast_in_dim3A_222 : vector<512x256xi1>, vector<512x256xf32>
      %reduce_min3A_224 = arith.constant dense<0x7F800000> : vector<512xf32>
      %reduce_min3A_225 = vector.multi_reduction <minimumf>, %select_n3A_223, %reduce_min3A_224 [1] : vector<512x256xf32> to vector<512xf32>
      %broadcast_in_dim3A_226 = vector.shape_cast %reduce_min3A_225 : vector<512xf32> to vector<512x1xf32>
      %lt3A = arith.cmpf olt, %broadcast_in_dim3A_199, %while3A_176 : vector<512x1xf32>
      %select_n3A_227 = arith.select %lt3A, %broadcast_in_dim3A_199, %while3A_176 : vector<512x1xi1>, vector<512x1xf32>
      %select_n3A_228 = arith.select %lt3A, %broadcast_in_dim3A_208, %while3A_177 : vector<512x1xi1>, vector<512x1xf32>
      %select_n3A_229 = arith.select %lt3A, %while3A_176, %broadcast_in_dim3A_199 : vector<512x1xi1>, vector<512x1xf32>
      %select_n3A_230 = arith.select %lt3A, %while3A_177, %broadcast_in_dim3A_208 : vector<512x1xi1>, vector<512x1xf32>
      %select_n3A_231 = arith.select %lt3A, %broadcast_in_dim3A_217, %while3A_178 : vector<512x1xi1>, vector<512x1xf32>
      %select_n3A_232 = arith.select %lt3A, %broadcast_in_dim3A_226, %while3A_179 : vector<512x1xi1>, vector<512x1xf32>
      %min3A = arith.minimumf %select_n3A_229, %select_n3A_231 : vector<512x1xf32>
      %le3A = arith.cmpf ole, %select_n3A_229, %select_n3A_231 : vector<512x1xf32>
      %select_n3A_233 = arith.select %le3A, %select_n3A_230, %select_n3A_232 : vector<512x1xi1>, vector<512x1xf32>
      scf.yield %select_n3A_227, %select_n3A_228, %min3A, %select_n3A_233 : vector<512x1xf32>, vector<512x1xf32>, vector<512x1xf32>, vector<512x1xf32>
    }
    %concatenate3A = tpu.concatenate %while3A_66#1, %while3A_66#3, %while3A_81#1, %while3A_81#3, %while3A_96#1, %while3A_96#3, %while3A_111#1, %while3A_111#3, %while3A_126#1, %while3A_126#3, %while3A_141#1, %while3A_141#3, %while3A_156#1, %while3A_156#3, %while3A_171#1, %while3A_171#3 in 1 : vector<512x1xf32>, vector<512x1xf32>, vector<512x1xf32>, vector<512x1xf32>, vector<512x1xf32>, vector<512x1xf32>, vector<512x1xf32>, vector<512x1xf32>, vector<512x1xf32>, vector<512x1xf32>, vector<512x1xf32>, vector<512x1xf32>, vector<512x1xf32>, vector<512x1xf32>, vector<512x1xf32>, vector<512x1xf32> -> vector<512x16xf32>
    %convert_element_type3A_172 = arith.fptosi %concatenate3A : vector<512x16xf32> to vector<512x16xi32>
    %swap3A = arith.constant 0 : index
    %swap3A_173 = arith.constant 0 : index
    %swap3A_174 = vector.load %arg7[%swap3A, %swap3A_173] : memref<512x16xi32, #tpu.memory_space<vmem>>, vector<512x16xi32>
    tpu.vector_store %arg7[%swap3A, %swap3A_173], %convert_element_type3A_172 {strides = array<i32>} : memref<512x16xi32, #tpu.memory_space<vmem>>, vector<512x16xi32>,
    return
  }
  func.func @transform_0(%arg0: i32) -> (i32, i32) {
    %c0_i32 = arith.constant 0 : i32
    %c0_i32_0 = arith.constant 0 : i32
    return %arg0, %c0_i32 : i32, i32
  }
  func.func @transform_1(%arg0: i32) -> (i32, i32) {
    %c0_i32 = arith.constant 0 : i32
    %c0_i32_0 = arith.constant 0 : i32
    %c0_i32_1 = arith.constant 0 : i32
    return %c0_i32, %c0_i32_0 : i32, i32
  }
  func.func @transform_2(%arg0: i32) -> (i32, i32) {
    %c0_i32 = arith.constant 0 : i32
    %c0_i32_0 = arith.constant 0 : i32
    return %arg0, %c0_i32 : i32, i32
  }
  func.func @transform_3(%arg0: i32) -> (i32, i32) {
    %c0_i32 = arith.constant 0 : i32
    %c0_i32_0 = arith.constant 0 : i32
    %c0_i32_1 = arith.constant 0 : i32
    return %c0_i32, %c0_i32_0 : i32, i32
  }
  func.func @transform_4(%arg0: i32) -> i32 {
    %c0_i32 = arith.constant 0 : i32
    %c0_i32_0 = arith.constant 0 : i32
    return %c0_i32 : i32
  }
  func.func @transform_5(%arg0: i32) -> i32 {
    %c0_i32 = arith.constant 0 : i32
    %c0_i32_0 = arith.constant 0 : i32
    return %c0_i32 : i32
  }
  func.func @transform_6(%arg0: i32) -> (i32, i32) {
    %c0_i32 = arith.constant 0 : i32
    %c0_i32_0 = arith.constant 0 : i32
    return %arg0, %c0_i32 : i32, i32
  }
}

module attributes {stable_mosaic.version = 14 : i64} {
  func.func @_estats_body(%arg0: i32, %arg1: memref<16x400x128xf32, #tpu.memory_space<vmem>>, %arg2: memref<400x128xf32, #tpu.memory_space<vmem>>, %arg3: memref<8x128xf32, #tpu.memory_space<vmem>>) attributes {dimension_semantics = [#tpu.dimension_semantics<arbitrary>], iteration_bounds = array<i64: 25>, scalar_prefetch = 0 : i64, scratch_operands = 0 : i64, tpu.core_type = #tpu.core_type<tc>, window_params = [{transform_indices = @transform_0, window_bounds = array<i64: 16, 400, 128>}, {transform_indices = @transform_1, window_bounds = array<i64: 400, 128>}, {pipeline_mode = #tpu.pipeline_mode<synchronous>, transform_indices = @transform_2, window_bounds = array<i64: 8, 128>}]} {
    %get3A = arith.constant 0 : index
    %get3A_0 = arith.constant 0 : index
    %get3A_1 = vector.load %arg2[%get3A, %get3A_0] : memref<400x128xf32, #tpu.memory_space<vmem>>, vector<400x128xf32>
    %broadcast_in_dim3A = arith.constant 0.000000e+00 : f32
    %broadcast_in_dim3A_2 = vector.broadcast %broadcast_in_dim3A : f32 to vector<1x128xf32>
    %broadcast_in_dim3A_3 = arith.constant 0.000000e+00 : f32
    %broadcast_in_dim3A_4 = vector.broadcast %broadcast_in_dim3A_3 : f32 to vector<1x128xf32>
    %get3A_5 = arith.constant 0 : index
    %get3A_6 = arith.constant 0 : index
    %get3A_7 = arith.constant 0 : index
    %get3A_8 = vector.load %arg1[%get3A_5, %get3A_6, %get3A_7] : memref<16x400x128xf32, #tpu.memory_space<vmem>>, vector<1x400x128xf32>
    %get3A_9 = vector.shape_cast %get3A_8 : vector<1x400x128xf32> to vector<400x128xf32>
    %add3A = arith.addf %get3A_9, %get3A_1 : vector<400x128xf32>
    %reduce_sum3A = arith.constant dense<0.000000e+00> : vector<128xf32>
    %reduce_sum3A_10 = vector.multi_reduction <add>, %add3A, %reduce_sum3A [0] : vector<400x128xf32> to vector<128xf32>
    %broadcast_in_dim3A_11 = vector.shape_cast %reduce_sum3A_10 : vector<128xf32> to vector<1x128xf32>
    %add3A_12 = arith.addf %broadcast_in_dim3A_2, %broadcast_in_dim3A_11 : vector<1x128xf32>
    %mul3A = arith.mulf %add3A, %add3A : vector<400x128xf32>
    %reduce_sum3A_13 = arith.constant dense<0.000000e+00> : vector<128xf32>
    %reduce_sum3A_14 = vector.multi_reduction <add>, %mul3A, %reduce_sum3A_13 [0] : vector<400x128xf32> to vector<128xf32>
    %broadcast_in_dim3A_15 = vector.shape_cast %reduce_sum3A_14 : vector<128xf32> to vector<1x128xf32>
    %add3A_16 = arith.addf %broadcast_in_dim3A_4, %broadcast_in_dim3A_15 : vector<1x128xf32>
    %get3A_17 = arith.constant 1 : index
    %get3A_18 = arith.constant 0 : index
    %get3A_19 = arith.constant 0 : index
    %get3A_20 = vector.load %arg1[%get3A_17, %get3A_18, %get3A_19] : memref<16x400x128xf32, #tpu.memory_space<vmem>>, vector<1x400x128xf32>
    %get3A_21 = vector.shape_cast %get3A_20 : vector<1x400x128xf32> to vector<400x128xf32>
    %add3A_22 = arith.addf %get3A_21, %get3A_1 : vector<400x128xf32>
    %reduce_sum3A_23 = arith.constant dense<0.000000e+00> : vector<128xf32>
    %reduce_sum3A_24 = vector.multi_reduction <add>, %add3A_22, %reduce_sum3A_23 [0] : vector<400x128xf32> to vector<128xf32>
    %broadcast_in_dim3A_25 = vector.shape_cast %reduce_sum3A_24 : vector<128xf32> to vector<1x128xf32>
    %add3A_26 = arith.addf %add3A_12, %broadcast_in_dim3A_25 : vector<1x128xf32>
    %mul3A_27 = arith.mulf %add3A_22, %add3A_22 : vector<400x128xf32>
    %reduce_sum3A_28 = arith.constant dense<0.000000e+00> : vector<128xf32>
    %reduce_sum3A_29 = vector.multi_reduction <add>, %mul3A_27, %reduce_sum3A_28 [0] : vector<400x128xf32> to vector<128xf32>
    %broadcast_in_dim3A_30 = vector.shape_cast %reduce_sum3A_29 : vector<128xf32> to vector<1x128xf32>
    %add3A_31 = arith.addf %add3A_16, %broadcast_in_dim3A_30 : vector<1x128xf32>
    %get3A_32 = arith.constant 2 : index
    %get3A_33 = arith.constant 0 : index
    %get3A_34 = arith.constant 0 : index
    %get3A_35 = vector.load %arg1[%get3A_32, %get3A_33, %get3A_34] : memref<16x400x128xf32, #tpu.memory_space<vmem>>, vector<1x400x128xf32>
    %get3A_36 = vector.shape_cast %get3A_35 : vector<1x400x128xf32> to vector<400x128xf32>
    %add3A_37 = arith.addf %get3A_36, %get3A_1 : vector<400x128xf32>
    %reduce_sum3A_38 = arith.constant dense<0.000000e+00> : vector<128xf32>
    %reduce_sum3A_39 = vector.multi_reduction <add>, %add3A_37, %reduce_sum3A_38 [0] : vector<400x128xf32> to vector<128xf32>
    %broadcast_in_dim3A_40 = vector.shape_cast %reduce_sum3A_39 : vector<128xf32> to vector<1x128xf32>
    %add3A_41 = arith.addf %add3A_26, %broadcast_in_dim3A_40 : vector<1x128xf32>
    %mul3A_42 = arith.mulf %add3A_37, %add3A_37 : vector<400x128xf32>
    %reduce_sum3A_43 = arith.constant dense<0.000000e+00> : vector<128xf32>
    %reduce_sum3A_44 = vector.multi_reduction <add>, %mul3A_42, %reduce_sum3A_43 [0] : vector<400x128xf32> to vector<128xf32>
    %broadcast_in_dim3A_45 = vector.shape_cast %reduce_sum3A_44 : vector<128xf32> to vector<1x128xf32>
    %add3A_46 = arith.addf %add3A_31, %broadcast_in_dim3A_45 : vector<1x128xf32>
    %get3A_47 = arith.constant 3 : index
    %get3A_48 = arith.constant 0 : index
    %get3A_49 = arith.constant 0 : index
    %get3A_50 = vector.load %arg1[%get3A_47, %get3A_48, %get3A_49] : memref<16x400x128xf32, #tpu.memory_space<vmem>>, vector<1x400x128xf32>
    %get3A_51 = vector.shape_cast %get3A_50 : vector<1x400x128xf32> to vector<400x128xf32>
    %add3A_52 = arith.addf %get3A_51, %get3A_1 : vector<400x128xf32>
    %reduce_sum3A_53 = arith.constant dense<0.000000e+00> : vector<128xf32>
    %reduce_sum3A_54 = vector.multi_reduction <add>, %add3A_52, %reduce_sum3A_53 [0] : vector<400x128xf32> to vector<128xf32>
    %broadcast_in_dim3A_55 = vector.shape_cast %reduce_sum3A_54 : vector<128xf32> to vector<1x128xf32>
    %add3A_56 = arith.addf %add3A_41, %broadcast_in_dim3A_55 : vector<1x128xf32>
    %mul3A_57 = arith.mulf %add3A_52, %add3A_52 : vector<400x128xf32>
    %reduce_sum3A_58 = arith.constant dense<0.000000e+00> : vector<128xf32>
    %reduce_sum3A_59 = vector.multi_reduction <add>, %mul3A_57, %reduce_sum3A_58 [0] : vector<400x128xf32> to vector<128xf32>
    %broadcast_in_dim3A_60 = vector.shape_cast %reduce_sum3A_59 : vector<128xf32> to vector<1x128xf32>
    %add3A_61 = arith.addf %add3A_46, %broadcast_in_dim3A_60 : vector<1x128xf32>
    %get3A_62 = arith.constant 4 : index
    %get3A_63 = arith.constant 0 : index
    %get3A_64 = arith.constant 0 : index
    %get3A_65 = vector.load %arg1[%get3A_62, %get3A_63, %get3A_64] : memref<16x400x128xf32, #tpu.memory_space<vmem>>, vector<1x400x128xf32>
    %get3A_66 = vector.shape_cast %get3A_65 : vector<1x400x128xf32> to vector<400x128xf32>
    %add3A_67 = arith.addf %get3A_66, %get3A_1 : vector<400x128xf32>
    %reduce_sum3A_68 = arith.constant dense<0.000000e+00> : vector<128xf32>
    %reduce_sum3A_69 = vector.multi_reduction <add>, %add3A_67, %reduce_sum3A_68 [0] : vector<400x128xf32> to vector<128xf32>
    %broadcast_in_dim3A_70 = vector.shape_cast %reduce_sum3A_69 : vector<128xf32> to vector<1x128xf32>
    %add3A_71 = arith.addf %add3A_56, %broadcast_in_dim3A_70 : vector<1x128xf32>
    %mul3A_72 = arith.mulf %add3A_67, %add3A_67 : vector<400x128xf32>
    %reduce_sum3A_73 = arith.constant dense<0.000000e+00> : vector<128xf32>
    %reduce_sum3A_74 = vector.multi_reduction <add>, %mul3A_72, %reduce_sum3A_73 [0] : vector<400x128xf32> to vector<128xf32>
    %broadcast_in_dim3A_75 = vector.shape_cast %reduce_sum3A_74 : vector<128xf32> to vector<1x128xf32>
    %add3A_76 = arith.addf %add3A_61, %broadcast_in_dim3A_75 : vector<1x128xf32>
    %get3A_77 = arith.constant 5 : index
    %get3A_78 = arith.constant 0 : index
    %get3A_79 = arith.constant 0 : index
    %get3A_80 = vector.load %arg1[%get3A_77, %get3A_78, %get3A_79] : memref<16x400x128xf32, #tpu.memory_space<vmem>>, vector<1x400x128xf32>
    %get3A_81 = vector.shape_cast %get3A_80 : vector<1x400x128xf32> to vector<400x128xf32>
    %add3A_82 = arith.addf %get3A_81, %get3A_1 : vector<400x128xf32>
    %reduce_sum3A_83 = arith.constant dense<0.000000e+00> : vector<128xf32>
    %reduce_sum3A_84 = vector.multi_reduction <add>, %add3A_82, %reduce_sum3A_83 [0] : vector<400x128xf32> to vector<128xf32>
    %broadcast_in_dim3A_85 = vector.shape_cast %reduce_sum3A_84 : vector<128xf32> to vector<1x128xf32>
    %add3A_86 = arith.addf %add3A_71, %broadcast_in_dim3A_85 : vector<1x128xf32>
    %mul3A_87 = arith.mulf %add3A_82, %add3A_82 : vector<400x128xf32>
    %reduce_sum3A_88 = arith.constant dense<0.000000e+00> : vector<128xf32>
    %reduce_sum3A_89 = vector.multi_reduction <add>, %mul3A_87, %reduce_sum3A_88 [0] : vector<400x128xf32> to vector<128xf32>
    %broadcast_in_dim3A_90 = vector.shape_cast %reduce_sum3A_89 : vector<128xf32> to vector<1x128xf32>
    %add3A_91 = arith.addf %add3A_76, %broadcast_in_dim3A_90 : vector<1x128xf32>
    %get3A_92 = arith.constant 6 : index
    %get3A_93 = arith.constant 0 : index
    %get3A_94 = arith.constant 0 : index
    %get3A_95 = vector.load %arg1[%get3A_92, %get3A_93, %get3A_94] : memref<16x400x128xf32, #tpu.memory_space<vmem>>, vector<1x400x128xf32>
    %get3A_96 = vector.shape_cast %get3A_95 : vector<1x400x128xf32> to vector<400x128xf32>
    %add3A_97 = arith.addf %get3A_96, %get3A_1 : vector<400x128xf32>
    %reduce_sum3A_98 = arith.constant dense<0.000000e+00> : vector<128xf32>
    %reduce_sum3A_99 = vector.multi_reduction <add>, %add3A_97, %reduce_sum3A_98 [0] : vector<400x128xf32> to vector<128xf32>
    %broadcast_in_dim3A_100 = vector.shape_cast %reduce_sum3A_99 : vector<128xf32> to vector<1x128xf32>
    %add3A_101 = arith.addf %add3A_86, %broadcast_in_dim3A_100 : vector<1x128xf32>
    %mul3A_102 = arith.mulf %add3A_97, %add3A_97 : vector<400x128xf32>
    %reduce_sum3A_103 = arith.constant dense<0.000000e+00> : vector<128xf32>
    %reduce_sum3A_104 = vector.multi_reduction <add>, %mul3A_102, %reduce_sum3A_103 [0] : vector<400x128xf32> to vector<128xf32>
    %broadcast_in_dim3A_105 = vector.shape_cast %reduce_sum3A_104 : vector<128xf32> to vector<1x128xf32>
    %add3A_106 = arith.addf %add3A_91, %broadcast_in_dim3A_105 : vector<1x128xf32>
    %get3A_107 = arith.constant 7 : index
    %get3A_108 = arith.constant 0 : index
    %get3A_109 = arith.constant 0 : index
    %get3A_110 = vector.load %arg1[%get3A_107, %get3A_108, %get3A_109] : memref<16x400x128xf32, #tpu.memory_space<vmem>>, vector<1x400x128xf32>
    %get3A_111 = vector.shape_cast %get3A_110 : vector<1x400x128xf32> to vector<400x128xf32>
    %add3A_112 = arith.addf %get3A_111, %get3A_1 : vector<400x128xf32>
    %reduce_sum3A_113 = arith.constant dense<0.000000e+00> : vector<128xf32>
    %reduce_sum3A_114 = vector.multi_reduction <add>, %add3A_112, %reduce_sum3A_113 [0] : vector<400x128xf32> to vector<128xf32>
    %broadcast_in_dim3A_115 = vector.shape_cast %reduce_sum3A_114 : vector<128xf32> to vector<1x128xf32>
    %add3A_116 = arith.addf %add3A_101, %broadcast_in_dim3A_115 : vector<1x128xf32>
    %mul3A_117 = arith.mulf %add3A_112, %add3A_112 : vector<400x128xf32>
    %reduce_sum3A_118 = arith.constant dense<0.000000e+00> : vector<128xf32>
    %reduce_sum3A_119 = vector.multi_reduction <add>, %mul3A_117, %reduce_sum3A_118 [0] : vector<400x128xf32> to vector<128xf32>
    %broadcast_in_dim3A_120 = vector.shape_cast %reduce_sum3A_119 : vector<128xf32> to vector<1x128xf32>
    %add3A_121 = arith.addf %add3A_106, %broadcast_in_dim3A_120 : vector<1x128xf32>
    %get3A_122 = arith.constant 8 : index
    %get3A_123 = arith.constant 0 : index
    %get3A_124 = arith.constant 0 : index
    %get3A_125 = vector.load %arg1[%get3A_122, %get3A_123, %get3A_124] : memref<16x400x128xf32, #tpu.memory_space<vmem>>, vector<1x400x128xf32>
    %get3A_126 = vector.shape_cast %get3A_125 : vector<1x400x128xf32> to vector<400x128xf32>
    %add3A_127 = arith.addf %get3A_126, %get3A_1 : vector<400x128xf32>
    %reduce_sum3A_128 = arith.constant dense<0.000000e+00> : vector<128xf32>
    %reduce_sum3A_129 = vector.multi_reduction <add>, %add3A_127, %reduce_sum3A_128 [0] : vector<400x128xf32> to vector<128xf32>
    %broadcast_in_dim3A_130 = vector.shape_cast %reduce_sum3A_129 : vector<128xf32> to vector<1x128xf32>
    %add3A_131 = arith.addf %add3A_116, %broadcast_in_dim3A_130 : vector<1x128xf32>
    %mul3A_132 = arith.mulf %add3A_127, %add3A_127 : vector<400x128xf32>
    %reduce_sum3A_133 = arith.constant dense<0.000000e+00> : vector<128xf32>
    %reduce_sum3A_134 = vector.multi_reduction <add>, %mul3A_132, %reduce_sum3A_133 [0] : vector<400x128xf32> to vector<128xf32>
    %broadcast_in_dim3A_135 = vector.shape_cast %reduce_sum3A_134 : vector<128xf32> to vector<1x128xf32>
    %add3A_136 = arith.addf %add3A_121, %broadcast_in_dim3A_135 : vector<1x128xf32>
    %get3A_137 = arith.constant 9 : index
    %get3A_138 = arith.constant 0 : index
    %get3A_139 = arith.constant 0 : index
    %get3A_140 = vector.load %arg1[%get3A_137, %get3A_138, %get3A_139] : memref<16x400x128xf32, #tpu.memory_space<vmem>>, vector<1x400x128xf32>
    %get3A_141 = vector.shape_cast %get3A_140 : vector<1x400x128xf32> to vector<400x128xf32>
    %add3A_142 = arith.addf %get3A_141, %get3A_1 : vector<400x128xf32>
    %reduce_sum3A_143 = arith.constant dense<0.000000e+00> : vector<128xf32>
    %reduce_sum3A_144 = vector.multi_reduction <add>, %add3A_142, %reduce_sum3A_143 [0] : vector<400x128xf32> to vector<128xf32>
    %broadcast_in_dim3A_145 = vector.shape_cast %reduce_sum3A_144 : vector<128xf32> to vector<1x128xf32>
    %add3A_146 = arith.addf %add3A_131, %broadcast_in_dim3A_145 : vector<1x128xf32>
    %mul3A_147 = arith.mulf %add3A_142, %add3A_142 : vector<400x128xf32>
    %reduce_sum3A_148 = arith.constant dense<0.000000e+00> : vector<128xf32>
    %reduce_sum3A_149 = vector.multi_reduction <add>, %mul3A_147, %reduce_sum3A_148 [0] : vector<400x128xf32> to vector<128xf32>
    %broadcast_in_dim3A_150 = vector.shape_cast %reduce_sum3A_149 : vector<128xf32> to vector<1x128xf32>
    %add3A_151 = arith.addf %add3A_136, %broadcast_in_dim3A_150 : vector<1x128xf32>
    %get3A_152 = arith.constant 10 : index
    %get3A_153 = arith.constant 0 : index
    %get3A_154 = arith.constant 0 : index
    %get3A_155 = vector.load %arg1[%get3A_152, %get3A_153, %get3A_154] : memref<16x400x128xf32, #tpu.memory_space<vmem>>, vector<1x400x128xf32>
    %get3A_156 = vector.shape_cast %get3A_155 : vector<1x400x128xf32> to vector<400x128xf32>
    %add3A_157 = arith.addf %get3A_156, %get3A_1 : vector<400x128xf32>
    %reduce_sum3A_158 = arith.constant dense<0.000000e+00> : vector<128xf32>
    %reduce_sum3A_159 = vector.multi_reduction <add>, %add3A_157, %reduce_sum3A_158 [0] : vector<400x128xf32> to vector<128xf32>
    %broadcast_in_dim3A_160 = vector.shape_cast %reduce_sum3A_159 : vector<128xf32> to vector<1x128xf32>
    %add3A_161 = arith.addf %add3A_146, %broadcast_in_dim3A_160 : vector<1x128xf32>
    %mul3A_162 = arith.mulf %add3A_157, %add3A_157 : vector<400x128xf32>
    %reduce_sum3A_163 = arith.constant dense<0.000000e+00> : vector<128xf32>
    %reduce_sum3A_164 = vector.multi_reduction <add>, %mul3A_162, %reduce_sum3A_163 [0] : vector<400x128xf32> to vector<128xf32>
    %broadcast_in_dim3A_165 = vector.shape_cast %reduce_sum3A_164 : vector<128xf32> to vector<1x128xf32>
    %add3A_166 = arith.addf %add3A_151, %broadcast_in_dim3A_165 : vector<1x128xf32>
    %get3A_167 = arith.constant 11 : index
    %get3A_168 = arith.constant 0 : index
    %get3A_169 = arith.constant 0 : index
    %get3A_170 = vector.load %arg1[%get3A_167, %get3A_168, %get3A_169] : memref<16x400x128xf32, #tpu.memory_space<vmem>>, vector<1x400x128xf32>
    %get3A_171 = vector.shape_cast %get3A_170 : vector<1x400x128xf32> to vector<400x128xf32>
    %add3A_172 = arith.addf %get3A_171, %get3A_1 : vector<400x128xf32>
    %reduce_sum3A_173 = arith.constant dense<0.000000e+00> : vector<128xf32>
    %reduce_sum3A_174 = vector.multi_reduction <add>, %add3A_172, %reduce_sum3A_173 [0] : vector<400x128xf32> to vector<128xf32>
    %broadcast_in_dim3A_175 = vector.shape_cast %reduce_sum3A_174 : vector<128xf32> to vector<1x128xf32>
    %add3A_176 = arith.addf %add3A_161, %broadcast_in_dim3A_175 : vector<1x128xf32>
    %mul3A_177 = arith.mulf %add3A_172, %add3A_172 : vector<400x128xf32>
    %reduce_sum3A_178 = arith.constant dense<0.000000e+00> : vector<128xf32>
    %reduce_sum3A_179 = vector.multi_reduction <add>, %mul3A_177, %reduce_sum3A_178 [0] : vector<400x128xf32> to vector<128xf32>
    %broadcast_in_dim3A_180 = vector.shape_cast %reduce_sum3A_179 : vector<128xf32> to vector<1x128xf32>
    %add3A_181 = arith.addf %add3A_166, %broadcast_in_dim3A_180 : vector<1x128xf32>
    %get3A_182 = arith.constant 12 : index
    %get3A_183 = arith.constant 0 : index
    %get3A_184 = arith.constant 0 : index
    %get3A_185 = vector.load %arg1[%get3A_182, %get3A_183, %get3A_184] : memref<16x400x128xf32, #tpu.memory_space<vmem>>, vector<1x400x128xf32>
    %get3A_186 = vector.shape_cast %get3A_185 : vector<1x400x128xf32> to vector<400x128xf32>
    %add3A_187 = arith.addf %get3A_186, %get3A_1 : vector<400x128xf32>
    %reduce_sum3A_188 = arith.constant dense<0.000000e+00> : vector<128xf32>
    %reduce_sum3A_189 = vector.multi_reduction <add>, %add3A_187, %reduce_sum3A_188 [0] : vector<400x128xf32> to vector<128xf32>
    %broadcast_in_dim3A_190 = vector.shape_cast %reduce_sum3A_189 : vector<128xf32> to vector<1x128xf32>
    %add3A_191 = arith.addf %add3A_176, %broadcast_in_dim3A_190 : vector<1x128xf32>
    %mul3A_192 = arith.mulf %add3A_187, %add3A_187 : vector<400x128xf32>
    %reduce_sum3A_193 = arith.constant dense<0.000000e+00> : vector<128xf32>
    %reduce_sum3A_194 = vector.multi_reduction <add>, %mul3A_192, %reduce_sum3A_193 [0] : vector<400x128xf32> to vector<128xf32>
    %broadcast_in_dim3A_195 = vector.shape_cast %reduce_sum3A_194 : vector<128xf32> to vector<1x128xf32>
    %add3A_196 = arith.addf %add3A_181, %broadcast_in_dim3A_195 : vector<1x128xf32>
    %get3A_197 = arith.constant 13 : index
    %get3A_198 = arith.constant 0 : index
    %get3A_199 = arith.constant 0 : index
    %get3A_200 = vector.load %arg1[%get3A_197, %get3A_198, %get3A_199] : memref<16x400x128xf32, #tpu.memory_space<vmem>>, vector<1x400x128xf32>
    %get3A_201 = vector.shape_cast %get3A_200 : vector<1x400x128xf32> to vector<400x128xf32>
    %add3A_202 = arith.addf %get3A_201, %get3A_1 : vector<400x128xf32>
    %reduce_sum3A_203 = arith.constant dense<0.000000e+00> : vector<128xf32>
    %reduce_sum3A_204 = vector.multi_reduction <add>, %add3A_202, %reduce_sum3A_203 [0] : vector<400x128xf32> to vector<128xf32>
    %broadcast_in_dim3A_205 = vector.shape_cast %reduce_sum3A_204 : vector<128xf32> to vector<1x128xf32>
    %add3A_206 = arith.addf %add3A_191, %broadcast_in_dim3A_205 : vector<1x128xf32>
    %mul3A_207 = arith.mulf %add3A_202, %add3A_202 : vector<400x128xf32>
    %reduce_sum3A_208 = arith.constant dense<0.000000e+00> : vector<128xf32>
    %reduce_sum3A_209 = vector.multi_reduction <add>, %mul3A_207, %reduce_sum3A_208 [0] : vector<400x128xf32> to vector<128xf32>
    %broadcast_in_dim3A_210 = vector.shape_cast %reduce_sum3A_209 : vector<128xf32> to vector<1x128xf32>
    %add3A_211 = arith.addf %add3A_196, %broadcast_in_dim3A_210 : vector<1x128xf32>
    %get3A_212 = arith.constant 14 : index
    %get3A_213 = arith.constant 0 : index
    %get3A_214 = arith.constant 0 : index
    %get3A_215 = vector.load %arg1[%get3A_212, %get3A_213, %get3A_214] : memref<16x400x128xf32, #tpu.memory_space<vmem>>, vector<1x400x128xf32>
    %get3A_216 = vector.shape_cast %get3A_215 : vector<1x400x128xf32> to vector<400x128xf32>
    %add3A_217 = arith.addf %get3A_216, %get3A_1 : vector<400x128xf32>
    %reduce_sum3A_218 = arith.constant dense<0.000000e+00> : vector<128xf32>
    %reduce_sum3A_219 = vector.multi_reduction <add>, %add3A_217, %reduce_sum3A_218 [0] : vector<400x128xf32> to vector<128xf32>
    %broadcast_in_dim3A_220 = vector.shape_cast %reduce_sum3A_219 : vector<128xf32> to vector<1x128xf32>
    %add3A_221 = arith.addf %add3A_206, %broadcast_in_dim3A_220 : vector<1x128xf32>
    %mul3A_222 = arith.mulf %add3A_217, %add3A_217 : vector<400x128xf32>
    %reduce_sum3A_223 = arith.constant dense<0.000000e+00> : vector<128xf32>
    %reduce_sum3A_224 = vector.multi_reduction <add>, %mul3A_222, %reduce_sum3A_223 [0] : vector<400x128xf32> to vector<128xf32>
    %broadcast_in_dim3A_225 = vector.shape_cast %reduce_sum3A_224 : vector<128xf32> to vector<1x128xf32>
    %add3A_226 = arith.addf %add3A_211, %broadcast_in_dim3A_225 : vector<1x128xf32>
    %get3A_227 = arith.constant 15 : index
    %get3A_228 = arith.constant 0 : index
    %get3A_229 = arith.constant 0 : index
    %get3A_230 = vector.load %arg1[%get3A_227, %get3A_228, %get3A_229] : memref<16x400x128xf32, #tpu.memory_space<vmem>>, vector<1x400x128xf32>
    %get3A_231 = vector.shape_cast %get3A_230 : vector<1x400x128xf32> to vector<400x128xf32>
    %add3A_232 = arith.addf %get3A_231, %get3A_1 : vector<400x128xf32>
    %reduce_sum3A_233 = arith.constant dense<0.000000e+00> : vector<128xf32>
    %reduce_sum3A_234 = vector.multi_reduction <add>, %add3A_232, %reduce_sum3A_233 [0] : vector<400x128xf32> to vector<128xf32>
    %broadcast_in_dim3A_235 = vector.shape_cast %reduce_sum3A_234 : vector<128xf32> to vector<1x128xf32>
    %add3A_236 = arith.addf %add3A_221, %broadcast_in_dim3A_235 : vector<1x128xf32>
    %mul3A_237 = arith.mulf %add3A_232, %add3A_232 : vector<400x128xf32>
    %reduce_sum3A_238 = arith.constant dense<0.000000e+00> : vector<128xf32>
    %reduce_sum3A_239 = vector.multi_reduction <add>, %mul3A_237, %reduce_sum3A_238 [0] : vector<400x128xf32> to vector<128xf32>
    %broadcast_in_dim3A_240 = vector.shape_cast %reduce_sum3A_239 : vector<128xf32> to vector<1x128xf32>
    %add3A_241 = arith.addf %add3A_226, %broadcast_in_dim3A_240 : vector<1x128xf32>
    %broadcast_in_dim3A_242 = arith.constant 0.000000e+00 : f32
    %broadcast_in_dim3A_243 = vector.broadcast %broadcast_in_dim3A_242 : f32 to vector<6x128xf32>
    %concatenate3A = tpu.concatenate %add3A_236, %add3A_241, %broadcast_in_dim3A_243 in 0 : vector<1x128xf32>, vector<1x128xf32>, vector<6x128xf32> -> vector<8x128xf32>
    %eq3A = arith.constant 0 : i32
    %eq3A_244 = arith.cmpi eq, %arg0, %eq3A : i32
    %get3A_245 = arith.constant 0 : index
    %get3A_246 = arith.constant 0 : index
    %get3A_247 = vector.load %arg3[%get3A_245, %get3A_246] : memref<8x128xf32, #tpu.memory_space<vmem>>, vector<8x128xf32>
    %add3A_248 = arith.addf %get3A_247, %concatenate3A : vector<8x128xf32>
    %select_n3A = arith.select %eq3A_244, %concatenate3A, %add3A_248 : vector<8x128xf32>
    %swap3A = arith.constant 0 : index
    %swap3A_249 = arith.constant 0 : index
    %swap3A_250 = vector.load %arg3[%swap3A, %swap3A_249] : memref<8x128xf32, #tpu.memory_space<vmem>>, vector<8x128xf32>
    tpu.vector_store %arg3[%swap3A, %swap3A_249], %select_n3A {strides = array<i32>} : memref<8x128xf32, #tpu.memory_space<vmem>>, vector<8x128xf32>,
    return
  }
  func.func @transform_0(%arg0: i32) -> (i32, i32, i32) {
    %c0_i32 = arith.constant 0 : i32
    %c0_i32_0 = arith.constant 0 : i32
    %c0_i32_1 = arith.constant 0 : i32
    return %c0_i32, %arg0, %c0_i32_0 : i32, i32, i32
  }
  func.func @transform_1(%arg0: i32) -> (i32, i32) {
    %c0_i32 = arith.constant 0 : i32
    %c0_i32_0 = arith.constant 0 : i32
    return %arg0, %c0_i32 : i32, i32
  }
  func.func @transform_2(%arg0: i32) -> (i32, i32) {
    %c0_i32 = arith.constant 0 : i32
    %c0_i32_0 = arith.constant 0 : i32
    %c0_i32_1 = arith.constant 0 : i32
    return %c0_i32, %c0_i32_0 : i32, i32
  }
}

module attributes {stable_mosaic.version = 14 : i64} {
  func.func @_edge_body(%arg0: i32, %arg1: memref<16x400x128xf32, #tpu.memory_space<vmem>>, %arg2: memref<400x128xf32, #tpu.memory_space<vmem>>, %arg3: memref<128x128xf32, #tpu.memory_space<vmem>>, %arg4: memref<1x128xf32, #tpu.memory_space<vmem>>, %arg5: memref<1x128xf32, #tpu.memory_space<vmem>>, %arg6: memref<1x128xf32, #tpu.memory_space<vmem>>, %arg7: memref<8x128xf32, #tpu.memory_space<vmem>>, %arg8: memref<400x128xf32, #tpu.memory_space<vmem>>, %arg9: memref<8x128xf32, #tpu.memory_space<vmem>>) attributes {dimension_semantics = [#tpu.dimension_semantics<arbitrary>], iteration_bounds = array<i64: 25>, scalar_prefetch = 0 : i64, scratch_operands = 0 : i64, tpu.core_type = #tpu.core_type<tc>, window_params = [{transform_indices = @transform_0, window_bounds = array<i64: 16, 400, 128>}, {transform_indices = @transform_1, window_bounds = array<i64: 400, 128>}, {pipeline_mode = #tpu.pipeline_mode<synchronous>, transform_indices = @transform_2, window_bounds = array<i64: 128, 128>}, {pipeline_mode = #tpu.pipeline_mode<synchronous>, transform_indices = @transform_3, window_bounds = array<i64: 1, 128>}, {pipeline_mode = #tpu.pipeline_mode<synchronous>, transform_indices = @transform_4, window_bounds = array<i64: 1, 128>}, {pipeline_mode = #tpu.pipeline_mode<synchronous>, transform_indices = @transform_5, window_bounds = array<i64: 1, 128>}, {pipeline_mode = #tpu.pipeline_mode<synchronous>, transform_indices = @transform_6, window_bounds = array<i64: 8, 128>}, {transform_indices = @transform_7, window_bounds = array<i64: 400, 128>}, {pipeline_mode = #tpu.pipeline_mode<synchronous>, transform_indices = @transform_8, window_bounds = array<i64: 8, 128>}]} {
    %get3A = arith.constant 0 : index
    %get3A_0 = arith.constant 0 : index
    %get3A_1 = vector.load %arg7[%get3A, %get3A_0] : memref<8x128xf32, #tpu.memory_space<vmem>>, vector<1x128xf32>
    %div3A = arith.constant 1.600000e+05 : f32
    %div3A_2 = vector.broadcast %div3A : f32 to vector<1x128xf32>
    %div3A_3 = arith.divf %get3A_1, %div3A_2 : vector<1x128xf32>
    %get3A_4 = arith.constant 1 : index
    %get3A_5 = arith.constant 0 : index
    %get3A_6 = vector.load %arg7[%get3A_4, %get3A_5] : memref<8x128xf32, #tpu.memory_space<vmem>>, vector<1x128xf32>
    %div3A_7 = arith.constant 1.600000e+05 : f32
    %div3A_8 = vector.broadcast %div3A_7 : f32 to vector<1x128xf32>
    %div3A_9 = arith.divf %get3A_6, %div3A_8 : vector<1x128xf32>
    %mul3A = arith.mulf %div3A_3, %div3A_3 : vector<1x128xf32>
    %sub3A = arith.subf %div3A_9, %mul3A : vector<1x128xf32>
    %get3A_10 = arith.constant 0 : index
    %get3A_11 = arith.constant 0 : index
    %get3A_12 = vector.load %arg5[%get3A_10, %get3A_11] : memref<1x128xf32, #tpu.memory_space<vmem>>, vector<1x128xf32>
    %add3A = arith.constant 9.99999974E-6 : f32
    %add3A_13 = vector.broadcast %add3A : f32 to vector<1x128xf32>
    %add3A_14 = arith.addf %sub3A, %add3A_13 : vector<1x128xf32>
    %rsqrt3A = math.rsqrt %add3A_14 : vector<1x128xf32>
    %mul3A_15 = arith.mulf %get3A_12, %rsqrt3A : vector<1x128xf32>
    %get3A_16 = arith.constant 0 : index
    %get3A_17 = arith.constant 0 : index
    %get3A_18 = vector.load %arg6[%get3A_16, %get3A_17] : memref<1x128xf32, #tpu.memory_space<vmem>>, vector<1x128xf32>
    %mul3A_19 = arith.mulf %div3A_3, %mul3A_15 : vector<1x128xf32>
    %sub3A_20 = arith.subf %get3A_18, %mul3A_19 : vector<1x128xf32>
    %get3A_21 = arith.constant 0 : index
    %get3A_22 = arith.constant 0 : index
    %get3A_23 = vector.load %arg2[%get3A_21, %get3A_22] : memref<400x128xf32, #tpu.memory_space<vmem>>, vector<400x128xf32>
    %broadcast_in_dim3A = arith.constant -3.000000e+38 : f32
    %broadcast_in_dim3A_24 = vector.broadcast %broadcast_in_dim3A : f32 to vector<400x128xf32>
    %get3A_25 = arith.constant 0 : index
    %get3A_26 = arith.constant 0 : index
    %get3A_27 = arith.constant 0 : index
    %get3A_28 = vector.load %arg1[%get3A_25, %get3A_26, %get3A_27] : memref<16x400x128xf32, #tpu.memory_space<vmem>>, vector<1x400x128xf32>
    %get3A_29 = vector.shape_cast %get3A_28 : vector<1x400x128xf32> to vector<400x128xf32>
    %add3A_30 = arith.addf %get3A_29, %get3A_23 : vector<400x128xf32>
    %mul3A_31 = vector.broadcast %mul3A_15 : vector<1x128xf32> to vector<400x128xf32>
    %mul3A_32 = arith.mulf %mul3A_31, %add3A_30 : vector<400x128xf32>
    %add3A_33 = vector.broadcast %sub3A_20 : vector<1x128xf32> to vector<400x128xf32>
    %add3A_34 = arith.addf %mul3A_32, %add3A_33 : vector<400x128xf32>
    %max3A = arith.constant 0.000000e+00 : f32
    %max3A_35 = vector.broadcast %max3A : f32 to vector<400x128xf32>
    %max3A_36 = arith.maximumf %add3A_34, %max3A_35 : vector<400x128xf32>
    %get3A_37 = arith.constant 0 : index
    %get3A_38 = arith.constant 0 : index
    %get3A_39 = vector.load %arg3[%get3A_37, %get3A_38] : memref<128x128xf32, #tpu.memory_space<vmem>>, vector<128x128xf32>
    %dot_general3A = arith.constant dense<0.000000e+00> : vector<400x128xf32>
    %dot_general3A_40 = tpu.matmul %max3A_36, %get3A_39, %dot_general3A {dimension_numbers = #tpu.dot_dimension_numbers<[1], [0], [0], [1], [0, 0, 1, 1], [], []>, transpose_lhs_hint = false} : vector<400x128xf32>, vector<128x128xf32>, vector<400x128xf32> -> vector<400x128xf32>
    %max3A_41 = arith.maximumf %broadcast_in_dim3A_24, %dot_general3A_40 : vector<400x128xf32>
    %get3A_42 = arith.constant 1 : index
    %get3A_43 = arith.constant 0 : index
    %get3A_44 = arith.constant 0 : index
    %get3A_45 = vector.load %arg1[%get3A_42, %get3A_43, %get3A_44] : memref<16x400x128xf32, #tpu.memory_space<vmem>>, vector<1x400x128xf32>
    %get3A_46 = vector.shape_cast %get3A_45 : vector<1x400x128xf32> to vector<400x128xf32>
    %add3A_47 = arith.addf %get3A_46, %get3A_23 : vector<400x128xf32>
    %mul3A_48 = vector.broadcast %mul3A_15 : vector<1x128xf32> to vector<400x128xf32>
    %mul3A_49 = arith.mulf %mul3A_48, %add3A_47 : vector<400x128xf32>
    %add3A_50 = vector.broadcast %sub3A_20 : vector<1x128xf32> to vector<400x128xf32>
    %add3A_51 = arith.addf %mul3A_49, %add3A_50 : vector<400x128xf32>
    %max3A_52 = arith.constant 0.000000e+00 : f32
    %max3A_53 = vector.broadcast %max3A_52 : f32 to vector<400x128xf32>
    %max3A_54 = arith.maximumf %add3A_51, %max3A_53 : vector<400x128xf32>
    %get3A_55 = arith.constant 0 : index
    %get3A_56 = arith.constant 0 : index
    %get3A_57 = vector.load %arg3[%get3A_55, %get3A_56] : memref<128x128xf32, #tpu.memory_space<vmem>>, vector<128x128xf32>
    %dot_general3A_58 = arith.constant dense<0.000000e+00> : vector<400x128xf32>
    %dot_general3A_59 = tpu.matmul %max3A_54, %get3A_57, %dot_general3A_58 {dimension_numbers = #tpu.dot_dimension_numbers<[1], [0], [0], [1], [0, 0, 1, 1], [], []>, transpose_lhs_hint = false} : vector<400x128xf32>, vector<128x128xf32>, vector<400x128xf32> -> vector<400x128xf32>
    %max3A_60 = arith.maximumf %max3A_41, %dot_general3A_59 : vector<400x128xf32>
    %get3A_61 = arith.constant 2 : index
    %get3A_62 = arith.constant 0 : index
    %get3A_63 = arith.constant 0 : index
    %get3A_64 = vector.load %arg1[%get3A_61, %get3A_62, %get3A_63] : memref<16x400x128xf32, #tpu.memory_space<vmem>>, vector<1x400x128xf32>
    %get3A_65 = vector.shape_cast %get3A_64 : vector<1x400x128xf32> to vector<400x128xf32>
    %add3A_66 = arith.addf %get3A_65, %get3A_23 : vector<400x128xf32>
    %mul3A_67 = vector.broadcast %mul3A_15 : vector<1x128xf32> to vector<400x128xf32>
    %mul3A_68 = arith.mulf %mul3A_67, %add3A_66 : vector<400x128xf32>
    %add3A_69 = vector.broadcast %sub3A_20 : vector<1x128xf32> to vector<400x128xf32>
    %add3A_70 = arith.addf %mul3A_68, %add3A_69 : vector<400x128xf32>
    %max3A_71 = arith.constant 0.000000e+00 : f32
    %max3A_72 = vector.broadcast %max3A_71 : f32 to vector<400x128xf32>
    %max3A_73 = arith.maximumf %add3A_70, %max3A_72 : vector<400x128xf32>
    %get3A_74 = arith.constant 0 : index
    %get3A_75 = arith.constant 0 : index
    %get3A_76 = vector.load %arg3[%get3A_74, %get3A_75] : memref<128x128xf32, #tpu.memory_space<vmem>>, vector<128x128xf32>
    %dot_general3A_77 = arith.constant dense<0.000000e+00> : vector<400x128xf32>
    %dot_general3A_78 = tpu.matmul %max3A_73, %get3A_76, %dot_general3A_77 {dimension_numbers = #tpu.dot_dimension_numbers<[1], [0], [0], [1], [0, 0, 1, 1], [], []>, transpose_lhs_hint = false} : vector<400x128xf32>, vector<128x128xf32>, vector<400x128xf32> -> vector<400x128xf32>
    %max3A_79 = arith.maximumf %max3A_60, %dot_general3A_78 : vector<400x128xf32>
    %get3A_80 = arith.constant 3 : index
    %get3A_81 = arith.constant 0 : index
    %get3A_82 = arith.constant 0 : index
    %get3A_83 = vector.load %arg1[%get3A_80, %get3A_81, %get3A_82] : memref<16x400x128xf32, #tpu.memory_space<vmem>>, vector<1x400x128xf32>
    %get3A_84 = vector.shape_cast %get3A_83 : vector<1x400x128xf32> to vector<400x128xf32>
    %add3A_85 = arith.addf %get3A_84, %get3A_23 : vector<400x128xf32>
    %mul3A_86 = vector.broadcast %mul3A_15 : vector<1x128xf32> to vector<400x128xf32>
    %mul3A_87 = arith.mulf %mul3A_86, %add3A_85 : vector<400x128xf32>
    %add3A_88 = vector.broadcast %sub3A_20 : vector<1x128xf32> to vector<400x128xf32>
    %add3A_89 = arith.addf %mul3A_87, %add3A_88 : vector<400x128xf32>
    %max3A_90 = arith.constant 0.000000e+00 : f32
    %max3A_91 = vector.broadcast %max3A_90 : f32 to vector<400x128xf32>
    %max3A_92 = arith.maximumf %add3A_89, %max3A_91 : vector<400x128xf32>
    %get3A_93 = arith.constant 0 : index
    %get3A_94 = arith.constant 0 : index
    %get3A_95 = vector.load %arg3[%get3A_93, %get3A_94] : memref<128x128xf32, #tpu.memory_space<vmem>>, vector<128x128xf32>
    %dot_general3A_96 = arith.constant dense<0.000000e+00> : vector<400x128xf32>
    %dot_general3A_97 = tpu.matmul %max3A_92, %get3A_95, %dot_general3A_96 {dimension_numbers = #tpu.dot_dimension_numbers<[1], [0], [0], [1], [0, 0, 1, 1], [], []>, transpose_lhs_hint = false} : vector<400x128xf32>, vector<128x128xf32>, vector<400x128xf32> -> vector<400x128xf32>
    %max3A_98 = arith.maximumf %max3A_79, %dot_general3A_97 : vector<400x128xf32>
    %get3A_99 = arith.constant 4 : index
    %get3A_100 = arith.constant 0 : index
    %get3A_101 = arith.constant 0 : index
    %get3A_102 = vector.load %arg1[%get3A_99, %get3A_100, %get3A_101] : memref<16x400x128xf32, #tpu.memory_space<vmem>>, vector<1x400x128xf32>
    %get3A_103 = vector.shape_cast %get3A_102 : vector<1x400x128xf32> to vector<400x128xf32>
    %add3A_104 = arith.addf %get3A_103, %get3A_23 : vector<400x128xf32>
    %mul3A_105 = vector.broadcast %mul3A_15 : vector<1x128xf32> to vector<400x128xf32>
    %mul3A_106 = arith.mulf %mul3A_105, %add3A_104 : vector<400x128xf32>
    %add3A_107 = vector.broadcast %sub3A_20 : vector<1x128xf32> to vector<400x128xf32>
    %add3A_108 = arith.addf %mul3A_106, %add3A_107 : vector<400x128xf32>
    %max3A_109 = arith.constant 0.000000e+00 : f32
    %max3A_110 = vector.broadcast %max3A_109 : f32 to vector<400x128xf32>
    %max3A_111 = arith.maximumf %add3A_108, %max3A_110 : vector<400x128xf32>
    %get3A_112 = arith.constant 0 : index
    %get3A_113 = arith.constant 0 : index
    %get3A_114 = vector.load %arg3[%get3A_112, %get3A_113] : memref<128x128xf32, #tpu.memory_space<vmem>>, vector<128x128xf32>
    %dot_general3A_115 = arith.constant dense<0.000000e+00> : vector<400x128xf32>
    %dot_general3A_116 = tpu.matmul %max3A_111, %get3A_114, %dot_general3A_115 {dimension_numbers = #tpu.dot_dimension_numbers<[1], [0], [0], [1], [0, 0, 1, 1], [], []>, transpose_lhs_hint = false} : vector<400x128xf32>, vector<128x128xf32>, vector<400x128xf32> -> vector<400x128xf32>
    %max3A_117 = arith.maximumf %max3A_98, %dot_general3A_116 : vector<400x128xf32>
    %get3A_118 = arith.constant 5 : index
    %get3A_119 = arith.constant 0 : index
    %get3A_120 = arith.constant 0 : index
    %get3A_121 = vector.load %arg1[%get3A_118, %get3A_119, %get3A_120] : memref<16x400x128xf32, #tpu.memory_space<vmem>>, vector<1x400x128xf32>
    %get3A_122 = vector.shape_cast %get3A_121 : vector<1x400x128xf32> to vector<400x128xf32>
    %add3A_123 = arith.addf %get3A_122, %get3A_23 : vector<400x128xf32>
    %mul3A_124 = vector.broadcast %mul3A_15 : vector<1x128xf32> to vector<400x128xf32>
    %mul3A_125 = arith.mulf %mul3A_124, %add3A_123 : vector<400x128xf32>
    %add3A_126 = vector.broadcast %sub3A_20 : vector<1x128xf32> to vector<400x128xf32>
    %add3A_127 = arith.addf %mul3A_125, %add3A_126 : vector<400x128xf32>
    %max3A_128 = arith.constant 0.000000e+00 : f32
    %max3A_129 = vector.broadcast %max3A_128 : f32 to vector<400x128xf32>
    %max3A_130 = arith.maximumf %add3A_127, %max3A_129 : vector<400x128xf32>
    %get3A_131 = arith.constant 0 : index
    %get3A_132 = arith.constant 0 : index
    %get3A_133 = vector.load %arg3[%get3A_131, %get3A_132] : memref<128x128xf32, #tpu.memory_space<vmem>>, vector<128x128xf32>
    %dot_general3A_134 = arith.constant dense<0.000000e+00> : vector<400x128xf32>
    %dot_general3A_135 = tpu.matmul %max3A_130, %get3A_133, %dot_general3A_134 {dimension_numbers = #tpu.dot_dimension_numbers<[1], [0], [0], [1], [0, 0, 1, 1], [], []>, transpose_lhs_hint = false} : vector<400x128xf32>, vector<128x128xf32>, vector<400x128xf32> -> vector<400x128xf32>
    %max3A_136 = arith.maximumf %max3A_117, %dot_general3A_135 : vector<400x128xf32>
    %get3A_137 = arith.constant 6 : index
    %get3A_138 = arith.constant 0 : index
    %get3A_139 = arith.constant 0 : index
    %get3A_140 = vector.load %arg1[%get3A_137, %get3A_138, %get3A_139] : memref<16x400x128xf32, #tpu.memory_space<vmem>>, vector<1x400x128xf32>
    %get3A_141 = vector.shape_cast %get3A_140 : vector<1x400x128xf32> to vector<400x128xf32>
    %add3A_142 = arith.addf %get3A_141, %get3A_23 : vector<400x128xf32>
    %mul3A_143 = vector.broadcast %mul3A_15 : vector<1x128xf32> to vector<400x128xf32>
    %mul3A_144 = arith.mulf %mul3A_143, %add3A_142 : vector<400x128xf32>
    %add3A_145 = vector.broadcast %sub3A_20 : vector<1x128xf32> to vector<400x128xf32>
    %add3A_146 = arith.addf %mul3A_144, %add3A_145 : vector<400x128xf32>
    %max3A_147 = arith.constant 0.000000e+00 : f32
    %max3A_148 = vector.broadcast %max3A_147 : f32 to vector<400x128xf32>
    %max3A_149 = arith.maximumf %add3A_146, %max3A_148 : vector<400x128xf32>
    %get3A_150 = arith.constant 0 : index
    %get3A_151 = arith.constant 0 : index
    %get3A_152 = vector.load %arg3[%get3A_150, %get3A_151] : memref<128x128xf32, #tpu.memory_space<vmem>>, vector<128x128xf32>
    %dot_general3A_153 = arith.constant dense<0.000000e+00> : vector<400x128xf32>
    %dot_general3A_154 = tpu.matmul %max3A_149, %get3A_152, %dot_general3A_153 {dimension_numbers = #tpu.dot_dimension_numbers<[1], [0], [0], [1], [0, 0, 1, 1], [], []>, transpose_lhs_hint = false} : vector<400x128xf32>, vector<128x128xf32>, vector<400x128xf32> -> vector<400x128xf32>
    %max3A_155 = arith.maximumf %max3A_136, %dot_general3A_154 : vector<400x128xf32>
    %get3A_156 = arith.constant 7 : index
    %get3A_157 = arith.constant 0 : index
    %get3A_158 = arith.constant 0 : index
    %get3A_159 = vector.load %arg1[%get3A_156, %get3A_157, %get3A_158] : memref<16x400x128xf32, #tpu.memory_space<vmem>>, vector<1x400x128xf32>
    %get3A_160 = vector.shape_cast %get3A_159 : vector<1x400x128xf32> to vector<400x128xf32>
    %add3A_161 = arith.addf %get3A_160, %get3A_23 : vector<400x128xf32>
    %mul3A_162 = vector.broadcast %mul3A_15 : vector<1x128xf32> to vector<400x128xf32>
    %mul3A_163 = arith.mulf %mul3A_162, %add3A_161 : vector<400x128xf32>
    %add3A_164 = vector.broadcast %sub3A_20 : vector<1x128xf32> to vector<400x128xf32>
    %add3A_165 = arith.addf %mul3A_163, %add3A_164 : vector<400x128xf32>
    %max3A_166 = arith.constant 0.000000e+00 : f32
    %max3A_167 = vector.broadcast %max3A_166 : f32 to vector<400x128xf32>
    %max3A_168 = arith.maximumf %add3A_165, %max3A_167 : vector<400x128xf32>
    %get3A_169 = arith.constant 0 : index
    %get3A_170 = arith.constant 0 : index
    %get3A_171 = vector.load %arg3[%get3A_169, %get3A_170] : memref<128x128xf32, #tpu.memory_space<vmem>>, vector<128x128xf32>
    %dot_general3A_172 = arith.constant dense<0.000000e+00> : vector<400x128xf32>
    %dot_general3A_173 = tpu.matmul %max3A_168, %get3A_171, %dot_general3A_172 {dimension_numbers = #tpu.dot_dimension_numbers<[1], [0], [0], [1], [0, 0, 1, 1], [], []>, transpose_lhs_hint = false} : vector<400x128xf32>, vector<128x128xf32>, vector<400x128xf32> -> vector<400x128xf32>
    %max3A_174 = arith.maximumf %max3A_155, %dot_general3A_173 : vector<400x128xf32>
    %get3A_175 = arith.constant 8 : index
    %get3A_176 = arith.constant 0 : index
    %get3A_177 = arith.constant 0 : index
    %get3A_178 = vector.load %arg1[%get3A_175, %get3A_176, %get3A_177] : memref<16x400x128xf32, #tpu.memory_space<vmem>>, vector<1x400x128xf32>
    %get3A_179 = vector.shape_cast %get3A_178 : vector<1x400x128xf32> to vector<400x128xf32>
    %add3A_180 = arith.addf %get3A_179, %get3A_23 : vector<400x128xf32>
    %mul3A_181 = vector.broadcast %mul3A_15 : vector<1x128xf32> to vector<400x128xf32>
    %mul3A_182 = arith.mulf %mul3A_181, %add3A_180 : vector<400x128xf32>
    %add3A_183 = vector.broadcast %sub3A_20 : vector<1x128xf32> to vector<400x128xf32>
    %add3A_184 = arith.addf %mul3A_182, %add3A_183 : vector<400x128xf32>
    %max3A_185 = arith.constant 0.000000e+00 : f32
    %max3A_186 = vector.broadcast %max3A_185 : f32 to vector<400x128xf32>
    %max3A_187 = arith.maximumf %add3A_184, %max3A_186 : vector<400x128xf32>
    %get3A_188 = arith.constant 0 : index
    %get3A_189 = arith.constant 0 : index
    %get3A_190 = vector.load %arg3[%get3A_188, %get3A_189] : memref<128x128xf32, #tpu.memory_space<vmem>>, vector<128x128xf32>
    %dot_general3A_191 = arith.constant dense<0.000000e+00> : vector<400x128xf32>
    %dot_general3A_192 = tpu.matmul %max3A_187, %get3A_190, %dot_general3A_191 {dimension_numbers = #tpu.dot_dimension_numbers<[1], [0], [0], [1], [0, 0, 1, 1], [], []>, transpose_lhs_hint = false} : vector<400x128xf32>, vector<128x128xf32>, vector<400x128xf32> -> vector<400x128xf32>
    %max3A_193 = arith.maximumf %max3A_174, %dot_general3A_192 : vector<400x128xf32>
    %get3A_194 = arith.constant 9 : index
    %get3A_195 = arith.constant 0 : index
    %get3A_196 = arith.constant 0 : index
    %get3A_197 = vector.load %arg1[%get3A_194, %get3A_195, %get3A_196] : memref<16x400x128xf32, #tpu.memory_space<vmem>>, vector<1x400x128xf32>
    %get3A_198 = vector.shape_cast %get3A_197 : vector<1x400x128xf32> to vector<400x128xf32>
    %add3A_199 = arith.addf %get3A_198, %get3A_23 : vector<400x128xf32>
    %mul3A_200 = vector.broadcast %mul3A_15 : vector<1x128xf32> to vector<400x128xf32>
    %mul3A_201 = arith.mulf %mul3A_200, %add3A_199 : vector<400x128xf32>
    %add3A_202 = vector.broadcast %sub3A_20 : vector<1x128xf32> to vector<400x128xf32>
    %add3A_203 = arith.addf %mul3A_201, %add3A_202 : vector<400x128xf32>
    %max3A_204 = arith.constant 0.000000e+00 : f32
    %max3A_205 = vector.broadcast %max3A_204 : f32 to vector<400x128xf32>
    %max3A_206 = arith.maximumf %add3A_203, %max3A_205 : vector<400x128xf32>
    %get3A_207 = arith.constant 0 : index
    %get3A_208 = arith.constant 0 : index
    %get3A_209 = vector.load %arg3[%get3A_207, %get3A_208] : memref<128x128xf32, #tpu.memory_space<vmem>>, vector<128x128xf32>
    %dot_general3A_210 = arith.constant dense<0.000000e+00> : vector<400x128xf32>
    %dot_general3A_211 = tpu.matmul %max3A_206, %get3A_209, %dot_general3A_210 {dimension_numbers = #tpu.dot_dimension_numbers<[1], [0], [0], [1], [0, 0, 1, 1], [], []>, transpose_lhs_hint = false} : vector<400x128xf32>, vector<128x128xf32>, vector<400x128xf32> -> vector<400x128xf32>
    %max3A_212 = arith.maximumf %max3A_193, %dot_general3A_211 : vector<400x128xf32>
    %get3A_213 = arith.constant 10 : index
    %get3A_214 = arith.constant 0 : index
    %get3A_215 = arith.constant 0 : index
    %get3A_216 = vector.load %arg1[%get3A_213, %get3A_214, %get3A_215] : memref<16x400x128xf32, #tpu.memory_space<vmem>>, vector<1x400x128xf32>
    %get3A_217 = vector.shape_cast %get3A_216 : vector<1x400x128xf32> to vector<400x128xf32>
    %add3A_218 = arith.addf %get3A_217, %get3A_23 : vector<400x128xf32>
    %mul3A_219 = vector.broadcast %mul3A_15 : vector<1x128xf32> to vector<400x128xf32>
    %mul3A_220 = arith.mulf %mul3A_219, %add3A_218 : vector<400x128xf32>
    %add3A_221 = vector.broadcast %sub3A_20 : vector<1x128xf32> to vector<400x128xf32>
    %add3A_222 = arith.addf %mul3A_220, %add3A_221 : vector<400x128xf32>
    %max3A_223 = arith.constant 0.000000e+00 : f32
    %max3A_224 = vector.broadcast %max3A_223 : f32 to vector<400x128xf32>
    %max3A_225 = arith.maximumf %add3A_222, %max3A_224 : vector<400x128xf32>
    %get3A_226 = arith.constant 0 : index
    %get3A_227 = arith.constant 0 : index
    %get3A_228 = vector.load %arg3[%get3A_226, %get3A_227] : memref<128x128xf32, #tpu.memory_space<vmem>>, vector<128x128xf32>
    %dot_general3A_229 = arith.constant dense<0.000000e+00> : vector<400x128xf32>
    %dot_general3A_230 = tpu.matmul %max3A_225, %get3A_228, %dot_general3A_229 {dimension_numbers = #tpu.dot_dimension_numbers<[1], [0], [0], [1], [0, 0, 1, 1], [], []>, transpose_lhs_hint = false} : vector<400x128xf32>, vector<128x128xf32>, vector<400x128xf32> -> vector<400x128xf32>
    %max3A_231 = arith.maximumf %max3A_212, %dot_general3A_230 : vector<400x128xf32>
    %get3A_232 = arith.constant 11 : index
    %get3A_233 = arith.constant 0 : index
    %get3A_234 = arith.constant 0 : index
    %get3A_235 = vector.load %arg1[%get3A_232, %get3A_233, %get3A_234] : memref<16x400x128xf32, #tpu.memory_space<vmem>>, vector<1x400x128xf32>
    %get3A_236 = vector.shape_cast %get3A_235 : vector<1x400x128xf32> to vector<400x128xf32>
    %add3A_237 = arith.addf %get3A_236, %get3A_23 : vector<400x128xf32>
    %mul3A_238 = vector.broadcast %mul3A_15 : vector<1x128xf32> to vector<400x128xf32>
    %mul3A_239 = arith.mulf %mul3A_238, %add3A_237 : vector<400x128xf32>
    %add3A_240 = vector.broadcast %sub3A_20 : vector<1x128xf32> to vector<400x128xf32>
    %add3A_241 = arith.addf %mul3A_239, %add3A_240 : vector<400x128xf32>
    %max3A_242 = arith.constant 0.000000e+00 : f32
    %max3A_243 = vector.broadcast %max3A_242 : f32 to vector<400x128xf32>
    %max3A_244 = arith.maximumf %add3A_241, %max3A_243 : vector<400x128xf32>
    %get3A_245 = arith.constant 0 : index
    %get3A_246 = arith.constant 0 : index
    %get3A_247 = vector.load %arg3[%get3A_245, %get3A_246] : memref<128x128xf32, #tpu.memory_space<vmem>>, vector<128x128xf32>
    %dot_general3A_248 = arith.constant dense<0.000000e+00> : vector<400x128xf32>
    %dot_general3A_249 = tpu.matmul %max3A_244, %get3A_247, %dot_general3A_248 {dimension_numbers = #tpu.dot_dimension_numbers<[1], [0], [0], [1], [0, 0, 1, 1], [], []>, transpose_lhs_hint = false} : vector<400x128xf32>, vector<128x128xf32>, vector<400x128xf32> -> vector<400x128xf32>
    %max3A_250 = arith.maximumf %max3A_231, %dot_general3A_249 : vector<400x128xf32>
    %get3A_251 = arith.constant 12 : index
    %get3A_252 = arith.constant 0 : index
    %get3A_253 = arith.constant 0 : index
    %get3A_254 = vector.load %arg1[%get3A_251, %get3A_252, %get3A_253] : memref<16x400x128xf32, #tpu.memory_space<vmem>>, vector<1x400x128xf32>
    %get3A_255 = vector.shape_cast %get3A_254 : vector<1x400x128xf32> to vector<400x128xf32>
    %add3A_256 = arith.addf %get3A_255, %get3A_23 : vector<400x128xf32>
    %mul3A_257 = vector.broadcast %mul3A_15 : vector<1x128xf32> to vector<400x128xf32>
    %mul3A_258 = arith.mulf %mul3A_257, %add3A_256 : vector<400x128xf32>
    %add3A_259 = vector.broadcast %sub3A_20 : vector<1x128xf32> to vector<400x128xf32>
    %add3A_260 = arith.addf %mul3A_258, %add3A_259 : vector<400x128xf32>
    %max3A_261 = arith.constant 0.000000e+00 : f32
    %max3A_262 = vector.broadcast %max3A_261 : f32 to vector<400x128xf32>
    %max3A_263 = arith.maximumf %add3A_260, %max3A_262 : vector<400x128xf32>
    %get3A_264 = arith.constant 0 : index
    %get3A_265 = arith.constant 0 : index
    %get3A_266 = vector.load %arg3[%get3A_264, %get3A_265] : memref<128x128xf32, #tpu.memory_space<vmem>>, vector<128x128xf32>
    %dot_general3A_267 = arith.constant dense<0.000000e+00> : vector<400x128xf32>
    %dot_general3A_268 = tpu.matmul %max3A_263, %get3A_266, %dot_general3A_267 {dimension_numbers = #tpu.dot_dimension_numbers<[1], [0], [0], [1], [0, 0, 1, 1], [], []>, transpose_lhs_hint = false} : vector<400x128xf32>, vector<128x128xf32>, vector<400x128xf32> -> vector<400x128xf32>
    %max3A_269 = arith.maximumf %max3A_250, %dot_general3A_268 : vector<400x128xf32>
    %get3A_270 = arith.constant 13 : index
    %get3A_271 = arith.constant 0 : index
    %get3A_272 = arith.constant 0 : index
    %get3A_273 = vector.load %arg1[%get3A_270, %get3A_271, %get3A_272] : memref<16x400x128xf32, #tpu.memory_space<vmem>>, vector<1x400x128xf32>
    %get3A_274 = vector.shape_cast %get3A_273 : vector<1x400x128xf32> to vector<400x128xf32>
    %add3A_275 = arith.addf %get3A_274, %get3A_23 : vector<400x128xf32>
    %mul3A_276 = vector.broadcast %mul3A_15 : vector<1x128xf32> to vector<400x128xf32>
    %mul3A_277 = arith.mulf %mul3A_276, %add3A_275 : vector<400x128xf32>
    %add3A_278 = vector.broadcast %sub3A_20 : vector<1x128xf32> to vector<400x128xf32>
    %add3A_279 = arith.addf %mul3A_277, %add3A_278 : vector<400x128xf32>
    %max3A_280 = arith.constant 0.000000e+00 : f32
    %max3A_281 = vector.broadcast %max3A_280 : f32 to vector<400x128xf32>
    %max3A_282 = arith.maximumf %add3A_279, %max3A_281 : vector<400x128xf32>
    %get3A_283 = arith.constant 0 : index
    %get3A_284 = arith.constant 0 : index
    %get3A_285 = vector.load %arg3[%get3A_283, %get3A_284] : memref<128x128xf32, #tpu.memory_space<vmem>>, vector<128x128xf32>
    %dot_general3A_286 = arith.constant dense<0.000000e+00> : vector<400x128xf32>
    %dot_general3A_287 = tpu.matmul %max3A_282, %get3A_285, %dot_general3A_286 {dimension_numbers = #tpu.dot_dimension_numbers<[1], [0], [0], [1], [0, 0, 1, 1], [], []>, transpose_lhs_hint = false} : vector<400x128xf32>, vector<128x128xf32>, vector<400x128xf32> -> vector<400x128xf32>
    %max3A_288 = arith.maximumf %max3A_269, %dot_general3A_287 : vector<400x128xf32>
    %get3A_289 = arith.constant 14 : index
    %get3A_290 = arith.constant 0 : index
    %get3A_291 = arith.constant 0 : index
    %get3A_292 = vector.load %arg1[%get3A_289, %get3A_290, %get3A_291] : memref<16x400x128xf32, #tpu.memory_space<vmem>>, vector<1x400x128xf32>
    %get3A_293 = vector.shape_cast %get3A_292 : vector<1x400x128xf32> to vector<400x128xf32>
    %add3A_294 = arith.addf %get3A_293, %get3A_23 : vector<400x128xf32>
    %mul3A_295 = vector.broadcast %mul3A_15 : vector<1x128xf32> to vector<400x128xf32>
    %mul3A_296 = arith.mulf %mul3A_295, %add3A_294 : vector<400x128xf32>
    %add3A_297 = vector.broadcast %sub3A_20 : vector<1x128xf32> to vector<400x128xf32>
    %add3A_298 = arith.addf %mul3A_296, %add3A_297 : vector<400x128xf32>
    %max3A_299 = arith.constant 0.000000e+00 : f32
    %max3A_300 = vector.broadcast %max3A_299 : f32 to vector<400x128xf32>
    %max3A_301 = arith.maximumf %add3A_298, %max3A_300 : vector<400x128xf32>
    %get3A_302 = arith.constant 0 : index
    %get3A_303 = arith.constant 0 : index
    %get3A_304 = vector.load %arg3[%get3A_302, %get3A_303] : memref<128x128xf32, #tpu.memory_space<vmem>>, vector<128x128xf32>
    %dot_general3A_305 = arith.constant dense<0.000000e+00> : vector<400x128xf32>
    %dot_general3A_306 = tpu.matmul %max3A_301, %get3A_304, %dot_general3A_305 {dimension_numbers = #tpu.dot_dimension_numbers<[1], [0], [0], [1], [0, 0, 1, 1], [], []>, transpose_lhs_hint = false} : vector<400x128xf32>, vector<128x128xf32>, vector<400x128xf32> -> vector<400x128xf32>
    %max3A_307 = arith.maximumf %max3A_288, %dot_general3A_306 : vector<400x128xf32>
    %get3A_308 = arith.constant 15 : index
    %get3A_309 = arith.constant 0 : index
    %get3A_310 = arith.constant 0 : index
    %get3A_311 = vector.load %arg1[%get3A_308, %get3A_309, %get3A_310] : memref<16x400x128xf32, #tpu.memory_space<vmem>>, vector<1x400x128xf32>
    %get3A_312 = vector.shape_cast %get3A_311 : vector<1x400x128xf32> to vector<400x128xf32>
    %add3A_313 = arith.addf %get3A_312, %get3A_23 : vector<400x128xf32>
    %mul3A_314 = vector.broadcast %mul3A_15 : vector<1x128xf32> to vector<400x128xf32>
    %mul3A_315 = arith.mulf %mul3A_314, %add3A_313 : vector<400x128xf32>
    %add3A_316 = vector.broadcast %sub3A_20 : vector<1x128xf32> to vector<400x128xf32>
    %add3A_317 = arith.addf %mul3A_315, %add3A_316 : vector<400x128xf32>
    %max3A_318 = arith.constant 0.000000e+00 : f32
    %max3A_319 = vector.broadcast %max3A_318 : f32 to vector<400x128xf32>
    %max3A_320 = arith.maximumf %add3A_317, %max3A_319 : vector<400x128xf32>
    %get3A_321 = arith.constant 0 : index
    %get3A_322 = arith.constant 0 : index
    %get3A_323 = vector.load %arg3[%get3A_321, %get3A_322] : memref<128x128xf32, #tpu.memory_space<vmem>>, vector<128x128xf32>
    %dot_general3A_324 = arith.constant dense<0.000000e+00> : vector<400x128xf32>
    %dot_general3A_325 = tpu.matmul %max3A_320, %get3A_323, %dot_general3A_324 {dimension_numbers = #tpu.dot_dimension_numbers<[1], [0], [0], [1], [0, 0, 1, 1], [], []>, transpose_lhs_hint = false} : vector<400x128xf32>, vector<128x128xf32>, vector<400x128xf32> -> vector<400x128xf32>
    %max3A_326 = arith.maximumf %max3A_307, %dot_general3A_325 : vector<400x128xf32>
    %get3A_327 = arith.constant 0 : index
    %get3A_328 = arith.constant 0 : index
    %get3A_329 = vector.load %arg4[%get3A_327, %get3A_328] : memref<1x128xf32, #tpu.memory_space<vmem>>, vector<1x128xf32>
    %add3A_330 = vector.broadcast %get3A_329 : vector<1x128xf32> to vector<400x128xf32>
    %add3A_331 = arith.addf %max3A_326, %add3A_330 : vector<400x128xf32>
    %swap3A = arith.constant 0 : index
    %swap3A_332 = arith.constant 0 : index
    %swap3A_333 = vector.load %arg8[%swap3A, %swap3A_332] : memref<400x128xf32, #tpu.memory_space<vmem>>, vector<400x128xf32>
    tpu.vector_store %arg8[%swap3A, %swap3A_332], %add3A_331 {strides = array<i32>} : memref<400x128xf32, #tpu.memory_space<vmem>>, vector<400x128xf32>,
    %reduce_sum3A = arith.constant dense<0.000000e+00> : vector<128xf32>
    %reduce_sum3A_334 = vector.multi_reduction <add>, %add3A_331, %reduce_sum3A [0] : vector<400x128xf32> to vector<128xf32>
    %broadcast_in_dim3A_335 = vector.shape_cast %reduce_sum3A_334 : vector<128xf32> to vector<1x128xf32>
    %mul3A_336 = arith.mulf %add3A_331, %add3A_331 : vector<400x128xf32>
    %reduce_sum3A_337 = arith.constant dense<0.000000e+00> : vector<128xf32>
    %reduce_sum3A_338 = vector.multi_reduction <add>, %mul3A_336, %reduce_sum3A_337 [0] : vector<400x128xf32> to vector<128xf32>
    %broadcast_in_dim3A_339 = vector.shape_cast %reduce_sum3A_338 : vector<128xf32> to vector<1x128xf32>
    %broadcast_in_dim3A_340 = arith.constant 0.000000e+00 : f32
    %broadcast_in_dim3A_341 = vector.broadcast %broadcast_in_dim3A_340 : f32 to vector<6x128xf32>
    %concatenate3A = tpu.concatenate %broadcast_in_dim3A_335, %broadcast_in_dim3A_339, %broadcast_in_dim3A_341 in 0 : vector<1x128xf32>, vector<1x128xf32>, vector<6x128xf32> -> vector<8x128xf32>
    %eq3A = arith.constant 0 : i32
    %eq3A_342 = arith.cmpi eq, %arg0, %eq3A : i32
    %get3A_343 = arith.constant 0 : index
    %get3A_344 = arith.constant 0 : index
    %get3A_345 = vector.load %arg9[%get3A_343, %get3A_344] : memref<8x128xf32, #tpu.memory_space<vmem>>, vector<8x128xf32>
    %add3A_346 = arith.addf %get3A_345, %concatenate3A : vector<8x128xf32>
    %select_n3A = arith.select %eq3A_342, %concatenate3A, %add3A_346 : vector<8x128xf32>
    %swap3A_347 = arith.constant 0 : index
    %swap3A_348 = arith.constant 0 : index
    %swap3A_349 = vector.load %arg9[%swap3A_347, %swap3A_348] : memref<8x128xf32, #tpu.memory_space<vmem>>, vector<8x128xf32>
    tpu.vector_store %arg9[%swap3A_347, %swap3A_348], %select_n3A {strides = array<i32>} : memref<8x128xf32, #tpu.memory_space<vmem>>, vector<8x128xf32>,
    return
  }
  func.func @transform_0(%arg0: i32) -> (i32, i32, i32) {
    %c0_i32 = arith.constant 0 : i32
    %c0_i32_0 = arith.constant 0 : i32
    %c0_i32_1 = arith.constant 0 : i32
    return %c0_i32, %arg0, %c0_i32_0 : i32, i32, i32
  }
  func.func @transform_1(%arg0: i32) -> (i32, i32) {
    %c0_i32 = arith.constant 0 : i32
    %c0_i32_0 = arith.constant 0 : i32
    return %arg0, %c0_i32 : i32, i32
  }
  func.func @transform_2(%arg0: i32) -> (i32, i32) {
    %c0_i32 = arith.constant 0 : i32
    %c0_i32_0 = arith.constant 0 : i32
    %c0_i32_1 = arith.constant 0 : i32
    return %c0_i32, %c0_i32_0 : i32, i32
  }
  func.func @transform_3(%arg0: i32) -> (i32, i32) {
    %c0_i32 = arith.constant 0 : i32
    %c0_i32_0 = arith.constant 0 : i32
    %c0_i32_1 = arith.constant 0 : i32
    return %c0_i32, %c0_i32_0 : i32, i32
  }
  func.func @transform_4(%arg0: i32) -> (i32, i32) {
    %c0_i32 = arith.constant 0 : i32
    %c0_i32_0 = arith.constant 0 : i32
    %c0_i32_1 = arith.constant 0 : i32
    return %c0_i32, %c0_i32_0 : i32, i32
  }
  func.func @transform_5(%arg0: i32) -> (i32, i32) {
    %c0_i32 = arith.constant 0 : i32
    %c0_i32_0 = arith.constant 0 : i32
    %c0_i32_1 = arith.constant 0 : i32
    return %c0_i32, %c0_i32_0 : i32, i32
  }
  func.func @transform_6(%arg0: i32) -> (i32, i32) {
    %c0_i32 = arith.constant 0 : i32
    %c0_i32_0 = arith.constant 0 : i32
    %c0_i32_1 = arith.constant 0 : i32
    return %c0_i32, %c0_i32_0 : i32, i32
  }
  func.func @transform_7(%arg0: i32) -> (i32, i32) {
    %c0_i32 = arith.constant 0 : i32
    %c0_i32_0 = arith.constant 0 : i32
    return %arg0, %c0_i32 : i32, i32
  }
  func.func @transform_8(%arg0: i32) -> (i32, i32) {
    %c0_i32 = arith.constant 0 : i32
    %c0_i32_0 = arith.constant 0 : i32
    %c0_i32_1 = arith.constant 0 : i32
    return %c0_i32, %c0_i32_0 : i32, i32
  }
}

module attributes {stable_mosaic.version = 14 : i64} {
  func.func @_final_body(%arg0: i32, %arg1: memref<400x128xf32, #tpu.memory_space<vmem>>, %arg2: memref<8x128xf32, #tpu.memory_space<vmem>>, %arg3: memref<1x128xf32, #tpu.memory_space<vmem>>, %arg4: memref<1x128xf32, #tpu.memory_space<vmem>>, %arg5: memref<400x128xf32, #tpu.memory_space<vmem>>) attributes {dimension_semantics = [#tpu.dimension_semantics<arbitrary>], iteration_bounds = array<i64: 25>, scalar_prefetch = 0 : i64, scratch_operands = 0 : i64, tpu.core_type = #tpu.core_type<tc>, window_params = [{transform_indices = @transform_0, window_bounds = array<i64: 400, 128>}, {pipeline_mode = #tpu.pipeline_mode<synchronous>, transform_indices = @transform_1, window_bounds = array<i64: 8, 128>}, {pipeline_mode = #tpu.pipeline_mode<synchronous>, transform_indices = @transform_2, window_bounds = array<i64: 1, 128>}, {pipeline_mode = #tpu.pipeline_mode<synchronous>, transform_indices = @transform_3, window_bounds = array<i64: 1, 128>}, {transform_indices = @transform_4, window_bounds = array<i64: 400, 128>}]} {
    %get3A = arith.constant 0 : index
    %get3A_0 = arith.constant 0 : index
    %get3A_1 = vector.load %arg2[%get3A, %get3A_0] : memref<8x128xf32, #tpu.memory_space<vmem>>, vector<1x128xf32>
    %div3A = arith.constant 1.000000e+04 : f32
    %div3A_2 = vector.broadcast %div3A : f32 to vector<1x128xf32>
    %div3A_3 = arith.divf %get3A_1, %div3A_2 : vector<1x128xf32>
    %get3A_4 = arith.constant 1 : index
    %get3A_5 = arith.constant 0 : index
    %get3A_6 = vector.load %arg2[%get3A_4, %get3A_5] : memref<8x128xf32, #tpu.memory_space<vmem>>, vector<1x128xf32>
    %div3A_7 = arith.constant 1.000000e+04 : f32
    %div3A_8 = vector.broadcast %div3A_7 : f32 to vector<1x128xf32>
    %div3A_9 = arith.divf %get3A_6, %div3A_8 : vector<1x128xf32>
    %mul3A = arith.mulf %div3A_3, %div3A_3 : vector<1x128xf32>
    %sub3A = arith.subf %div3A_9, %mul3A : vector<1x128xf32>
    %get3A_10 = arith.constant 0 : index
    %get3A_11 = arith.constant 0 : index
    %get3A_12 = vector.load %arg3[%get3A_10, %get3A_11] : memref<1x128xf32, #tpu.memory_space<vmem>>, vector<1x128xf32>
    %add3A = arith.constant 9.99999974E-6 : f32
    %add3A_13 = vector.broadcast %add3A : f32 to vector<1x128xf32>
    %add3A_14 = arith.addf %sub3A, %add3A_13 : vector<1x128xf32>
    %rsqrt3A = math.rsqrt %add3A_14 : vector<1x128xf32>
    %mul3A_15 = arith.mulf %get3A_12, %rsqrt3A : vector<1x128xf32>
    %get3A_16 = arith.constant 0 : index
    %get3A_17 = arith.constant 0 : index
    %get3A_18 = vector.load %arg4[%get3A_16, %get3A_17] : memref<1x128xf32, #tpu.memory_space<vmem>>, vector<1x128xf32>
    %mul3A_19 = arith.mulf %div3A_3, %mul3A_15 : vector<1x128xf32>
    %sub3A_20 = arith.subf %get3A_18, %mul3A_19 : vector<1x128xf32>
    %get3A_21 = arith.constant 0 : index
    %get3A_22 = arith.constant 0 : index
    %get3A_23 = vector.load %arg1[%get3A_21, %get3A_22] : memref<400x128xf32, #tpu.memory_space<vmem>>, vector<400x128xf32>
    %mul3A_24 = vector.broadcast %mul3A_15 : vector<1x128xf32> to vector<400x128xf32>
    %mul3A_25 = arith.mulf %mul3A_24, %get3A_23 : vector<400x128xf32>
    %add3A_26 = vector.broadcast %sub3A_20 : vector<1x128xf32> to vector<400x128xf32>
    %add3A_27 = arith.addf %mul3A_25, %add3A_26 : vector<400x128xf32>
    %max3A = arith.constant 0.000000e+00 : f32
    %max3A_28 = vector.broadcast %max3A : f32 to vector<400x128xf32>
    %max3A_29 = arith.maximumf %add3A_27, %max3A_28 : vector<400x128xf32>
    %swap3A = arith.constant 0 : index
    %swap3A_30 = arith.constant 0 : index
    %swap3A_31 = vector.load %arg5[%swap3A, %swap3A_30] : memref<400x128xf32, #tpu.memory_space<vmem>>, vector<400x128xf32>
    tpu.vector_store %arg5[%swap3A, %swap3A_30], %max3A_29 {strides = array<i32>} : memref<400x128xf32, #tpu.memory_space<vmem>>, vector<400x128xf32>,
    return
  }
  func.func @transform_0(%arg0: i32) -> (i32, i32) {
    %c0_i32 = arith.constant 0 : i32
    %c0_i32_0 = arith.constant 0 : i32
    return %arg0, %c0_i32 : i32, i32
  }
  func.func @transform_1(%arg0: i32) -> (i32, i32) {
    %c0_i32 = arith.constant 0 : i32
    %c0_i32_0 = arith.constant 0 : i32
    %c0_i32_1 = arith.constant 0 : i32
    return %c0_i32, %c0_i32_0 : i32, i32
  }
  func.func @transform_2(%arg0: i32) -> (i32, i32) {
    %c0_i32 = arith.constant 0 : i32
    %c0_i32_0 = arith.constant 0 : i32
    %c0_i32_1 = arith.constant 0 : i32
    return %c0_i32, %c0_i32_0 : i32, i32
  }
  func.func @transform_3(%arg0: i32) -> (i32, i32) {
    %c0_i32 = arith.constant 0 : i32
    %c0_i32_0 = arith.constant 0 : i32
    %c0_i32_1 = arith.constant 0 : i32
    return %c0_i32, %c0_i32_0 : i32, i32
  }
  func.func @transform_4(%arg0: i32) -> (i32, i32) {
    %c0_i32 = arith.constant 0 : i32
    %c0_i32_0 = arith.constant 0 : i32
    return %arg0, %c0_i32 : i32, i32
  }
}

</mosaic_0001>

<sc_bundles>
// kernel: kernel.8.cloned.1.call-start
scs
__scs_entry_jumppad:
0x0: {  	(pc) =	sbr.rel $0x88, $3  }
0x1: {  	(tag) =	ssettag $0x0;
	lr =	simm.s32 $0x1  }
0x2: {  	[smem:$0x3F8B] =	sst lr;
	_ =	strace $0xD0000000  }
0x3: {  	_ = 	snop  }
0x4: {  	_ = 	snop  }
0x5: {  	_ = 	snop  }
0x6: {  	_ = 	snop  }
0x7: {  	_ = 	snop  }
__scs_overlays_trampoline_lowered:
0x8: {  	[smem:$0x3F9A] =	sst s0  }
0x9: {  	[smem:$0x3F9B] =	sst s1  }
0xa: {  	[smem:$0x3F9C] =	sst s2  }
0xb: {  	[smem:$0x3F9D] =	sst s3  }
0xc: {  	[smem:$0x3F9E] =	sst s4  }
0xd: {  	[smem:$0x3F9F] =	sst s5  }
0xe: {  	[smem:$0x3FA0] =	sst s6  }
0xf: {  	[smem:$0x3FA1] =	sst s7  }
0x10: {  	[smem:$0x3FA2] =	sst s8  }
0x11: {  	[smem:$0x3FA3] =	sst s9;
	s0 =	simm.s32 @!p0 $0x0  }
0x12: {  	s1 =	sld [smem:$0x3F89];
	s0 =	simm.s32 @p0 $0x1  }
0x13: {  	[smem:$0x3FA4] =	sst s0;
	s0 =	simm.s32 @!p1 $0x0  }
0x14: {  	s2 =	sld [smem:$0x3F88];
	s0 =	simm.s32 @p1 $0x1  }
0x15: {  	[smem:$0x3FA5] =	sst s0;
	s0 =	simm.s32 @!p2 $0x0  }
0x16: {  	s3 =	sld [smem:$0x3FDB];
	s0 =	simm.s32 @p2 $0x1  }
0x17: {  	s4 =	simm.s32 $0x1BF5;
	[smem:$0x3FA7] =	sst s0  }
0x18: {  	s0 =	sld [smem:$0x3F8A];
	_ =	swait.ge [sflag:s4], $0x0  }
0x19: {  	s7 =	sld [smem:$0x3F8B]  }
0x1a: {  	s8 =	sadd.s32 $0xFFFFE003, lr  }
0x1b: {  	s9 =	sadd.s32 $0xFFFFFEF7, lr;
	s5 =	simm.s32 $0xFFFFFFFF;
	p2 =	slt.u32 s8, $0xFFFFF086  }
0x1c: {  	p1 =	slt.u32 s9, $0xF7A;
	s5 =	simm.s32 @!p2 $0x0  }
0x1d: {  	s5 =	simm.s32 @p1 $0x1;
	p0 =	seq.s32 s7, s2  }
0x1e: {  	s7 =	smul.u32 @!p0 $0xF7A, s2;
	p2 =	seq.s32 @!p0 s5, $0x0  }
0x1f: {  	s9 =	smul.u32 $0xF7A, s1;
	s8 =	simm.s32 @!p0 $0x1BF5;
	p2 =	por !p2, p0  }
0x20: {  	[sflag:s8] =	ssyncset.s32 @!p0 $0xFFFFF086;
	s6 =	sadd.s32 @!p0 s3, s7;
	s7 =	simm.s32 @!p0 $0x108  }
0x21: {  	s3 =	sadd.s32 s3, s9;
	s6 =	sadd.s32 @!p0 $0x88, s6;
	s7 =	simm.s32 @p2 $0x1082  }
0x22: {  	[simem:s7], [sflag:s8] =	dma.local @!p0 [hbm:s6], $0xF7A  }
0x23: {  	s9 =	sor.u32 $0xD0000000, s2;
	s6 =	simm.s32 $0x108;
	_ =	swait.ge @!p0 [sflag:s8], $0x0  }
0x24: {  	s3 =	sadd.s32 $0x88, s3;
	s6 =	simm.s32 @!p1 $0x1082;
	[sflag:s4] =	ssyncset.s32 $0xFFFFF086  }
0x25: {  	[simem:s6], [sflag:s4] =	dma.local [hbm:s3], $0xF7A  }
0x26: {  	[smem:$0x3F8B] =	sst s1;
	(tag) =	ssettag s2;
	_ =	strace s9  }
0x27: {  	s1 =	sld [smem:$0x3F9B]  }
0x28: {  	s2 =	sld [smem:$0x3F9C]  }
0x29: {  	s4 =	sld [smem:$0x3F9E]  }
0x2a: {  	p0 =	seq.s32 s5, $0x0;
	s5 =	sld [smem:$0x3F9F]  }
0x2b: {  	s6 =	sld [smem:$0x3FA0]  }
0x2c: {  	s7 =	sld [smem:$0x3FA1]  }
0x2d: {  	s3 =	simm.s32 $0x108;
	s8 =	sld [smem:$0x3FA2]  }
0x2e: {  	s3 =	simm.s32 @!p0 $0x1082;
	s9 =	sld [smem:$0x3FA3]  }
0x2f: {  	lr =	sadd.s32 s0, s3;
	s0 =	sld [smem:$0x3F9A]  }
0x30: {  	s3 =	sld [smem:$0x3F9D]  }
0x31: {  	[smem:$0x3FA6] =	sst s10  }
0x32: {  	s10 =	sld [smem:$0x3FA4];
	_ =	sdelay $0x3  }
0x33: {  	p0 =	seq.s32 s10, $0x1;
	s10 =	sld [smem:$0x3FA6];
	_ =	sdelay $0x3  }
0x34: {  	[smem:$0x3FA6] =	sst s10  }
0x35: {  	s10 =	sld [smem:$0x3FA5];
	_ =	sdelay $0x3  }
0x36: {  	p1 =	seq.s32 s10, $0x1;
	s10 =	sld [smem:$0x3FA6];
	_ =	sdelay $0x3  }
0x37: {  	[smem:$0x3FA6] =	sst s10  }
0x38: {  	s10 =	sld [smem:$0x3FA7]  }
0x39: {  	_ = 	snop;
	(pc) =	sbr.ind lr, $3  }
0x3a: {  	_ = 	snop  }
0x3b: {  	_ = 	snop  }
0x3c: {  	p2 =	seq.s32 s10, $0x1;
	s10 =	sld [smem:$0x3FA6]  }
0x3d: {  	_ =	shalt  }
0x3e: {  	_ =	shalt  }
0x3f: {  	_ =	shalt  }
0x40: {  	_ =	shalt  }
0x41: {  	_ =	shalt  }
0x42: {  	_ =	shalt  }
0x43: {  	_ =	shalt  }
0x44: {  	_ =	shalt  }
0x45: {  	_ =	shalt  }
0x46: {  	_ =	shalt  }
0x47: {  	_ =	shalt  }
0x48: {  	_ =	shalt  }
0x49: {  	_ =	shalt  }
0x4a: {  	_ =	shalt  }
0x4b: {  	_ =	shalt  }
0x4c: {  	_ =	shalt  }
0x4d: {  	_ =	shalt  }
0x4e: {  	_ =	shalt  }
0x4f: {  	_ =	shalt  }
0x50: {  	_ =	shalt  }
0x51: {  	_ =	shalt  }
0x52: {  	_ =	shalt  }
0x53: {  	_ =	shalt  }
0x54: {  	_ =	shalt  }
0x55: {  	_ =	shalt  }
0x56: {  	_ =	shalt  }
0x57: {  	_ =	shalt  }
0x58: {  	_ =	shalt  }
0x59: {  	_ =	shalt  }
0x5a: {  	_ =	shalt  }
0x5b: {  	_ =	shalt  }
0x5c: {  	_ =	shalt  }
0x5d: {  	_ =	shalt  }
0x5e: {  	_ =	shalt  }
0x5f: {  	_ =	shalt  }
0x60: {  	_ =	shalt  }
0x61: {  	_ =	shalt  }
0x62: {  	_ =	shalt  }
0x63: {  	_ =	shalt  }
0x64: {  	_ =	shalt  }
0x65: {  	_ =	shalt  }
0x66: {  	_ =	shalt  }
0x67: {  	_ =	shalt  }
0x68: {  	_ =	shalt  }
0x69: {  	_ =	shalt  }
0x6a: {  	_ =	shalt  }
0x6b: {  	_ =	shalt  }
0x6c: {  	_ =	shalt  }
0x6d: {  	_ =	shalt  }
0x6e: {  	_ =	shalt  }
0x6f: {  	_ =	shalt  }
0x70: {  	_ =	shalt  }
0x71: {  	_ =	shalt  }
0x72: {  	_ =	shalt  }
0x73: {  	_ =	shalt  }
0x74: {  	_ =	shalt  }
0x75: {  	_ =	shalt  }
0x76: {  	_ =	shalt  }
0x77: {  	_ =	shalt  }
0x78: {  	_ =	shalt  }
0x79: {  	_ =	shalt  }
0x7a: {  	_ =	shalt  }
0x7b: {  	_ =	shalt  }
0x7c: {  	_ =	shalt  }
0x7d: {  	_ =	shalt  }
0x7e: {  	_ =	shalt  }
0x7f: {  	_ =	shalt  }
0x80: {  	_ =	shalt  }
0x81: {  	_ =	shalt  }
0x82: {  	_ =	shalt  }
0x83: {  	_ =	shalt  }
0x84: {  	_ =	shalt  }
0x85: {  	_ =	shalt  }
0x86: {  	_ =	shalt  }
0x87: {  	_ =	shalt  }
.Lfunc_end0:
.L_simem_size_0:
called_computation_lowered:
.L_overlay_start_0:
0x88: {  	s2 =	sld [smem:$0x3FD9]  }
0x89: {  	s3 =	sld [smem:$0x3FFE];
	_ =	sdelay $0x1  }
0x8a: {  	s1 =	srdreg.scid  }
0x8b: {  	s0 =	sand.u32 $0x1, s1  }
0x8c: {  	s17 =	sshll.u32 s0, $0xA;
	s2 =	sadd.s32 s3, s2  }
0x8d: {  	s2 =	sadd.s32 s2, s17  }
0x8e: {  	[smem:$0x3FB2] =	sst s2  }
0x8f: {  	_ = 	snop  }
0x90: {  	s2 =	sld [smem:$0x3FD0];
	(tm) =	ssettm $0x1  }
0x91: {  	s18 =	sld [smem:$0x3FFB];
	_ =	sdelay $0x3  }
0x92: {  	_ =	strace s18  }
0x93: {  	s3 =	sld [smem:$0x3FFC];
	_ =	sdelay $0x3  }
0x94: {  	_ =	strace s3  }
0x95: {  	s3 =	sld [smem:$0x3FFD];
	_ =	sdelay $0x3  }
0x96: {  	_ =	strace s3  }
0x97: {  	_ =	strace $0x8FFFFFFF  }
0x98: {  	s19 =	sld [smem:$0x3FDB];
	_ =	sdelay $0x1  }
0x99: {  	s4 =	simm.s32 $_scs_section_size  }
0x9a: {  	s5 =	simm.s32 $_size__tile_overlayer_lowered;
	s6 =	simm.s32 $_tile_overlayer_lowered  }
0x9b: {  	s22 =	simm.s32 $0x1BFF;
	s21 =	sshll.u32 s6, $0x1;
	s3 =	sadd.s32 s4, s19  }
0x9c: {  	s7 =	simm.s32 $0x0;
	s20 =	sshll.u32 s5, $0x1;
	s5 =	sadd.s32 s21, s3  }
0x9d: {  	[timem:s7], [sflag:s22] =	dma.local [hbm:s5], s20  }
0x9e: {  	_ =	swait.ge [sflag:s22], s20  }
0x9f: {  	s4 =	ssub.s32 $0x0, s20;
	[sflag:s22] =	ssyncset.done $0x0  }
0xa0: {  	[sflag:s22] =	ssyncadd.s32 s4;
	_ =	sdelay $0x1  }
0xa1: {  	s23 =	simm.s32 $0x1B8B  }
0xa2: {  	_ =	swait.ge [sflag:s23], $0x1  }
0xa3: {  	[sflag:s23] =	ssyncset.done $0x0  }
0xa4: {  	s25 =	simm.s32 $0x1B8E;
	s24 =	sld [smem:$0x3FFE];
	[sflag:s23] =	ssyncadd.s32 $0xFFFFFFFF  }
0xa5: {  	s26 =	simm.s32 $execute0_lowered;
	[smem:$0x3FD2] =	sst s25  }
0xa6: {  	s5 =	sshll.u32 s26, $0x1;
	_ =	strace $0x80000046;
	[dreg:$0x1] =	wrdreg $0xFFFFFFFF  }
0xa7: {  	s28 =	simm.s32 $_size_execute0_lowered;
	s3 =	sadd.s32 s3, s5;
	[dreg:$0x0] =	wrdreg $0x0  }
0xa8: {  	s5 =	sshll.u32 s28, $0x1;
	[dreg:$0x2] =	wrdreg s3  }
0xa9: {  	[dreg:$0x3] =	wrdreg s5  }
0xaa: {  	[dreg:$0x4] =	wrdreg $0xC0  }
0xab: {  	_ =	task [dreg:s7], $0x5FFFF  }
0xac: {  	[dreg:$0x1] =	wrdreg $0xFFFFFFFF  }
0xad: {  	[dreg:$0x0] =	wrdreg $0x60  }
0xae: {  	[dreg:$0x2] =	wrdreg s2  }
0xaf: {  	[dreg:$0x3] =	wrdreg s24  }
0xb0: {  	[dreg:$0x4] =	wrdreg $0x9  }
0xb1: {  	_ =	task.clear_ibuf [dreg:s7], $0x5FFFF;
	_ =	strace $0x90000046  }
0xb2: {  	s29 =	simm.s32 $0x9;
	_ =	strace $0x80000048  }
0xb3: {  	_ =	swait.ge [sflag:s29], $0x1  }
0xb4: {  	[sflag:s29] =	ssyncadd.s32 $0xFFFFFFFF  }
0xb5: {  	_ =	strace $0x90000048  }
0xb6: {  	_ =	sfence  }
0xb7: {  	s30 =	sld [smem:$0x0];
	_ =	sdelay $0x2  }
0xb8: {  	s31 =	sshll.u32 s1, $0xD;
	s1 =	sshrl.u32 s1, $0x2  }
0xb9: {  	s3 =	sand.u32 $0x4000, s31;
	s1 =	sadd.s32 s1, s30  }
0xba: {  	s0 =	sor.u32 s3, s0;
	s1 =	sshll.u32 s1, $0x11  }
0xbb: {  	s0 =	sor.u32 s1, s0  }
0xbc: {  	s0 =	sadd.s32 $0x8F2B, s0  }
0xbd: {  	[sflag:s0] =	ssyncadd.remote.s32 $0x1  }
0xbe: {  	_ =	sfence.sel $0xFFFF  }
0xbf: {  	[dreg:$0x0] =	wrdreg $0xFFFFFFFF;
	(pc) =	sbr.abs _section_cstart, $3  }
0xc0: {  	[dreg:$0x1] =	wrdreg $0xFFFFFFFF  }
0xc1: {  	_ =	task.clear_ibuf [dreg:s7], $0x2FFFF;
	_ =	strace $0x9FFFFFFF  }
0xc2: {  	(tm) =	ssettm $0x7FFFFFFF  }
0xc3: {  	_ =	shalt  }
tec
execute0_lowered:
.L_overlay_start_1:
0x0: {  	(tag) =	ssettag $0x1  }
0x1: {  	s1 =	srdreg.scid;
	s2 =	rddreg [dreg:$0x0]  }
0x2: {  	s0 =	stileid.u32;
	s6 =	rddreg [dreg:$0x1]  }
0x3: {  	s4 =	simm.s32 $0x0;
	s31 =	simm.s32 $0x80;
	s11 =	simm.s32 $0x1400  }
0x4: {  	s10 =	simm.s32 $0x1;
	s12 =	simm.s32 $0x5400;
	s13 =	simm.s32 $0x9400  }
0x5: {  	s14 =	simm.s32 $0xD400;
	s15 =	simm.s32 $0x6;
	s16 =	simm.s32 $0x7  }
0x6: {  	s17 =	simm.s32 $0x8;
	s18 =	simm.s32 $0x9;
	s19 =	simm.s32 $0xA  }
0x7: {  	s20 =	simm.s32 $0x0;
	s5 =	sand.u32 $0x1, s1;
	[smem:$0x7FF] =	sst s4  }
0x8: {  	s29 =	sshll.u32 s0, $0x1;
	_ =	strace $0x80000047;
	[dreg:$0x3] =	wrdreg s31  }
0x9: {  	s1 =	sor.u32 s5, s29;
	s8 =	ssub.s32 $0x2, s5;
	[dreg:$0x4] =	wrdreg s11  }
0xa: {  	s5 =	sadd.s32 $0x8800, s6;
	[dreg:$0x5] =	wrdreg s12;
	s3 =	smul.u32 $0x1400, s1  }
0xb: {  	s11 =	simm.s32 $0x2;
	s12 =	simm.s32 $0x3;
	[dreg:$0x6] =	wrdreg s13  }
0xc: {  	s13 =	simm.s32 $0x4;
	[dreg:$0x7] =	wrdreg s14;
	s7 =	sshrl.u32 s3, $0x3  }
0xd: {  	s14 =	simm.s32 $0x5;
	s9 =	sshrl.u32 s8, $0x1;
	s7 =	sadd.s32 s7, s6  }
0xe: {  	s8 =	ssub.s32 s8, s9;
	s9 =	simm.s32 $0x11400;
	s30 =	sadd.s32 $0x3800, s7  }
0xf: {  	s7 =	smax.u32 s8, $0x1;
	s8 =	simm.s32 $0xB;
	[dreg:$0x8] =	wrdreg s30  }
.LBB2_1:
0x10: {  	s0 =	rddreg [dreg:$0x8]  }
0x11: {  	[tilespmem:s4], [sflag:$0xB] =	stream.linear.gather [hbm4b:s0+s4], $0x1400, $0x38;
	[tilespmem:$0x15400] =	vst v63  }
0x12: {  	_ =	swait.ge [sflag:s8], $0x1400  }
0x13: {  	p0 =	por $0x0, $0x0;
	[sflag:s8] =	ssyncset.done $0x0  }
0x14: {  	s21 =	simm.s32 @p0 $0x6;
	[sflag:s8] =	ssyncadd.s32 $0xFFFFEC00  }
0x15: {  	_ =	swait.ge @p0 [sflag:s21], $0x4000  }
0x16: {  	s22 =	simm.s32 @p0 $0x0;
	s23 =	simm.s32 @p0 $0x80;
	[sflag:s21] =	ssyncset.done @p0 $0x0  }
0x17: {  	s24 =	simm.s32 @p0 $0x7;
	[sflag:s21] =	ssyncadd.s32 @p0 $0xFFFFC000;
	s21 =	simm.s32 @p0 $0x1400  }
0x18: {  	[tilespmem:s21], [sflag:$0x1] =	stream.indirect.gather @p0 [hbm4b:s2+s23], $0x80, s22, s23, $0xb8;
	[tilespmem:$0x15400] =	vst v63  }
0x19: {  	_ =	swait.ge @p0 [sflag:s24], $0x4000  }
0x1a: {  	s21 =	simm.s32 @p0 $0x80;
	[sflag:s24] =	ssyncset.done @p0 $0x0  }
0x1b: {  	s22 =	simm.s32 @p0 $0x5400;
	[sflag:s24] =	ssyncadd.s32 @p0 $0xFFFFC000;
	s24 =	simm.s32 @p0 $0x8  }
0x1c: {  	[tilespmem:s22], [sflag:$0x2] =	stream.indirect.gather @p0 [hbm4b:s2+s23], $0x80, s21, s23, $0xb8;
	[tilespmem:$0x15400] =	vst v63  }
0x1d: {  	_ =	swait.ge @p0 [sflag:s24], $0x4000  }
0x1e: {  	s21 =	simm.s32 @p0 $0x100;
	[sflag:s24] =	ssyncset.done @p0 $0x0  }
0x1f: {  	s22 =	simm.s32 @p0 $0x9400;
	[sflag:s24] =	ssyncadd.s32 @p0 $0xFFFFC000;
	s24 =	simm.s32 @p0 $0x9  }
0x20: {  	[tilespmem:s22], [sflag:$0x3] =	stream.indirect.gather @p0 [hbm4b:s2+s23], $0x80, s21, s23, $0xb8;
	[tilespmem:$0x15400] =	vst v63  }
0x21: {  	_ =	swait.ge @p0 [sflag:s24], $0x4000  }
0x22: {  	s25 =	simm.s32 @p0 $0xA;
	[sflag:s24] =	ssyncset.done @p0 $0x0  }
0x23: {  	s21 =	simm.s32 $0x180;
	s22 =	simm.s32 @p0 $0xD400;
	[sflag:s24] =	ssyncadd.s32 @p0 $0xFFFFC000  }
0x24: {  	[tilespmem:s22], [sflag:$0x4] =	stream.indirect.gather @p0 [hbm4b:s2+s23], $0x80, s21, s23, $0xb8;
	[tilespmem:$0x15400] =	vst v63  }
0x25: {  	_ =	swait.ge @p0 [sflag:s25], $0x4000  }
0x26: {  	s21 =	simm.s32 @!p0 $0x80;
	[sflag:s25] =	ssyncset.done @p0 $0x0  }
0x27: {  	s22 =	simm.s32 @!p0 $0x0;
	s23 =	simm.s32 @!p0 $0x1400;
	[sflag:s25] =	ssyncadd.s32 @p0 $0xFFFFC000  }
0x28: {  	[tilespmem:s23], [sflag:$0x1] =	stream.indirect.gather @!p0 [hbm4b:s2+s21], $0x80, s22, s21, $0xb8;
	[tilespmem:$0x15400] =	vst v63  }
0x29: {  	s23 =	simm.s32 @!p0 $0x5400  }
0x2a: {  	[tilespmem:s23], [sflag:$0x2] =	stream.indirect.gather @!p0 [hbm4b:s2+s21], $0x80, s21, s21, $0xb8;
	[tilespmem:$0x15400] =	vst v63  }
0x2b: {  	s24 =	simm.s32 @!p0 $0x9400;
	s22 =	simm.s32 @p0 $0x0;
	s23 =	simm.s32 @!p0 $0x100  }
0x2c: {  	[tilespmem:s24], [sflag:$0x3] =	stream.indirect.gather @!p0 [hbm4b:s2+s21], $0x80, s23, s21, $0xb8;
	[tilespmem:$0x15400] =	vst v63  }
0x2d: {  	s22 =	simm.s32 @!p0 $0x0;
	s23 =	simm.s32 @!p0 $0x180;
	s24 =	simm.s32 @!p0 $0xD400  }
0x2e: {  	[tilespmem:s24], [sflag:$0x4] =	stream.indirect.gather @!p0 [hbm4b:s2+s21], $0x80, s23, s21, $0xb8;
	[tilespmem:$0x15400] =	vst v63  }
0x2f: {  	s29 =	rddreg [dreg:$0x3];
	s30 =	sadd.s32 s3, s22;
	s24 =	sadd.s32 $0x200, s22  }
0x30: {  	[tilespmem:s9], [sflag:$0x5] =	stream.indirect.gather [hbm4b:s2+s29], $0x80, s24, s29, $0xb8;
	[tilespmem:$0x15400] =	vst v63  }
0x31: {  	s21 =	sshll.u32 s30, $0x4;
	s23 =	simm.s32 @p0 $0x80;
	_ =	swait.ge [sflag:s10], $0x4000  }
0x32: {  	s22 =	simm.s32 $0x400;
	s21 =	sadd.s32 s5, s21;
	[sflag:s10] =	ssyncset.done $0x0  }
0x33: {  	s23 =	simm.s32 @!p0 $0x80;
	s0 =	rddreg [dreg:$0x4];
	[sflag:s10] =	ssyncadd.s32 $0xFFFFC000  }
0x34: {  	[hbm4b:s21+s4] =	stream.linear.scatter [tilespmem:s0], [sflag:$0x6], $0x4000, $0x38;
	[tilespmem:$0x15400] =	vst v63  }
0x35: {  	s1 =	sadd.s32 s3, s23;
	s23 =	simm.s32 @p0 $0x100;
	_ =	swait.ge [sflag:s11], $0x4000  }
0x36: {  	s23 =	simm.s32 @!p0 $0x100;
	s21 =	sshll.u32 s1, $0x4;
	[sflag:s11] =	ssyncset.done $0x0  }
0x37: {  	s21 =	sadd.s32 s5, s21;
	s6 =	rddreg [dreg:$0x5];
	[sflag:s11] =	ssyncadd.s32 $0xFFFFC000  }
0x38: {  	[hbm4b:s21+s4] =	stream.linear.scatter [tilespmem:s6], [sflag:$0x7], $0x4000, $0x38;
	[tilespmem:$0x15400] =	vst v63  }
0x39: {  	s25 =	sadd.s32 s3, s23;
	s23 =	simm.s32 $0x180;
	_ =	swait.ge [sflag:s12], $0x4000  }
0x3a: {  	s23 =	simm.s32 @!p0 $0x180;
	s21 =	sshll.u32 s25, $0x4;
	[sflag:s12] =	ssyncset.done $0x0  }
0x3b: {  	s21 =	sadd.s32 s5, s21;
	s26 =	rddreg [dreg:$0x6];
	[sflag:s12] =	ssyncadd.s32 $0xFFFFC000  }
0x3c: {  	[hbm4b:s21+s4] =	stream.linear.scatter [tilespmem:s26], [sflag:$0x8], $0x4000, $0x38;
	[tilespmem:$0x15400] =	vst v63  }
0x3d: {  	s30 =	sadd.s32 s3, s24;
	s28 =	sadd.s32 s3, s23;
	_ =	swait.ge [sflag:s13], $0x4000  }
0x3e: {  	s31 =	sshll.u32 s30, $0x4;
	s21 =	sshll.u32 s28, $0x4;
	[sflag:s13] =	ssyncset.done $0x0  }
0x3f: {  	s21 =	sadd.s32 s5, s21;
	s29 =	rddreg [dreg:$0x7];
	[sflag:s13] =	ssyncadd.s32 $0xFFFFC000  }
0x40: {  	[hbm4b:s21+s4] =	stream.linear.scatter [tilespmem:s29], [sflag:$0x9], $0x4000, $0x38;
	[tilespmem:$0x15400] =	vst v63  }
0x41: {  	p0 =	por $0x1, $0x1;
	s23 =	simm.s32 $0x680;
	s21 =	simm.s32 $0x400  }
.LBB2_2:
0x42: {  	_ =	swait.ge [sflag:s14], $0x4000  }
0x43: {  	s26 =	simm.s32 @p0 $0x6;
	s24 =	sadd.s32 @p0 $0xFFFFFE80, s21;
	[sflag:s14] =	ssyncset.done $0x0  }
0x44: {  	s25 =	sadd.s32 s5, s31;
	s24 =	simm.s32 @!p0 $0x0;
	[sflag:s14] =	ssyncadd.s32 $0xFFFFC000  }
0x45: {  	[hbm4b:s25+s4] =	stream.linear.scatter [tilespmem:s9], [sflag:$0xA], $0x4000, $0x38;
	[tilespmem:$0x15400] =	vst v63  }
0x46: {  	s31 =	sadd.s32 @p0 $0xFFFFFE80, s22;
	s30 =	sadd.s32 s3, s24;
	_ =	swait.ge @p0 [sflag:s26], $0x4000  }
0x47: {  	s1 =	simm.s32 @p0 $0x80;
	s25 =	sshll.u32 s30, $0x4;
	[sflag:s26] =	ssyncset.done @p0 $0x0  }
0x48: {  	s30 =	simm.s32 @p0 $0x7;
	[sflag:s26] =	ssyncadd.s32 @p0 $0xFFFFC000;
	s26 =	simm.s32 @p0 $0x1400  }
0x49: {  	[tilespmem:s26], [sflag:$0x1] =	stream.indirect.gather @p0 [hbm4b:s2+s1], $0x80, s31, s1, $0xb8;
	[tilespmem:$0x15400] =	vst v63  }
0x4a: {  	s28 =	sadd.s32 @p0 $0xFFFFFF00, s21;
	s0 =	simm.s32 @p0 $0x5400;
	_ =	swait.ge @p0 [sflag:s30], $0x4000  }
0x4b: {  	s28 =	simm.s32 @!p0 $0x80;
	s31 =	sadd.s32 @p0 $0xFFFFFF00, s22;
	[sflag:s30] =	ssyncset.done @p0 $0x0  }
0x4c: {  	s26 =	sadd.s32 s3, s28;
	s28 =	simm.s32 @p0 $0x8;
	[sflag:s30] =	ssyncadd.s32 @p0 $0xFFFFC000  }
0x4d: {  	[tilespmem:s0], [sflag:$0x2] =	stream.indirect.gather @p0 [hbm4b:s2+s1], $0x80, s31, s1, $0xb8;
	[tilespmem:$0x15400] =	vst v63  }
0x4e: {  	_ =	swait.ge @p0 [sflag:s28], $0x4000  }
0x4f: {  	s30 =	simm.s32 @p0 $0x9400;
	[sflag:s28] =	ssyncset.done @p0 $0x0  }
0x50: {  	s0 =	sadd.s32 @p0 $0xFFFFFF80, s22;
	[sflag:s28] =	ssyncadd.s32 @p0 $0xFFFFC000;
	s28 =	simm.s32 @p0 $0x9  }
0x51: {  	[tilespmem:s30], [sflag:$0x3] =	stream.indirect.gather @p0 [hbm4b:s2+s1], $0x80, s0, s1, $0xb8;
	[tilespmem:$0x15400] =	vst v63  }
0x52: {  	s6 =	sadd.s32 @p0 $0xFFFFFF80, s21;
	_ =	swait.ge @p0 [sflag:s28], $0x4000  }
0x53: {  	s6 =	simm.s32 @!p0 $0x100;
	[sflag:s28] =	ssyncset.done @p0 $0x0  }
0x54: {  	s31 =	simm.s32 @p0 $0xA;
	s0 =	simm.s32 @p0 $0xD400;
	[sflag:s28] =	ssyncadd.s32 @p0 $0xFFFFC000  }
0x55: {  	[tilespmem:s0], [sflag:$0x4] =	stream.indirect.gather @p0 [hbm4b:s2+s1], $0x80, s22, s1, $0xb8;
	[tilespmem:$0x15400] =	vst v63  }
0x56: {  	s6 =	sadd.s32 s3, s6;
	_ =	swait.ge @p0 [sflag:s31], $0x4000  }
0x57: {  	s30 =	sshll.u32 s6, $0x4;
	s6 =	simm.s32 @!p0 $0x1400;
	[sflag:s31] =	ssyncset.done @p0 $0x0  }
0x58: {  	s0 =	simm.s32 @!p0 $0x80;
	s1 =	simm.s32 @!p0 $0x0;
	[sflag:s31] =	ssyncadd.s32 @p0 $0xFFFFC000  }
0x59: {  	[tilespmem:s6], [sflag:$0x1] =	stream.indirect.gather @!p0 [hbm4b:s2+s0], $0x80, s1, s0, $0xb8;
	[tilespmem:$0x15400] =	vst v63  }
0x5a: {  	s29 =	smov.u32 s23;
	s21 =	simm.s32 @!p0 $0x180;
	s1 =	simm.s32 @!p0 $0x5400  }
0x5b: {  	[tilespmem:s1], [sflag:$0x2] =	stream.indirect.gather @!p0 [hbm4b:s2+s0], $0x80, s0, s0, $0xb8;
	[tilespmem:$0x15400] =	vst v63  }
0x5c: {  	s21 =	sadd.s32 s3, s21;
	s6 =	simm.s32 @!p0 $0x9400;
	s1 =	simm.s32 @!p0 $0x100  }
0x5d: {  	[tilespmem:s6], [sflag:$0x3] =	stream.indirect.gather @!p0 [hbm4b:s2+s0], $0x80, s1, s0, $0xb8;
	[tilespmem:$0x15400] =	vst v63  }
0x5e: {  	s28 =	sshll.u32 s21, $0x4;
	s1 =	simm.s32 @!p0 $0x180;
	s6 =	simm.s32 @!p0 $0xD400  }
0x5f: {  	[tilespmem:s6], [sflag:$0x4] =	stream.indirect.gather @!p0 [hbm4b:s2+s0], $0x80, s1, s0, $0xb8;
	[tilespmem:$0x15400] =	vst v63  }
0x60: {  	s21 =	smov.u32 s29;
	s29 =	rddreg [dreg:$0x3];
	s6 =	sadd.s32 $0x200, s24  }
0x61: {  	[tilespmem:s9], [sflag:$0x5] =	stream.indirect.gather [hbm4b:s2+s29], $0x80, s6, s29, $0xb8;
	[tilespmem:$0x15400] =	vst v63  }
0x62: {  	_ =	swait.ge [sflag:s10], $0x4000  }
0x63: {  	[sflag:s10] =	ssyncset.done $0x0  }
0x64: {  	s29 =	sadd.s32 s5, s25;
	s24 =	rddreg [dreg:$0x4];
	[sflag:s10] =	ssyncadd.s32 $0xFFFFC000  }
0x65: {  	[hbm4b:s29+s4] =	stream.linear.scatter [tilespmem:s24], [sflag:$0x6], $0x4000, $0x38;
	[tilespmem:$0x15400] =	vst v63  }
0x66: {  	_ =	swait.ge [sflag:s11], $0x4000  }
0x67: {  	s26 =	sshll.u32 s26, $0x4;
	s0 =	sadd.s32 s3, s6;
	[sflag:s11] =	ssyncset.done $0x0  }
0x68: {  	s24 =	sadd.s32 s5, s26;
	s6 =	rddreg [dreg:$0x5];
	[sflag:s11] =	ssyncadd.s32 $0xFFFFC000  }
0x69: {  	[hbm4b:s24+s4] =	stream.linear.scatter [tilespmem:s6], [sflag:$0x7], $0x4000, $0x38;
	[tilespmem:$0x15400] =	vst v63  }
0x6a: {  	s23 =	sadd.s32 $0x280, s23;
	_ =	swait.ge [sflag:s12], $0x4000  }
0x6b: {  	p1 =	sne.s32 s23, $0x1580;
	[sflag:s12] =	ssyncset.done $0x0  }
0x6c: {  	s26 =	sadd.s32 s5, s30;
	s25 =	rddreg [dreg:$0x6];
	[sflag:s12] =	ssyncadd.s32 $0xFFFFC000  }
0x6d: {  	[hbm4b:s26+s4] =	stream.linear.scatter [tilespmem:s25], [sflag:$0x8], $0x4000, $0x38;
	[tilespmem:$0x15400] =	vst v63  }
.Ltmp0:
0x6e: {  	_ = 	snop;
	(pc) =	sbr.rel @p1 .LBB2_2-.Ltmp0, $4  }
0x6f: {  	s22 =	sadd.s32 $0x280, s22;
	_ =	swait.ge [sflag:s13], $0x4000  }
0x70: {  	p0 =	sne.s32 s21, $0x180;
	s31 =	sshll.u32 s0, $0x4;
	[sflag:s13] =	ssyncset.done $0x0  }
0x71: {  	s30 =	sadd.s32 s5, s28;
	s29 =	rddreg [dreg:$0x7];
	[sflag:s13] =	ssyncadd.s32 $0xFFFFC000  }
0x72: {  	[hbm4b:s30+s4] =	stream.linear.scatter [tilespmem:s29], [sflag:$0x9], $0x4000, $0x38;
	[tilespmem:$0x15400] =	vst v63  }
0x73: {  	_ =	swait.ge [sflag:s14], $0x4000  }
0x74: {  	[sflag:s14] =	ssyncset.done $0x0  }
0x75: {  	s0 =	simm.s32 @p0 $0x6;
	s1 =	sadd.s32 s5, s31;
	[sflag:s14] =	ssyncadd.s32 $0xFFFFC000  }
0x76: {  	[hbm4b:s1+s4] =	stream.linear.scatter [tilespmem:s9], [sflag:$0xA], $0x4000, $0x38;
	[tilespmem:$0x15400] =	vst v63  }
0x77: {  	_ =	swait.ge @p0 [sflag:s0], $0x4000  }
0x78: {  	s6 =	simm.s32 @p0 $0x80;
	[sflag:s0] =	ssyncset.done @p0 $0x0  }
0x79: {  	s1 =	sadd.s32 @p0 $0xFFFFFE80, s22;
	[sflag:s0] =	ssyncadd.s32 @p0 $0xFFFFC000;
	s0 =	simm.s32 @p0 $0x1400  }
0x7a: {  	[tilespmem:s0], [sflag:$0x1] =	stream.indirect.gather @p0 [hbm4b:s2+s6], $0x80, s1, s6, $0xb8;
	[tilespmem:$0x15400] =	vst v63  }
0x7b: {  	s0 =	simm.s32 @p0 $0x7  }
0x7c: {  	_ =	swait.ge @p0 [sflag:s0], $0x4000  }
0x7d: {  	[sflag:s0] =	ssyncset.done @p0 $0x0  }
0x7e: {  	s1 =	sadd.s32 @p0 $0xFFFFFF00, s22;
	[sflag:s0] =	ssyncadd.s32 @p0 $0xFFFFC000;
	s0 =	simm.s32 @p0 $0x5400  }
0x7f: {  	[tilespmem:s0], [sflag:$0x2] =	stream.indirect.gather @p0 [hbm4b:s2+s6], $0x80, s1, s6, $0xb8;
	[tilespmem:$0x15400] =	vst v63  }
0x80: {  	s0 =	simm.s32 @p0 $0x8  }
0x81: {  	_ =	swait.ge @p0 [sflag:s0], $0x4000  }
0x82: {  	[sflag:s0] =	ssyncset.done @p0 $0x0  }
0x83: {  	s1 =	sadd.s32 @p0 $0xFFFFFF80, s22;
	[sflag:s0] =	ssyncadd.s32 @p0 $0xFFFFC000;
	s0 =	simm.s32 @p0 $0x9400  }
0x84: {  	[tilespmem:s0], [sflag:$0x3] =	stream.indirect.gather @p0 [hbm4b:s2+s6], $0x80, s1, s6, $0xb8;
	[tilespmem:$0x15400] =	vst v63  }
0x85: {  	s0 =	simm.s32 @p0 $0x9  }
0x86: {  	_ =	swait.ge @p0 [sflag:s0], $0x4000  }
0x87: {  	[sflag:s0] =	ssyncset.done @p0 $0x0  }
0x88: {  	[sflag:s0] =	ssyncadd.s32 @p0 $0xFFFFC000;
	s0 =	simm.s32 @p0 $0xD400  }
0x89: {  	[tilespmem:s0], [sflag:$0x4] =	stream.indirect.gather @p0 [hbm4b:s2+s6], $0x80, s22, s6, $0xb8;
	[tilespmem:$0x15400] =	vst v63  }
0x8a: {  	s0 =	simm.s32 @p0 $0xA  }
0x8b: {  	_ =	swait.ge @p0 [sflag:s0], $0x4000  }
0x8c: {  	s1 =	simm.s32 @!p0 $0x80;
	[sflag:s0] =	ssyncset.done @p0 $0x0  }
0x8d: {  	s6 =	simm.s32 @!p0 $0x0;
	[sflag:s0] =	ssyncadd.s32 @p0 $0xFFFFC000;
	s0 =	simm.s32 @!p0 $0x1400  }
0x8e: {  	[tilespmem:s0], [sflag:$0x1] =	stream.indirect.gather @!p0 [hbm4b:s2+s1], $0x80, s6, s1, $0xb8;
	[tilespmem:$0x15400] =	vst v63  }
0x8f: {  	s0 =	simm.s32 @!p0 $0x5400  }
0x90: {  	[tilespmem:s0], [sflag:$0x2] =	stream.indirect.gather @!p0 [hbm4b:s2+s1], $0x80, s1, s1, $0xb8;
	[tilespmem:$0x15400] =	vst v63  }
0x91: {  	s6 =	simm.s32 @!p0 $0x9400;
	s0 =	simm.s32 @!p0 $0x100  }
0x92: {  	[tilespmem:s6], [sflag:$0x3] =	stream.indirect.gather @!p0 [hbm4b:s2+s1], $0x80, s0, s1, $0xb8;
	[tilespmem:$0x15400] =	vst v63  }
0x93: {  	s0 =	simm.s32 @!p0 $0x180;
	s6 =	simm.s32 @!p0 $0xD400  }
0x94: {  	[tilespmem:s6], [sflag:$0x4] =	stream.indirect.gather @!p0 [hbm4b:s2+s1], $0x80, s0, s1, $0xb8;
	[tilespmem:$0x15400] =	vst v63  }
0x95: {  	s0 =	sadd.s32 @p0 $0xFFFFFE80, s21  }
0x96: {  	s0 =	simm.s32 @!p0 $0x0  }
0x97: {  	s23 =	rddreg [dreg:$0x3];
	s24 =	sadd.s32 $0x200, s0  }
0x98: {  	[tilespmem:s9], [sflag:$0x5] =	stream.indirect.gather [hbm4b:s2+s23], $0x80, s24, s23, $0xb8;
	[tilespmem:$0x15400] =	vst v63  }
0x99: {  	s0 =	sadd.s32 s3, s0;
	_ =	swait.ge [sflag:s10], $0x4000  }
0x9a: {  	s0 =	sshll.u32 s0, $0x4;
	[sflag:s10] =	ssyncset.done $0x0  }
0x9b: {  	s0 =	sadd.s32 s5, s0;
	s25 =	rddreg [dreg:$0x4];
	[sflag:s10] =	ssyncadd.s32 $0xFFFFC000  }
0x9c: {  	[hbm4b:s0+s4] =	stream.linear.scatter [tilespmem:s25], [sflag:$0x6], $0x4000, $0x38;
	[tilespmem:$0x15400] =	vst v63  }
0x9d: {  	s0 =	sadd.s32 @p0 $0xFFFFFF00, s21  }
0x9e: {  	s0 =	simm.s32 @!p0 $0x80  }
0x9f: {  	_ =	swait.ge [sflag:s11], $0x4000;
	s0 =	sadd.s32 s3, s0  }
0xa0: {  	[sflag:s11] =	ssyncset.done $0x0;
	s0 =	sshll.u32 s0, $0x4  }
0xa1: {  	s26 =	rddreg [dreg:$0x5];
	[sflag:s11] =	ssyncadd.s32 $0xFFFFC000;
	s0 =	sadd.s32 s5, s0  }
0xa2: {  	[hbm4b:s0+s4] =	stream.linear.scatter [tilespmem:s26], [sflag:$0x7], $0x4000, $0x38;
	[tilespmem:$0x15400] =	vst v63  }
0xa3: {  	s0 =	sadd.s32 @p0 $0xFFFFFF80, s21  }
0xa4: {  	s0 =	simm.s32 @!p0 $0x100  }
0xa5: {  	_ =	swait.ge [sflag:s12], $0x4000;
	s0 =	sadd.s32 s3, s0  }
0xa6: {  	s21 =	simm.s32 @!p0 $0x180;
	[sflag:s12] =	ssyncset.done $0x0;
	s0 =	sshll.u32 s0, $0x4  }
0xa7: {  	s28 =	rddreg [dreg:$0x6];
	[sflag:s12] =	ssyncadd.s32 $0xFFFFC000;
	s0 =	sadd.s32 s5, s0  }
0xa8: {  	[hbm4b:s0+s4] =	stream.linear.scatter [tilespmem:s28], [sflag:$0x8], $0x4000, $0x38;
	[tilespmem:$0x15400] =	vst v63  }
0xa9: {  	s29 =	sadd.s32 s3, s21;
	_ =	swait.ge [sflag:s13], $0x4000  }
0xaa: {  	s0 =	sshll.u32 s29, $0x4;
	[sflag:s13] =	ssyncset.done $0x0  }
0xab: {  	s0 =	sadd.s32 s5, s0;
	s30 =	rddreg [dreg:$0x7];
	[sflag:s13] =	ssyncadd.s32 $0xFFFFC000  }
0xac: {  	[hbm4b:s0+s4] =	stream.linear.scatter [tilespmem:s30], [sflag:$0x9], $0x4000, $0x38;
	[tilespmem:$0x15400] =	vst v63  }
0xad: {  	s31 =	sadd.s32 s3, s24;
	_ =	swait.ge [sflag:s14], $0x4000  }
0xae: {  	s0 =	sshll.u32 s31, $0x4;
	[sflag:s14] =	ssyncset.done $0x0  }
0xaf: {  	s0 =	sadd.s32 s5, s0;
	[sflag:s14] =	ssyncadd.s32 $0xFFFFC000  }
0xb0: {  	[hbm4b:s0+s4] =	stream.linear.scatter [tilespmem:s9], [sflag:$0xA], $0x4000, $0x38;
	[tilespmem:$0x15400] =	vst v63  }
0xb1: {  	_ =	swait.ge [sflag:s15], $0x4000  }
0xb2: {  	[sflag:s15] =	ssyncset.done $0x0  }
0xb3: {  	[sflag:s15] =	ssyncadd.s32 $0xFFFFC000  }
0xb4: {  	_ =	swait.ge [sflag:s16], $0x4000  }
0xb5: {  	[sflag:s16] =	ssyncset.done $0x0  }
0xb6: {  	[sflag:s16] =	ssyncadd.s32 $0xFFFFC000  }
0xb7: {  	_ =	swait.ge [sflag:s17], $0x4000  }
0xb8: {  	[sflag:s17] =	ssyncset.done $0x0  }
0xb9: {  	s20 =	sadd.s32 $0x1, s20;
	[sflag:s17] =	ssyncadd.s32 $0xFFFFC000  }
0xba: {  	p0 =	sne.s32 s20, s7;
	_ =	swait.ge [sflag:s18], $0x4000  }
.Ltmp1:
0xbb: {  	[sflag:s18] =	ssyncset.done $0x0;
	(pc) =	sbr.rel @p0 .LBB2_1-.Ltmp1, $4  }
0xbc: {  	[sflag:s18] =	ssyncadd.s32 $0xFFFFC000  }
0xbd: {  	_ =	swait.ge [sflag:s19], $0x4000  }
0xbe: {  	[sflag:s19] =	ssyncset.done $0x0  }
0xbf: {  	[sflag:s19] =	ssyncadd.s32 $0xFFFFC000  }
0xc0: {  	_ =	sfence.sel $0x180000  }
0xc1: {  	[bflag:$0x0] =	sbarrier.arrive $0xFFFF  }
0xc2: {  	_ =	strace $0x90000047  }
0xc3: {  	s0 =	stileid.u32;
	[bflag:$0x2] =	sbarrier.arrive $0xFFFF  }
0xc4: {  	p0 =	sne.s32 s0, $0x0;
	s0 =	rddreg [dreg:$0x2]  }
0xc5: {  	s0 =	sadd.s32 @!p0 $0x100000, s0  }
0xc6: {  	[sflag:s0] =	ssyncadd.tile.s32 @!p0 $0x1;
	_ =	shalt  }
.Lfunc_end2:
_tile_overlayer_lowered:
.L_overlay_start_2:
0xc7: {  	(tag) =	ssettag $0x2  }
0xc8: {  	s0 =	rddreg [dreg:$0x0];
	s2 =	stileid.u32  }
0xc9: {  	s1 =	rddreg [dreg:$0x1];
	p0 =	sne.s32 s2, $0x0  }
0xca: {  	s3 =	rddreg [dreg:$0x2];
	[bflag:$0x3] =	sbarrier.arrive $0xFFFF;
	s2 =	simm.s32 @!p0 $0x1C0B  }
0xcb: {  	[timem:s3], [sflag:s2] =	dma.local @!p0 [hbm:s0], s1  }
0xcc: {  	s0 =	simm.s32 @!p0 $0xB  }
0xcd: {  	_ =	swait.ge @!p0 [sflag:s0], s1  }
0xce: {  	s1 =	ssub.s32 @!p0 $0x0, s1;
	[sflag:s0] =	ssyncset.done @!p0 $0x0  }
0xcf: {  	[sflag:s0] =	ssyncadd.s32 @!p0 s1  }
0xd0: {  	[bflag:$0x3] =	sbarrier.arrive $0xFFFF  }
0xd1: {  	_ =	shalt  }

</sc_bundles>
